<compile_context>
chip_gen: v7x
topology: tpu7x:2x2x1
jax: 0.10.2.dev20260603
libtpu: 0.0.44.dev20260713+nightly
codegen_flags: <defaults>
</compile_context>

<pallas_src>
import functools

import jax
import jax.numpy as jnp
from jax import lax
from jax.experimental import pallas as pl
from jax.experimental.pallas import tpu as pltpu
from jax.experimental.pallas import tpu_sc as plsc

VOCAB = 1000000
DIM = 128
RANK = 32
BATCH = 4096
SEQ = 200
N_TOK = BATCH * SEQ

P = 4
N_SL = N_TOK // P
L_SL = N_SL // 4

_info = plsc.get_sparse_core_info()
NC, NS = _info.num_cores, _info.num_subcores
NW = NC * NS
TOK_PER_W = N_SL // NW
CHUNK_T = 1600
CHUNK_L = CHUNK_T // 4
N_CHUNKS = TOK_PER_W // CHUNK_T

_sc_mesh = plsc.VectorSubcoreMesh(core_axis_name="c", subcore_axis_name="s")


@functools.partial(
    pl.kernel,
    mesh=_sc_mesh,
    out_type=jax.ShapeDtypeStruct((L_SL, 128), jnp.float32),
    scratch_types=[
        pltpu.VMEM((CHUNK_T,), jnp.int32),
        pltpu.VMEM((CHUNK_T, RANK), jnp.float32),
        pltpu.SemaphoreType.DMA,
    ],
    compiler_params=pltpu.CompilerParams(use_tc_tiling_on_sc=False),
)
def _sc_gather(table_hbm, idx_hbm, out_hbm, idx_v, rows_v, sem):
    wid = lax.axis_index("s") * NC + lax.axis_index("c")
    tbase = wid * TOK_PER_W
    lbase = wid * (TOK_PER_W // 4)

    def chunk_body(c, carry):
        toff = tbase + c * CHUNK_T
        loff = lbase + c * CHUNK_L
        pltpu.sync_copy(idx_hbm.at[pl.ds(toff, CHUNK_T)], idx_v)
        copies = [
            pltpu.async_copy(
                table_hbm.at[idx_v.at[pl.ds(CHUNK_L * a, CHUNK_L)]],
                rows_v.at[pl.ds(CHUNK_L * a, CHUNK_L)],
                sem,
            )
            for a in range(4)
        ]
        for cp in copies:
            cp.wait()
        for a in range(4):
            pltpu.sync_copy(
                rows_v.at[pl.ds(CHUNK_L * a, CHUNK_L)],
                out_hbm.at[pl.ds(loff, CHUNK_L), pl.ds(RANK * a, RANK)],
            )
        return carry

    lax.fori_loop(0, N_CHUNKS, chunk_body, 0)


CH_PER_STEP = 16
STEP_L = CH_PER_STEP * CHUNK_L
STEP_T = CH_PER_STEP * CHUNK_T
STEP_B = STEP_T // SEQ
STEPS_PER_SLICE = N_SL // STEP_T


def _mm_compute(u4_ref, w_ref, o_ref):
    w = w_ref[...]
    outs = []
    for g in range(CH_PER_STEP):
        u = u4_ref[pl.ds(CHUNK_L * g, CHUNK_L), :].astype(jnp.bfloat16)
        p = jnp.dot(u, w, preferred_element_type=jnp.float32)
        outs.extend(p[:, DIM * a:DIM * (a + 1)] for a in range(4))
    o_ref[...] = jnp.concatenate(outs, axis=0).reshape(STEP_B, SEQ, DIM)


def _mm_first(u4_ref, w_ref, o_ref):
    _mm_compute(u4_ref, w_ref, o_ref)


def _mm_next(u4_ref, w_ref, prev_ref, o_ref):
    del prev_ref
    _mm_compute(u4_ref, w_ref, o_ref)


def kernel(token_ids, U, V):
    ids = token_ids.reshape(-1).astype(jnp.int32)
    w = jnp.kron(jnp.eye(4, dtype=jnp.float32), V).astype(jnp.bfloat16)
    out_shape = jax.ShapeDtypeStruct((BATCH, SEQ, DIM), jnp.float32)

    u4s = [
        _sc_gather(U, lax.slice_in_dim(ids, p * N_SL, (p + 1) * N_SL))
        for p in range(P)
    ]

    def out_spec(p):
        return pl.BlockSpec(
            (STEP_B, SEQ, DIM),
            lambda i, p=p: (STEPS_PER_SLICE * p + i, 0, 0),
        )

    in_specs = [
        pl.BlockSpec((STEP_L, 128), lambda i: (i, 0)),
        pl.BlockSpec((128, 4 * DIM), lambda i: (0, 0)),
    ]

    out = pl.pallas_call(
        _mm_first,
        grid=(STEPS_PER_SLICE,),
        in_specs=in_specs,
        out_specs=out_spec(0),
        out_shape=out_shape,
    )(u4s[0], w)

    for p in range(1, P):
        out = pl.pallas_call(
            _mm_next,
            grid=(STEPS_PER_SLICE,),
            in_specs=in_specs + [pl.BlockSpec(memory_space=pl.ANY)],
            out_specs=out_spec(p),
            out_shape=out_shape,
            input_output_aliases={2: 0},
        )(u4s[p], w, out)

    return out

# --- scband reference (transcript-rebuilt; emitter-appended) ---
"""Pipeline reference for scband-factored-vocab-embedding-82497731821671 (READ-ONLY COPY).

The authoritative reference and input builder live on the scoring server;
editing this copy changes nothing except your own understanding.
"""

import jax, jax.numpy as jnp
import numpy as np

VOCAB = 1000000
DIM = 128
RANK = 32
BATCH = 4096
SEQ = 200

def setup_inputs(seed: int = 0) -> dict:
    key = jax.random.key(seed)
    k1, k2, k3 = jax.random.split(key, 3)
    token_ids = jax.random.randint(k1, (BATCH, SEQ), 0, VOCAB, dtype=jnp.int64 if jax.config.jax_enable_x64 else jnp.int32)
    # U: glorot_uniform over (vocab, rank)
    limit = np.sqrt(6.0 / (VOCAB + RANK))
    U = jax.random.uniform(k2, (VOCAB, RANK), minval=-limit, maxval=limit, dtype=jnp.float32)
    # V: approximate orthogonal init via QR of a gaussian (rank x dim)
    g = jax.random.normal(k3, (DIM, RANK), dtype=jnp.float32)
    q, _ = jnp.linalg.qr(g)
    V = q.T.astype(jnp.float32)  # [rank, dim], rows orthonormal
    return {"token_ids": token_ids, "U": U, "V": V}

def reference(token_ids, U, V):
    # embeddings = U[token_ids] @ V  -> [batch, seq, dim]
    u_rows = jnp.take(U, token_ids, axis=0)  # [B, S, rank]
    embeddings = jnp.matmul(u_rows, V)       # [B, S, dim]
    return embeddings

if __name__ == "__main__":
    import jax
    _d = setup_inputs()
    print(jax.jit(kernel)(*tuple(_d.values())))

</pallas_src>

<mosaic_0001>
#map = affine_map<(d0, d1) -> (0, 0)>
#map1 = affine_map<(d0, d1) -> (0)>
module attributes {stable_mosaic.version = 14 : i64} {
  func.func @_sc_gather(%arg0: i32, %arg1: i32, %arg2: memref<1000000x32xf32, #tpu.memory_space<hbm>>, %arg3: memref<204800xi32, #tpu.memory_space<hbm>>, %arg4: memref<51200x128xf32, #tpu.memory_space<hbm>>, %arg5: memref<1600xi32, #tpu.memory_space<vmem>>, %arg6: memref<1600x32xf32, #tpu.memory_space<vmem>>, %arg7: memref<!tpu.dma_semaphore, #tpu.memory_space<semaphore_mem>>) attributes {dimension_semantics = [#tpu.dimension_semantics<core_parallel>, #tpu.dimension_semantics<subcore_parallel>], iteration_bounds = array<i64: 2, 16>, scalar_prefetch = 0 : i64, scratch_operands = 3 : i64, tpu.core_type = #tpu.core_type<sc_vector_subcore>, window_params = [{transform_indices = #map}, {transform_indices = #map1}, {transform_indices = #map}]} {
    %mul3A = arith.constant 2 : i32
    %mul3A_0 = arith.muli %arg1, %mul3A : i32
    %add3A = arith.addi %mul3A_0, %arg0 : i32
    %mul3A_1 = arith.constant 6400 : i32
    %mul3A_2 = arith.muli %add3A, %mul3A_1 : i32
    %mul3A_3 = arith.constant 1600 : i32
    %mul3A_4 = arith.muli %add3A, %mul3A_3 : i32
    %scan3A = arith.constant 0 : i32
    %scan3A_5 = arith.constant 0 : i32
    %scan3A_6 = arith.constant 4 : i32
    %scan3A_7 = arith.addi %scan3A_5, %scan3A_6 : i32
    %scan3A_8 = arith.constant 1 : i32
    scf.for %scan3A_10 = %scan3A_5 to %scan3A_7 step %scan3A_8  : i32 {
      %mul3A_11 = arith.constant 1600 : i32
      %mul3A_12 = arith.muli %scan3A_10, %mul3A_11 : i32
      %add3A_13 = arith.addi %mul3A_2, %mul3A_12 : i32
      %mul3A_14 = arith.constant 400 : i32
      %mul3A_15 = arith.muli %scan3A_10, %mul3A_14 : i32
      %add3A_16 = arith.addi %mul3A_4, %mul3A_15 : i32
      "tpu.region"() ({
        %run_scoped3A = tpu.sem_alloc : memref<!tpu.dma_semaphore, #tpu.memory_space<semaphore_mem>>
        %dma_start3A_79 = tpu.memref_slice %arg3[%add3A_13] : memref<204800xi32, #tpu.memory_space<hbm>> -> memref<1600xi32, #tpu.memory_space<hbm>>
        %dma_start3A_80 = tpu.memref_slice %arg3[%add3A_13] : memref<204800xi32, #tpu.memory_space<hbm>> -> memref<1600xi32, #tpu.memory_space<hbm>>
        tpu.enqueue_dma source(%dma_start3A_80 : memref<1600xi32, #tpu.memory_space<hbm>>) target(%arg5 : memref<1600xi32, #tpu.memory_space<vmem>>) target_semaphore(%run_scoped3A : memref<!tpu.dma_semaphore, #tpu.memory_space<semaphore_mem>>)
        %dma_wait3A_81 = tpu.memref_slice %arg3[%add3A_13] : memref<204800xi32, #tpu.memory_space<hbm>> -> memref<1600xi32, #tpu.memory_space<hbm>>
        %dma_wait3A_82 = tpu.memref_slice %arg3[%add3A_13] : memref<204800xi32, #tpu.memory_space<hbm>> -> memref<1600xi32, #tpu.memory_space<hbm>>
        tpu.wait_dma2 semaphore(%run_scoped3A : memref<!tpu.dma_semaphore, #tpu.memory_space<semaphore_mem>>) src(%dma_wait3A_82 : memref<1600xi32, #tpu.memory_space<hbm>>) dst(%arg5 : memref<1600xi32, #tpu.memory_space<vmem>>)
        tpu.yield
      }) : () -> ()
      %dma_start3A = arith.constant 0 : i32
      %dma_start3A_17 = arith.constant 0 : i32
      %dma_start3A_18 = tpu.memref_slice %arg6[%dma_start3A, %dma_start3A_17] : memref<1600x32xf32, #tpu.memory_space<vmem>> -> memref<400x32xf32, #tpu.memory_space<vmem>>
      %dma_start3A_19 = arith.constant 0 : i32
      %dma_start3A_20 = tpu.memref_slice %arg5[%dma_start3A_19] : memref<1600xi32, #tpu.memory_space<vmem>> -> memref<400xi32, #tpu.memory_space<vmem>>
      %dma_start3A_21 = arith.constant 0 : i32
      %dma_start3A_22 = arith.constant 0 : i32
      %dma_start3A_23 = tpu.memref_slice %arg2[%dma_start3A_21, %dma_start3A_22] : memref<1000000x32xf32, #tpu.memory_space<hbm>> -> memref<1000000x32xf32, #tpu.memory_space<hbm>>
      tpu.enqueue_indirect_dma source(%dma_start3A_23 : memref<1000000x32xf32, #tpu.memory_space<hbm>>) target(%dma_start3A_18 : memref<400x32xf32, #tpu.memory_space<vmem>>) offsets(%dma_start3A_20 : memref<400xi32, #tpu.memory_space<vmem>>) semaphore(%arg7 : memref<!tpu.dma_semaphore, #tpu.memory_space<semaphore_mem>>)
      %dma_start3A_24 = arith.constant 400 : i32
      %dma_start3A_25 = arith.constant 0 : i32
      %dma_start3A_26 = tpu.memref_slice %arg6[%dma_start3A_24, %dma_start3A_25] : memref<1600x32xf32, #tpu.memory_space<vmem>> -> memref<400x32xf32, #tpu.memory_space<vmem>>
      %dma_start3A_27 = arith.constant 400 : i32
      %dma_start3A_28 = tpu.memref_slice %arg5[%dma_start3A_27] : memref<1600xi32, #tpu.memory_space<vmem>> -> memref<400xi32, #tpu.memory_space<vmem>>
      %dma_start3A_29 = arith.constant 0 : i32
      %dma_start3A_30 = arith.constant 0 : i32
      %dma_start3A_31 = tpu.memref_slice %arg2[%dma_start3A_29, %dma_start3A_30] : memref<1000000x32xf32, #tpu.memory_space<hbm>> -> memref<1000000x32xf32, #tpu.memory_space<hbm>>
      tpu.enqueue_indirect_dma source(%dma_start3A_31 : memref<1000000x32xf32, #tpu.memory_space<hbm>>) target(%dma_start3A_26 : memref<400x32xf32, #tpu.memory_space<vmem>>) offsets(%dma_start3A_28 : memref<400xi32, #tpu.memory_space<vmem>>) semaphore(%arg7 : memref<!tpu.dma_semaphore, #tpu.memory_space<semaphore_mem>>)
      %dma_start3A_32 = arith.constant 800 : i32
      %dma_start3A_33 = arith.constant 0 : i32
      %dma_start3A_34 = tpu.memref_slice %arg6[%dma_start3A_32, %dma_start3A_33] : memref<1600x32xf32, #tpu.memory_space<vmem>> -> memref<400x32xf32, #tpu.memory_space<vmem>>
      %dma_start3A_35 = arith.constant 800 : i32
      %dma_start3A_36 = tpu.memref_slice %arg5[%dma_start3A_35] : memref<1600xi32, #tpu.memory_space<vmem>> -> memref<400xi32, #tpu.memory_space<vmem>>
      %dma_start3A_37 = arith.constant 0 : i32
      %dma_start3A_38 = arith.constant 0 : i32
      %dma_start3A_39 = tpu.memref_slice %arg2[%dma_start3A_37, %dma_start3A_38] : memref<1000000x32xf32, #tpu.memory_space<hbm>> -> memref<1000000x32xf32, #tpu.memory_space<hbm>>
      tpu.enqueue_indirect_dma source(%dma_start3A_39 : memref<1000000x32xf32, #tpu.memory_space<hbm>>) target(%dma_start3A_34 : memref<400x32xf32, #tpu.memory_space<vmem>>) offsets(%dma_start3A_36 : memref<400xi32, #tpu.memory_space<vmem>>) semaphore(%arg7 : memref<!tpu.dma_semaphore, #tpu.memory_space<semaphore_mem>>)
      %dma_start3A_40 = arith.constant 1200 : i32
      %dma_start3A_41 = arith.constant 0 : i32
      %dma_start3A_42 = tpu.memref_slice %arg6[%dma_start3A_40, %dma_start3A_41] : memref<1600x32xf32, #tpu.memory_space<vmem>> -> memref<400x32xf32, #tpu.memory_space<vmem>>
      %dma_start3A_43 = arith.constant 1200 : i32
      %dma_start3A_44 = tpu.memref_slice %arg5[%dma_start3A_43] : memref<1600xi32, #tpu.memory_space<vmem>> -> memref<400xi32, #tpu.memory_space<vmem>>
      %dma_start3A_45 = arith.constant 0 : i32
      %dma_start3A_46 = arith.constant 0 : i32
      %dma_start3A_47 = tpu.memref_slice %arg2[%dma_start3A_45, %dma_start3A_46] : memref<1000000x32xf32, #tpu.memory_space<hbm>> -> memref<1000000x32xf32, #tpu.memory_space<hbm>>
      tpu.enqueue_indirect_dma source(%dma_start3A_47 : memref<1000000x32xf32, #tpu.memory_space<hbm>>) target(%dma_start3A_42 : memref<400x32xf32, #tpu.memory_space<vmem>>) offsets(%dma_start3A_44 : memref<400xi32, #tpu.memory_space<vmem>>) semaphore(%arg7 : memref<!tpu.dma_semaphore, #tpu.memory_space<semaphore_mem>>)
      %dma_wait3A = arith.constant 0 : i32
      %dma_wait3A_48 = arith.constant 0 : i32
      %dma_wait3A_49 = tpu.memref_slice %arg6[%dma_wait3A, %dma_wait3A_48] : memref<1600x32xf32, #tpu.memory_space<vmem>> -> memref<400x32xf32, #tpu.memory_space<vmem>>
      %dma_wait3A_50 = arith.constant 0 : i32
      %dma_wait3A_51 = tpu.memref_slice %arg5[%dma_wait3A_50] : memref<1600xi32, #tpu.memory_space<vmem>> -> memref<400xi32, #tpu.memory_space<vmem>>
      %dma_wait3A_52 = arith.constant 0 : i32
      %dma_wait3A_53 = arith.constant 0 : i32
      %dma_wait3A_54 = tpu.memref_slice %arg2[%dma_wait3A_52, %dma_wait3A_53] : memref<1000000x32xf32, #tpu.memory_space<hbm>> -> memref<1000000x32xf32, #tpu.memory_space<hbm>>
      tpu.wait_indirect_dma semaphore(%arg7 : memref<!tpu.dma_semaphore, #tpu.memory_space<semaphore_mem>>) src(%dma_wait3A_54 : memref<1000000x32xf32, #tpu.memory_space<hbm>>) dst(%dma_wait3A_49 : memref<400x32xf32, #tpu.memory_space<vmem>>)
      %dma_wait3A_55 = arith.constant 400 : i32
      %dma_wait3A_56 = arith.constant 0 : i32
      %dma_wait3A_57 = tpu.memref_slice %arg6[%dma_wait3A_55, %dma_wait3A_56] : memref<1600x32xf32, #tpu.memory_space<vmem>> -> memref<400x32xf32, #tpu.memory_space<vmem>>
      %dma_wait3A_58 = arith.constant 400 : i32
      %dma_wait3A_59 = tpu.memref_slice %arg5[%dma_wait3A_58] : memref<1600xi32, #tpu.memory_space<vmem>> -> memref<400xi32, #tpu.memory_space<vmem>>
      %dma_wait3A_60 = arith.constant 0 : i32
      %dma_wait3A_61 = arith.constant 0 : i32
      %dma_wait3A_62 = tpu.memref_slice %arg2[%dma_wait3A_60, %dma_wait3A_61] : memref<1000000x32xf32, #tpu.memory_space<hbm>> -> memref<1000000x32xf32, #tpu.memory_space<hbm>>
      tpu.wait_indirect_dma semaphore(%arg7 : memref<!tpu.dma_semaphore, #tpu.memory_space<semaphore_mem>>) src(%dma_wait3A_62 : memref<1000000x32xf32, #tpu.memory_space<hbm>>) dst(%dma_wait3A_57 : memref<400x32xf32, #tpu.memory_space<vmem>>)
      %dma_wait3A_63 = arith.constant 800 : i32
      %dma_wait3A_64 = arith.constant 0 : i32
      %dma_wait3A_65 = tpu.memref_slice %arg6[%dma_wait3A_63, %dma_wait3A_64] : memref<1600x32xf32, #tpu.memory_space<vmem>> -> memref<400x32xf32, #tpu.memory_space<vmem>>
      %dma_wait3A_66 = arith.constant 800 : i32
      %dma_wait3A_67 = tpu.memref_slice %arg5[%dma_wait3A_66] : memref<1600xi32, #tpu.memory_space<vmem>> -> memref<400xi32, #tpu.memory_space<vmem>>
      %dma_wait3A_68 = arith.constant 0 : i32
      %dma_wait3A_69 = arith.constant 0 : i32
      %dma_wait3A_70 = tpu.memref_slice %arg2[%dma_wait3A_68, %dma_wait3A_69] : memref<1000000x32xf32, #tpu.memory_space<hbm>> -> memref<1000000x32xf32, #tpu.memory_space<hbm>>
      tpu.wait_indirect_dma semaphore(%arg7 : memref<!tpu.dma_semaphore, #tpu.memory_space<semaphore_mem>>) src(%dma_wait3A_70 : memref<1000000x32xf32, #tpu.memory_space<hbm>>) dst(%dma_wait3A_65 : memref<400x32xf32, #tpu.memory_space<vmem>>)
      %dma_wait3A_71 = arith.constant 1200 : i32
      %dma_wait3A_72 = arith.constant 0 : i32
      %dma_wait3A_73 = tpu.memref_slice %arg6[%dma_wait3A_71, %dma_wait3A_72] : memref<1600x32xf32, #tpu.memory_space<vmem>> -> memref<400x32xf32, #tpu.memory_space<vmem>>
      %dma_wait3A_74 = arith.constant 1200 : i32
      %dma_wait3A_75 = tpu.memref_slice %arg5[%dma_wait3A_74] : memref<1600xi32, #tpu.memory_space<vmem>> -> memref<400xi32, #tpu.memory_space<vmem>>
      %dma_wait3A_76 = arith.constant 0 : i32
      %dma_wait3A_77 = arith.constant 0 : i32
      %dma_wait3A_78 = tpu.memref_slice %arg2[%dma_wait3A_76, %dma_wait3A_77] : memref<1000000x32xf32, #tpu.memory_space<hbm>> -> memref<1000000x32xf32, #tpu.memory_space<hbm>>
      tpu.wait_indirect_dma semaphore(%arg7 : memref<!tpu.dma_semaphore, #tpu.memory_space<semaphore_mem>>) src(%dma_wait3A_78 : memref<1000000x32xf32, #tpu.memory_space<hbm>>) dst(%dma_wait3A_73 : memref<400x32xf32, #tpu.memory_space<vmem>>)
      "tpu.region"() ({
        %run_scoped3A = tpu.sem_alloc : memref<!tpu.dma_semaphore, #tpu.memory_space<semaphore_mem>>
        %dma_start3A_79 = arith.constant 0 : i32
        %dma_start3A_80 = arith.constant 0 : i32
        %dma_start3A_81 = tpu.memref_slice %arg6[%dma_start3A_79, %dma_start3A_80] : memref<1600x32xf32, #tpu.memory_space<vmem>> -> memref<400x32xf32, #tpu.memory_space<vmem>>
        %dma_start3A_82 = arith.constant 0 : i32
        %dma_start3A_83 = tpu.memref_slice %arg4[%add3A_16, %dma_start3A_82] : memref<51200x128xf32, #tpu.memory_space<hbm>> -> memref<400x32xf32, #tpu.memory_space<hbm>>
        %dma_start3A_84 = arith.constant 0 : i32
        %dma_start3A_85 = tpu.memref_slice %arg4[%add3A_16, %dma_start3A_84] : memref<51200x128xf32, #tpu.memory_space<hbm>> -> memref<400x32xf32, #tpu.memory_space<hbm>>
        %dma_start3A_86 = arith.constant 0 : i32
        %dma_start3A_87 = arith.constant 0 : i32
        %dma_start3A_88 = tpu.memref_slice %arg6[%dma_start3A_86, %dma_start3A_87] : memref<1600x32xf32, #tpu.memory_space<vmem>> -> memref<400x32xf32, #tpu.memory_space<vmem>>
        tpu.enqueue_dma source(%dma_start3A_88 : memref<400x32xf32, #tpu.memory_space<vmem>>) target(%dma_start3A_85 : memref<400x32xf32, #tpu.memory_space<hbm>>) target_semaphore(%run_scoped3A : memref<!tpu.dma_semaphore, #tpu.memory_space<semaphore_mem>>)
        %dma_wait3A_89 = arith.constant 0 : i32
        %dma_wait3A_90 = arith.constant 0 : i32
        %dma_wait3A_91 = tpu.memref_slice %arg6[%dma_wait3A_89, %dma_wait3A_90] : memref<1600x32xf32, #tpu.memory_space<vmem>> -> memref<400x32xf32, #tpu.memory_space<vmem>>
        %dma_wait3A_92 = arith.constant 0 : i32
        %dma_wait3A_93 = tpu.memref_slice %arg4[%add3A_16, %dma_wait3A_92] : memref<51200x128xf32, #tpu.memory_space<hbm>> -> memref<400x32xf32, #tpu.memory_space<hbm>>
        %dma_wait3A_94 = arith.constant 0 : i32
        %dma_wait3A_95 = tpu.memref_slice %arg4[%add3A_16, %dma_wait3A_94] : memref<51200x128xf32, #tpu.memory_space<hbm>> -> memref<400x32xf32, #tpu.memory_space<hbm>>
        %dma_wait3A_96 = arith.constant 0 : i32
        %dma_wait3A_97 = arith.constant 0 : i32
        %dma_wait3A_98 = tpu.memref_slice %arg6[%dma_wait3A_96, %dma_wait3A_97] : memref<1600x32xf32, #tpu.memory_space<vmem>> -> memref<400x32xf32, #tpu.memory_space<vmem>>
        tpu.wait_dma2 semaphore(%run_scoped3A : memref<!tpu.dma_semaphore, #tpu.memory_space<semaphore_mem>>) src(%dma_wait3A_98 : memref<400x32xf32, #tpu.memory_space<vmem>>) dst(%dma_wait3A_95 : memref<400x32xf32, #tpu.memory_space<hbm>>)
        tpu.yield
      }) : () -> ()
      "tpu.region"() ({
        %run_scoped3A = tpu.sem_alloc : memref<!tpu.dma_semaphore, #tpu.memory_space<semaphore_mem>>
        %dma_start3A_79 = arith.constant 400 : i32
        %dma_start3A_80 = arith.constant 0 : i32
        %dma_start3A_81 = tpu.memref_slice %arg6[%dma_start3A_79, %dma_start3A_80] : memref<1600x32xf32, #tpu.memory_space<vmem>> -> memref<400x32xf32, #tpu.memory_space<vmem>>
        %dma_start3A_82 = arith.constant 32 : i32
        %dma_start3A_83 = tpu.memref_slice %arg4[%add3A_16, %dma_start3A_82] : memref<51200x128xf32, #tpu.memory_space<hbm>> -> memref<400x32xf32, #tpu.memory_space<hbm>>
        %dma_start3A_84 = arith.constant 32 : i32
        %dma_start3A_85 = tpu.memref_slice %arg4[%add3A_16, %dma_start3A_84] : memref<51200x128xf32, #tpu.memory_space<hbm>> -> memref<400x32xf32, #tpu.memory_space<hbm>>
        %dma_start3A_86 = arith.constant 400 : i32
        %dma_start3A_87 = arith.constant 0 : i32
        %dma_start3A_88 = tpu.memref_slice %arg6[%dma_start3A_86, %dma_start3A_87] : memref<1600x32xf32, #tpu.memory_space<vmem>> -> memref<400x32xf32, #tpu.memory_space<vmem>>
        tpu.enqueue_dma source(%dma_start3A_88 : memref<400x32xf32, #tpu.memory_space<vmem>>) target(%dma_start3A_85 : memref<400x32xf32, #tpu.memory_space<hbm>>) target_semaphore(%run_scoped3A : memref<!tpu.dma_semaphore, #tpu.memory_space<semaphore_mem>>)
        %dma_wait3A_89 = arith.constant 400 : i32
        %dma_wait3A_90 = arith.constant 0 : i32
        %dma_wait3A_91 = tpu.memref_slice %arg6[%dma_wait3A_89, %dma_wait3A_90] : memref<1600x32xf32, #tpu.memory_space<vmem>> -> memref<400x32xf32, #tpu.memory_space<vmem>>
        %dma_wait3A_92 = arith.constant 32 : i32
        %dma_wait3A_93 = tpu.memref_slice %arg4[%add3A_16, %dma_wait3A_92] : memref<51200x128xf32, #tpu.memory_space<hbm>> -> memref<400x32xf32, #tpu.memory_space<hbm>>
        %dma_wait3A_94 = arith.constant 32 : i32
        %dma_wait3A_95 = tpu.memref_slice %arg4[%add3A_16, %dma_wait3A_94] : memref<51200x128xf32, #tpu.memory_space<hbm>> -> memref<400x32xf32, #tpu.memory_space<hbm>>
        %dma_wait3A_96 = arith.constant 400 : i32
        %dma_wait3A_97 = arith.constant 0 : i32
        %dma_wait3A_98 = tpu.memref_slice %arg6[%dma_wait3A_96, %dma_wait3A_97] : memref<1600x32xf32, #tpu.memory_space<vmem>> -> memref<400x32xf32, #tpu.memory_space<vmem>>
        tpu.wait_dma2 semaphore(%run_scoped3A : memref<!tpu.dma_semaphore, #tpu.memory_space<semaphore_mem>>) src(%dma_wait3A_98 : memref<400x32xf32, #tpu.memory_space<vmem>>) dst(%dma_wait3A_95 : memref<400x32xf32, #tpu.memory_space<hbm>>)
        tpu.yield
      }) : () -> ()
      "tpu.region"() ({
        %run_scoped3A = tpu.sem_alloc : memref<!tpu.dma_semaphore, #tpu.memory_space<semaphore_mem>>
        %dma_start3A_79 = arith.constant 800 : i32
        %dma_start3A_80 = arith.constant 0 : i32
        %dma_start3A_81 = tpu.memref_slice %arg6[%dma_start3A_79, %dma_start3A_80] : memref<1600x32xf32, #tpu.memory_space<vmem>> -> memref<400x32xf32, #tpu.memory_space<vmem>>
        %dma_start3A_82 = arith.constant 64 : i32
        %dma_start3A_83 = tpu.memref_slice %arg4[%add3A_16, %dma_start3A_82] : memref<51200x128xf32, #tpu.memory_space<hbm>> -> memref<400x32xf32, #tpu.memory_space<hbm>>
        %dma_start3A_84 = arith.constant 64 : i32
        %dma_start3A_85 = tpu.memref_slice %arg4[%add3A_16, %dma_start3A_84] : memref<51200x128xf32, #tpu.memory_space<hbm>> -> memref<400x32xf32, #tpu.memory_space<hbm>>
        %dma_start3A_86 = arith.constant 800 : i32
        %dma_start3A_87 = arith.constant 0 : i32
        %dma_start3A_88 = tpu.memref_slice %arg6[%dma_start3A_86, %dma_start3A_87] : memref<1600x32xf32, #tpu.memory_space<vmem>> -> memref<400x32xf32, #tpu.memory_space<vmem>>
        tpu.enqueue_dma source(%dma_start3A_88 : memref<400x32xf32, #tpu.memory_space<vmem>>) target(%dma_start3A_85 : memref<400x32xf32, #tpu.memory_space<hbm>>) target_semaphore(%run_scoped3A : memref<!tpu.dma_semaphore, #tpu.memory_space<semaphore_mem>>)
        %dma_wait3A_89 = arith.constant 800 : i32
        %dma_wait3A_90 = arith.constant 0 : i32
        %dma_wait3A_91 = tpu.memref_slice %arg6[%dma_wait3A_89, %dma_wait3A_90] : memref<1600x32xf32, #tpu.memory_space<vmem>> -> memref<400x32xf32, #tpu.memory_space<vmem>>
        %dma_wait3A_92 = arith.constant 64 : i32
        %dma_wait3A_93 = tpu.memref_slice %arg4[%add3A_16, %dma_wait3A_92] : memref<51200x128xf32, #tpu.memory_space<hbm>> -> memref<400x32xf32, #tpu.memory_space<hbm>>
        %dma_wait3A_94 = arith.constant 64 : i32
        %dma_wait3A_95 = tpu.memref_slice %arg4[%add3A_16, %dma_wait3A_94] : memref<51200x128xf32, #tpu.memory_space<hbm>> -> memref<400x32xf32, #tpu.memory_space<hbm>>
        %dma_wait3A_96 = arith.constant 800 : i32
        %dma_wait3A_97 = arith.constant 0 : i32
        %dma_wait3A_98 = tpu.memref_slice %arg6[%dma_wait3A_96, %dma_wait3A_97] : memref<1600x32xf32, #tpu.memory_space<vmem>> -> memref<400x32xf32, #tpu.memory_space<vmem>>
        tpu.wait_dma2 semaphore(%run_scoped3A : memref<!tpu.dma_semaphore, #tpu.memory_space<semaphore_mem>>) src(%dma_wait3A_98 : memref<400x32xf32, #tpu.memory_space<vmem>>) dst(%dma_wait3A_95 : memref<400x32xf32, #tpu.memory_space<hbm>>)
        tpu.yield
      }) : () -> ()
      "tpu.region"() ({
        %run_scoped3A = tpu.sem_alloc : memref<!tpu.dma_semaphore, #tpu.memory_space<semaphore_mem>>
        %dma_start3A_79 = arith.constant 1200 : i32
        %dma_start3A_80 = arith.constant 0 : i32
        %dma_start3A_81 = tpu.memref_slice %arg6[%dma_start3A_79, %dma_start3A_80] : memref<1600x32xf32, #tpu.memory_space<vmem>> -> memref<400x32xf32, #tpu.memory_space<vmem>>
        %dma_start3A_82 = arith.constant 96 : i32
        %dma_start3A_83 = tpu.memref_slice %arg4[%add3A_16, %dma_start3A_82] : memref<51200x128xf32, #tpu.memory_space<hbm>> -> memref<400x32xf32, #tpu.memory_space<hbm>>
        %dma_start3A_84 = arith.constant 96 : i32
        %dma_start3A_85 = tpu.memref_slice %arg4[%add3A_16, %dma_start3A_84] : memref<51200x128xf32, #tpu.memory_space<hbm>> -> memref<400x32xf32, #tpu.memory_space<hbm>>
        %dma_start3A_86 = arith.constant 1200 : i32
        %dma_start3A_87 = arith.constant 0 : i32
        %dma_start3A_88 = tpu.memref_slice %arg6[%dma_start3A_86, %dma_start3A_87] : memref<1600x32xf32, #tpu.memory_space<vmem>> -> memref<400x32xf32, #tpu.memory_space<vmem>>
        tpu.enqueue_dma source(%dma_start3A_88 : memref<400x32xf32, #tpu.memory_space<vmem>>) target(%dma_start3A_85 : memref<400x32xf32, #tpu.memory_space<hbm>>) target_semaphore(%run_scoped3A : memref<!tpu.dma_semaphore, #tpu.memory_space<semaphore_mem>>)
        %dma_wait3A_89 = arith.constant 1200 : i32
        %dma_wait3A_90 = arith.constant 0 : i32
        %dma_wait3A_91 = tpu.memref_slice %arg6[%dma_wait3A_89, %dma_wait3A_90] : memref<1600x32xf32, #tpu.memory_space<vmem>> -> memref<400x32xf32, #tpu.memory_space<vmem>>
        %dma_wait3A_92 = arith.constant 96 : i32
        %dma_wait3A_93 = tpu.memref_slice %arg4[%add3A_16, %dma_wait3A_92] : memref<51200x128xf32, #tpu.memory_space<hbm>> -> memref<400x32xf32, #tpu.memory_space<hbm>>
        %dma_wait3A_94 = arith.constant 96 : i32
        %dma_wait3A_95 = tpu.memref_slice %arg4[%add3A_16, %dma_wait3A_94] : memref<51200x128xf32, #tpu.memory_space<hbm>> -> memref<400x32xf32, #tpu.memory_space<hbm>>
        %dma_wait3A_96 = arith.constant 1200 : i32
        %dma_wait3A_97 = arith.constant 0 : i32
        %dma_wait3A_98 = tpu.memref_slice %arg6[%dma_wait3A_96, %dma_wait3A_97] : memref<1600x32xf32, #tpu.memory_space<vmem>> -> memref<400x32xf32, #tpu.memory_space<vmem>>
        tpu.wait_dma2 semaphore(%run_scoped3A : memref<!tpu.dma_semaphore, #tpu.memory_space<semaphore_mem>>) src(%dma_wait3A_98 : memref<400x32xf32, #tpu.memory_space<vmem>>) dst(%dma_wait3A_95 : memref<400x32xf32, #tpu.memory_space<hbm>>)
        tpu.yield
      }) : () -> ()
    }
    %scan3A_9 = arith.constant 4 : i32
    return
  }
}

#map = affine_map<(d0, d1) -> (0, 0)>
#map1 = affine_map<(d0, d1) -> (0)>
module attributes {stable_mosaic.version = 14 : i64} {
  func.func @_sc_gather(%arg0: i32, %arg1: i32, %arg2: memref<1000000x32xf32, #tpu.memory_space<hbm>>, %arg3: memref<204800xi32, #tpu.memory_space<hbm>>, %arg4: memref<51200x128xf32, #tpu.memory_space<hbm>>, %arg5: memref<1600xi32, #tpu.memory_space<vmem>>, %arg6: memref<1600x32xf32, #tpu.memory_space<vmem>>, %arg7: memref<!tpu.dma_semaphore, #tpu.memory_space<semaphore_mem>>) attributes {dimension_semantics = [#tpu.dimension_semantics<core_parallel>, #tpu.dimension_semantics<subcore_parallel>], iteration_bounds = array<i64: 2, 16>, scalar_prefetch = 0 : i64, scratch_operands = 3 : i64, tpu.core_type = #tpu.core_type<sc_vector_subcore>, window_params = [{transform_indices = #map}, {transform_indices = #map1}, {transform_indices = #map}]} {
    %mul3A = arith.constant 2 : i32
    %mul3A_0 = arith.muli %arg1, %mul3A : i32
    %add3A = arith.addi %mul3A_0, %arg0 : i32
    %mul3A_1 = arith.constant 6400 : i32
    %mul3A_2 = arith.muli %add3A, %mul3A_1 : i32
    %mul3A_3 = arith.constant 1600 : i32
    %mul3A_4 = arith.muli %add3A, %mul3A_3 : i32
    %scan3A = arith.constant 0 : i32
    %scan3A_5 = arith.constant 0 : i32
    %scan3A_6 = arith.constant 4 : i32
    %scan3A_7 = arith.addi %scan3A_5, %scan3A_6 : i32
    %scan3A_8 = arith.constant 1 : i32
    scf.for %scan3A_10 = %scan3A_5 to %scan3A_7 step %scan3A_8  : i32 {
      %mul3A_11 = arith.constant 1600 : i32
      %mul3A_12 = arith.muli %scan3A_10, %mul3A_11 : i32
      %add3A_13 = arith.addi %mul3A_2, %mul3A_12 : i32
      %mul3A_14 = arith.constant 400 : i32
      %mul3A_15 = arith.muli %scan3A_10, %mul3A_14 : i32
      %add3A_16 = arith.addi %mul3A_4, %mul3A_15 : i32
      "tpu.region"() ({
        %run_scoped3A = tpu.sem_alloc : memref<!tpu.dma_semaphore, #tpu.memory_space<semaphore_mem>>
        %dma_start3A_79 = tpu.memref_slice %arg3[%add3A_13] : memref<204800xi32, #tpu.memory_space<hbm>> -> memref<1600xi32, #tpu.memory_space<hbm>>
        %dma_start3A_80 = tpu.memref_slice %arg3[%add3A_13] : memref<204800xi32, #tpu.memory_space<hbm>> -> memref<1600xi32, #tpu.memory_space<hbm>>
        tpu.enqueue_dma source(%dma_start3A_80 : memref<1600xi32, #tpu.memory_space<hbm>>) target(%arg5 : memref<1600xi32, #tpu.memory_space<vmem>>) target_semaphore(%run_scoped3A : memref<!tpu.dma_semaphore, #tpu.memory_space<semaphore_mem>>)
        %dma_wait3A_81 = tpu.memref_slice %arg3[%add3A_13] : memref<204800xi32, #tpu.memory_space<hbm>> -> memref<1600xi32, #tpu.memory_space<hbm>>
        %dma_wait3A_82 = tpu.memref_slice %arg3[%add3A_13] : memref<204800xi32, #tpu.memory_space<hbm>> -> memref<1600xi32, #tpu.memory_space<hbm>>
        tpu.wait_dma2 semaphore(%run_scoped3A : memref<!tpu.dma_semaphore, #tpu.memory_space<semaphore_mem>>) src(%dma_wait3A_82 : memref<1600xi32, #tpu.memory_space<hbm>>) dst(%arg5 : memref<1600xi32, #tpu.memory_space<vmem>>)
        tpu.yield
      }) : () -> ()
      %dma_start3A = arith.constant 0 : i32
      %dma_start3A_17 = arith.constant 0 : i32
      %dma_start3A_18 = tpu.memref_slice %arg6[%dma_start3A, %dma_start3A_17] : memref<1600x32xf32, #tpu.memory_space<vmem>> -> memref<400x32xf32, #tpu.memory_space<vmem>>
      %dma_start3A_19 = arith.constant 0 : i32
      %dma_start3A_20 = tpu.memref_slice %arg5[%dma_start3A_19] : memref<1600xi32, #tpu.memory_space<vmem>> -> memref<400xi32, #tpu.memory_space<vmem>>
      %dma_start3A_21 = arith.constant 0 : i32
      %dma_start3A_22 = arith.constant 0 : i32
      %dma_start3A_23 = tpu.memref_slice %arg2[%dma_start3A_21, %dma_start3A_22] : memref<1000000x32xf32, #tpu.memory_space<hbm>> -> memref<1000000x32xf32, #tpu.memory_space<hbm>>
      tpu.enqueue_indirect_dma source(%dma_start3A_23 : memref<1000000x32xf32, #tpu.memory_space<hbm>>) target(%dma_start3A_18 : memref<400x32xf32, #tpu.memory_space<vmem>>) offsets(%dma_start3A_20 : memref<400xi32, #tpu.memory_space<vmem>>) semaphore(%arg7 : memref<!tpu.dma_semaphore, #tpu.memory_space<semaphore_mem>>)
      %dma_start3A_24 = arith.constant 400 : i32
      %dma_start3A_25 = arith.constant 0 : i32
      %dma_start3A_26 = tpu.memref_slice %arg6[%dma_start3A_24, %dma_start3A_25] : memref<1600x32xf32, #tpu.memory_space<vmem>> -> memref<400x32xf32, #tpu.memory_space<vmem>>
      %dma_start3A_27 = arith.constant 400 : i32
      %dma_start3A_28 = tpu.memref_slice %arg5[%dma_start3A_27] : memref<1600xi32, #tpu.memory_space<vmem>> -> memref<400xi32, #tpu.memory_space<vmem>>
      %dma_start3A_29 = arith.constant 0 : i32
      %dma_start3A_30 = arith.constant 0 : i32
      %dma_start3A_31 = tpu.memref_slice %arg2[%dma_start3A_29, %dma_start3A_30] : memref<1000000x32xf32, #tpu.memory_space<hbm>> -> memref<1000000x32xf32, #tpu.memory_space<hbm>>
      tpu.enqueue_indirect_dma source(%dma_start3A_31 : memref<1000000x32xf32, #tpu.memory_space<hbm>>) target(%dma_start3A_26 : memref<400x32xf32, #tpu.memory_space<vmem>>) offsets(%dma_start3A_28 : memref<400xi32, #tpu.memory_space<vmem>>) semaphore(%arg7 : memref<!tpu.dma_semaphore, #tpu.memory_space<semaphore_mem>>)
      %dma_start3A_32 = arith.constant 800 : i32
      %dma_start3A_33 = arith.constant 0 : i32
      %dma_start3A_34 = tpu.memref_slice %arg6[%dma_start3A_32, %dma_start3A_33] : memref<1600x32xf32, #tpu.memory_space<vmem>> -> memref<400x32xf32, #tpu.memory_space<vmem>>
      %dma_start3A_35 = arith.constant 800 : i32
      %dma_start3A_36 = tpu.memref_slice %arg5[%dma_start3A_35] : memref<1600xi32, #tpu.memory_space<vmem>> -> memref<400xi32, #tpu.memory_space<vmem>>
      %dma_start3A_37 = arith.constant 0 : i32
      %dma_start3A_38 = arith.constant 0 : i32
      %dma_start3A_39 = tpu.memref_slice %arg2[%dma_start3A_37, %dma_start3A_38] : memref<1000000x32xf32, #tpu.memory_space<hbm>> -> memref<1000000x32xf32, #tpu.memory_space<hbm>>
      tpu.enqueue_indirect_dma source(%dma_start3A_39 : memref<1000000x32xf32, #tpu.memory_space<hbm>>) target(%dma_start3A_34 : memref<400x32xf32, #tpu.memory_space<vmem>>) offsets(%dma_start3A_36 : memref<400xi32, #tpu.memory_space<vmem>>) semaphore(%arg7 : memref<!tpu.dma_semaphore, #tpu.memory_space<semaphore_mem>>)
      %dma_start3A_40 = arith.constant 1200 : i32
      %dma_start3A_41 = arith.constant 0 : i32
      %dma_start3A_42 = tpu.memref_slice %arg6[%dma_start3A_40, %dma_start3A_41] : memref<1600x32xf32, #tpu.memory_space<vmem>> -> memref<400x32xf32, #tpu.memory_space<vmem>>
      %dma_start3A_43 = arith.constant 1200 : i32
      %dma_start3A_44 = tpu.memref_slice %arg5[%dma_start3A_43] : memref<1600xi32, #tpu.memory_space<vmem>> -> memref<400xi32, #tpu.memory_space<vmem>>
      %dma_start3A_45 = arith.constant 0 : i32
      %dma_start3A_46 = arith.constant 0 : i32
      %dma_start3A_47 = tpu.memref_slice %arg2[%dma_start3A_45, %dma_start3A_46] : memref<1000000x32xf32, #tpu.memory_space<hbm>> -> memref<1000000x32xf32, #tpu.memory_space<hbm>>
      tpu.enqueue_indirect_dma source(%dma_start3A_47 : memref<1000000x32xf32, #tpu.memory_space<hbm>>) target(%dma_start3A_42 : memref<400x32xf32, #tpu.memory_space<vmem>>) offsets(%dma_start3A_44 : memref<400xi32, #tpu.memory_space<vmem>>) semaphore(%arg7 : memref<!tpu.dma_semaphore, #tpu.memory_space<semaphore_mem>>)
      %dma_wait3A = arith.constant 0 : i32
      %dma_wait3A_48 = arith.constant 0 : i32
      %dma_wait3A_49 = tpu.memref_slice %arg6[%dma_wait3A, %dma_wait3A_48] : memref<1600x32xf32, #tpu.memory_space<vmem>> -> memref<400x32xf32, #tpu.memory_space<vmem>>
      %dma_wait3A_50 = arith.constant 0 : i32
      %dma_wait3A_51 = tpu.memref_slice %arg5[%dma_wait3A_50] : memref<1600xi32, #tpu.memory_space<vmem>> -> memref<400xi32, #tpu.memory_space<vmem>>
      %dma_wait3A_52 = arith.constant 0 : i32
      %dma_wait3A_53 = arith.constant 0 : i32
      %dma_wait3A_54 = tpu.memref_slice %arg2[%dma_wait3A_52, %dma_wait3A_53] : memref<1000000x32xf32, #tpu.memory_space<hbm>> -> memref<1000000x32xf32, #tpu.memory_space<hbm>>
      tpu.wait_indirect_dma semaphore(%arg7 : memref<!tpu.dma_semaphore, #tpu.memory_space<semaphore_mem>>) src(%dma_wait3A_54 : memref<1000000x32xf32, #tpu.memory_space<hbm>>) dst(%dma_wait3A_49 : memref<400x32xf32, #tpu.memory_space<vmem>>)
      %dma_wait3A_55 = arith.constant 400 : i32
      %dma_wait3A_56 = arith.constant 0 : i32
      %dma_wait3A_57 = tpu.memref_slice %arg6[%dma_wait3A_55, %dma_wait3A_56] : memref<1600x32xf32, #tpu.memory_space<vmem>> -> memref<400x32xf32, #tpu.memory_space<vmem>>
      %dma_wait3A_58 = arith.constant 400 : i32
      %dma_wait3A_59 = tpu.memref_slice %arg5[%dma_wait3A_58] : memref<1600xi32, #tpu.memory_space<vmem>> -> memref<400xi32, #tpu.memory_space<vmem>>
      %dma_wait3A_60 = arith.constant 0 : i32
      %dma_wait3A_61 = arith.constant 0 : i32
      %dma_wait3A_62 = tpu.memref_slice %arg2[%dma_wait3A_60, %dma_wait3A_61] : memref<1000000x32xf32, #tpu.memory_space<hbm>> -> memref<1000000x32xf32, #tpu.memory_space<hbm>>
      tpu.wait_indirect_dma semaphore(%arg7 : memref<!tpu.dma_semaphore, #tpu.memory_space<semaphore_mem>>) src(%dma_wait3A_62 : memref<1000000x32xf32, #tpu.memory_space<hbm>>) dst(%dma_wait3A_57 : memref<400x32xf32, #tpu.memory_space<vmem>>)
      %dma_wait3A_63 = arith.constant 800 : i32
      %dma_wait3A_64 = arith.constant 0 : i32
      %dma_wait3A_65 = tpu.memref_slice %arg6[%dma_wait3A_63, %dma_wait3A_64] : memref<1600x32xf32, #tpu.memory_space<vmem>> -> memref<400x32xf32, #tpu.memory_space<vmem>>
      %dma_wait3A_66 = arith.constant 800 : i32
      %dma_wait3A_67 = tpu.memref_slice %arg5[%dma_wait3A_66] : memref<1600xi32, #tpu.memory_space<vmem>> -> memref<400xi32, #tpu.memory_space<vmem>>
      %dma_wait3A_68 = arith.constant 0 : i32
      %dma_wait3A_69 = arith.constant 0 : i32
      %dma_wait3A_70 = tpu.memref_slice %arg2[%dma_wait3A_68, %dma_wait3A_69] : memref<1000000x32xf32, #tpu.memory_space<hbm>> -> memref<1000000x32xf32, #tpu.memory_space<hbm>>
      tpu.wait_indirect_dma semaphore(%arg7 : memref<!tpu.dma_semaphore, #tpu.memory_space<semaphore_mem>>) src(%dma_wait3A_70 : memref<1000000x32xf32, #tpu.memory_space<hbm>>) dst(%dma_wait3A_65 : memref<400x32xf32, #tpu.memory_space<vmem>>)
      %dma_wait3A_71 = arith.constant 1200 : i32
      %dma_wait3A_72 = arith.constant 0 : i32
      %dma_wait3A_73 = tpu.memref_slice %arg6[%dma_wait3A_71, %dma_wait3A_72] : memref<1600x32xf32, #tpu.memory_space<vmem>> -> memref<400x32xf32, #tpu.memory_space<vmem>>
      %dma_wait3A_74 = arith.constant 1200 : i32
      %dma_wait3A_75 = tpu.memref_slice %arg5[%dma_wait3A_74] : memref<1600xi32, #tpu.memory_space<vmem>> -> memref<400xi32, #tpu.memory_space<vmem>>
      %dma_wait3A_76 = arith.constant 0 : i32
      %dma_wait3A_77 = arith.constant 0 : i32
      %dma_wait3A_78 = tpu.memref_slice %arg2[%dma_wait3A_76, %dma_wait3A_77] : memref<1000000x32xf32, #tpu.memory_space<hbm>> -> memref<1000000x32xf32, #tpu.memory_space<hbm>>
      tpu.wait_indirect_dma semaphore(%arg7 : memref<!tpu.dma_semaphore, #tpu.memory_space<semaphore_mem>>) src(%dma_wait3A_78 : memref<1000000x32xf32, #tpu.memory_space<hbm>>) dst(%dma_wait3A_73 : memref<400x32xf32, #tpu.memory_space<vmem>>)
      "tpu.region"() ({
        %run_scoped3A = tpu.sem_alloc : memref<!tpu.dma_semaphore, #tpu.memory_space<semaphore_mem>>
        %dma_start3A_79 = arith.constant 0 : i32
        %dma_start3A_80 = arith.constant 0 : i32
        %dma_start3A_81 = tpu.memref_slice %arg6[%dma_start3A_79, %dma_start3A_80] : memref<1600x32xf32, #tpu.memory_space<vmem>> -> memref<400x32xf32, #tpu.memory_space<vmem>>
        %dma_start3A_82 = arith.constant 0 : i32
        %dma_start3A_83 = tpu.memref_slice %arg4[%add3A_16, %dma_start3A_82] : memref<51200x128xf32, #tpu.memory_space<hbm>> -> memref<400x32xf32, #tpu.memory_space<hbm>>
        %dma_start3A_84 = arith.constant 0 : i32
        %dma_start3A_85 = tpu.memref_slice %arg4[%add3A_16, %dma_start3A_84] : memref<51200x128xf32, #tpu.memory_space<hbm>> -> memref<400x32xf32, #tpu.memory_space<hbm>>
        %dma_start3A_86 = arith.constant 0 : i32
        %dma_start3A_87 = arith.constant 0 : i32
        %dma_start3A_88 = tpu.memref_slice %arg6[%dma_start3A_86, %dma_start3A_87] : memref<1600x32xf32, #tpu.memory_space<vmem>> -> memref<400x32xf32, #tpu.memory_space<vmem>>
        tpu.enqueue_dma source(%dma_start3A_88 : memref<400x32xf32, #tpu.memory_space<vmem>>) target(%dma_start3A_85 : memref<400x32xf32, #tpu.memory_space<hbm>>) target_semaphore(%run_scoped3A : memref<!tpu.dma_semaphore, #tpu.memory_space<semaphore_mem>>)
        %dma_wait3A_89 = arith.constant 0 : i32
        %dma_wait3A_90 = arith.constant 0 : i32
        %dma_wait3A_91 = tpu.memref_slice %arg6[%dma_wait3A_89, %dma_wait3A_90] : memref<1600x32xf32, #tpu.memory_space<vmem>> -> memref<400x32xf32, #tpu.memory_space<vmem>>
        %dma_wait3A_92 = arith.constant 0 : i32
        %dma_wait3A_93 = tpu.memref_slice %arg4[%add3A_16, %dma_wait3A_92] : memref<51200x128xf32, #tpu.memory_space<hbm>> -> memref<400x32xf32, #tpu.memory_space<hbm>>
        %dma_wait3A_94 = arith.constant 0 : i32
        %dma_wait3A_95 = tpu.memref_slice %arg4[%add3A_16, %dma_wait3A_94] : memref<51200x128xf32, #tpu.memory_space<hbm>> -> memref<400x32xf32, #tpu.memory_space<hbm>>
        %dma_wait3A_96 = arith.constant 0 : i32
        %dma_wait3A_97 = arith.constant 0 : i32
        %dma_wait3A_98 = tpu.memref_slice %arg6[%dma_wait3A_96, %dma_wait3A_97] : memref<1600x32xf32, #tpu.memory_space<vmem>> -> memref<400x32xf32, #tpu.memory_space<vmem>>
        tpu.wait_dma2 semaphore(%run_scoped3A : memref<!tpu.dma_semaphore, #tpu.memory_space<semaphore_mem>>) src(%dma_wait3A_98 : memref<400x32xf32, #tpu.memory_space<vmem>>) dst(%dma_wait3A_95 : memref<400x32xf32, #tpu.memory_space<hbm>>)
        tpu.yield
      }) : () -> ()
      "tpu.region"() ({
        %run_scoped3A = tpu.sem_alloc : memref<!tpu.dma_semaphore, #tpu.memory_space<semaphore_mem>>
        %dma_start3A_79 = arith.constant 400 : i32
        %dma_start3A_80 = arith.constant 0 : i32
        %dma_start3A_81 = tpu.memref_slice %arg6[%dma_start3A_79, %dma_start3A_80] : memref<1600x32xf32, #tpu.memory_space<vmem>> -> memref<400x32xf32, #tpu.memory_space<vmem>>
        %dma_start3A_82 = arith.constant 32 : i32
        %dma_start3A_83 = tpu.memref_slice %arg4[%add3A_16, %dma_start3A_82] : memref<51200x128xf32, #tpu.memory_space<hbm>> -> memref<400x32xf32, #tpu.memory_space<hbm>>
        %dma_start3A_84 = arith.constant 32 : i32
        %dma_start3A_85 = tpu.memref_slice %arg4[%add3A_16, %dma_start3A_84] : memref<51200x128xf32, #tpu.memory_space<hbm>> -> memref<400x32xf32, #tpu.memory_space<hbm>>
        %dma_start3A_86 = arith.constant 400 : i32
        %dma_start3A_87 = arith.constant 0 : i32
        %dma_start3A_88 = tpu.memref_slice %arg6[%dma_start3A_86, %dma_start3A_87] : memref<1600x32xf32, #tpu.memory_space<vmem>> -> memref<400x32xf32, #tpu.memory_space<vmem>>
        tpu.enqueue_dma source(%dma_start3A_88 : memref<400x32xf32, #tpu.memory_space<vmem>>) target(%dma_start3A_85 : memref<400x32xf32, #tpu.memory_space<hbm>>) target_semaphore(%run_scoped3A : memref<!tpu.dma_semaphore, #tpu.memory_space<semaphore_mem>>)
        %dma_wait3A_89 = arith.constant 400 : i32
        %dma_wait3A_90 = arith.constant 0 : i32
        %dma_wait3A_91 = tpu.memref_slice %arg6[%dma_wait3A_89, %dma_wait3A_90] : memref<1600x32xf32, #tpu.memory_space<vmem>> -> memref<400x32xf32, #tpu.memory_space<vmem>>
        %dma_wait3A_92 = arith.constant 32 : i32
        %dma_wait3A_93 = tpu.memref_slice %arg4[%add3A_16, %dma_wait3A_92] : memref<51200x128xf32, #tpu.memory_space<hbm>> -> memref<400x32xf32, #tpu.memory_space<hbm>>
        %dma_wait3A_94 = arith.constant 32 : i32
        %dma_wait3A_95 = tpu.memref_slice %arg4[%add3A_16, %dma_wait3A_94] : memref<51200x128xf32, #tpu.memory_space<hbm>> -> memref<400x32xf32, #tpu.memory_space<hbm>>
        %dma_wait3A_96 = arith.constant 400 : i32
        %dma_wait3A_97 = arith.constant 0 : i32
        %dma_wait3A_98 = tpu.memref_slice %arg6[%dma_wait3A_96, %dma_wait3A_97] : memref<1600x32xf32, #tpu.memory_space<vmem>> -> memref<400x32xf32, #tpu.memory_space<vmem>>
        tpu.wait_dma2 semaphore(%run_scoped3A : memref<!tpu.dma_semaphore, #tpu.memory_space<semaphore_mem>>) src(%dma_wait3A_98 : memref<400x32xf32, #tpu.memory_space<vmem>>) dst(%dma_wait3A_95 : memref<400x32xf32, #tpu.memory_space<hbm>>)
        tpu.yield
      }) : () -> ()
      "tpu.region"() ({
        %run_scoped3A = tpu.sem_alloc : memref<!tpu.dma_semaphore, #tpu.memory_space<semaphore_mem>>
        %dma_start3A_79 = arith.constant 800 : i32
        %dma_start3A_80 = arith.constant 0 : i32
        %dma_start3A_81 = tpu.memref_slice %arg6[%dma_start3A_79, %dma_start3A_80] : memref<1600x32xf32, #tpu.memory_space<vmem>> -> memref<400x32xf32, #tpu.memory_space<vmem>>
        %dma_start3A_82 = arith.constant 64 : i32
        %dma_start3A_83 = tpu.memref_slice %arg4[%add3A_16, %dma_start3A_82] : memref<51200x128xf32, #tpu.memory_space<hbm>> -> memref<400x32xf32, #tpu.memory_space<hbm>>
        %dma_start3A_84 = arith.constant 64 : i32
        %dma_start3A_85 = tpu.memref_slice %arg4[%add3A_16, %dma_start3A_84] : memref<51200x128xf32, #tpu.memory_space<hbm>> -> memref<400x32xf32, #tpu.memory_space<hbm>>
        %dma_start3A_86 = arith.constant 800 : i32
        %dma_start3A_87 = arith.constant 0 : i32
        %dma_start3A_88 = tpu.memref_slice %arg6[%dma_start3A_86, %dma_start3A_87] : memref<1600x32xf32, #tpu.memory_space<vmem>> -> memref<400x32xf32, #tpu.memory_space<vmem>>
        tpu.enqueue_dma source(%dma_start3A_88 : memref<400x32xf32, #tpu.memory_space<vmem>>) target(%dma_start3A_85 : memref<400x32xf32, #tpu.memory_space<hbm>>) target_semaphore(%run_scoped3A : memref<!tpu.dma_semaphore, #tpu.memory_space<semaphore_mem>>)
        %dma_wait3A_89 = arith.constant 800 : i32
        %dma_wait3A_90 = arith.constant 0 : i32
        %dma_wait3A_91 = tpu.memref_slice %arg6[%dma_wait3A_89, %dma_wait3A_90] : memref<1600x32xf32, #tpu.memory_space<vmem>> -> memref<400x32xf32, #tpu.memory_space<vmem>>
        %dma_wait3A_92 = arith.constant 64 : i32
        %dma_wait3A_93 = tpu.memref_slice %arg4[%add3A_16, %dma_wait3A_92] : memref<51200x128xf32, #tpu.memory_space<hbm>> -> memref<400x32xf32, #tpu.memory_space<hbm>>
        %dma_wait3A_94 = arith.constant 64 : i32
        %dma_wait3A_95 = tpu.memref_slice %arg4[%add3A_16, %dma_wait3A_94] : memref<51200x128xf32, #tpu.memory_space<hbm>> -> memref<400x32xf32, #tpu.memory_space<hbm>>
        %dma_wait3A_96 = arith.constant 800 : i32
        %dma_wait3A_97 = arith.constant 0 : i32
        %dma_wait3A_98 = tpu.memref_slice %arg6[%dma_wait3A_96, %dma_wait3A_97] : memref<1600x32xf32, #tpu.memory_space<vmem>> -> memref<400x32xf32, #tpu.memory_space<vmem>>
        tpu.wait_dma2 semaphore(%run_scoped3A : memref<!tpu.dma_semaphore, #tpu.memory_space<semaphore_mem>>) src(%dma_wait3A_98 : memref<400x32xf32, #tpu.memory_space<vmem>>) dst(%dma_wait3A_95 : memref<400x32xf32, #tpu.memory_space<hbm>>)
        tpu.yield
      }) : () -> ()
      "tpu.region"() ({
        %run_scoped3A = tpu.sem_alloc : memref<!tpu.dma_semaphore, #tpu.memory_space<semaphore_mem>>
        %dma_start3A_79 = arith.constant 1200 : i32
        %dma_start3A_80 = arith.constant 0 : i32
        %dma_start3A_81 = tpu.memref_slice %arg6[%dma_start3A_79, %dma_start3A_80] : memref<1600x32xf32, #tpu.memory_space<vmem>> -> memref<400x32xf32, #tpu.memory_space<vmem>>
        %dma_start3A_82 = arith.constant 96 : i32
        %dma_start3A_83 = tpu.memref_slice %arg4[%add3A_16, %dma_start3A_82] : memref<51200x128xf32, #tpu.memory_space<hbm>> -> memref<400x32xf32, #tpu.memory_space<hbm>>
        %dma_start3A_84 = arith.constant 96 : i32
        %dma_start3A_85 = tpu.memref_slice %arg4[%add3A_16, %dma_start3A_84] : memref<51200x128xf32, #tpu.memory_space<hbm>> -> memref<400x32xf32, #tpu.memory_space<hbm>>
        %dma_start3A_86 = arith.constant 1200 : i32
        %dma_start3A_87 = arith.constant 0 : i32
        %dma_start3A_88 = tpu.memref_slice %arg6[%dma_start3A_86, %dma_start3A_87] : memref<1600x32xf32, #tpu.memory_space<vmem>> -> memref<400x32xf32, #tpu.memory_space<vmem>>
        tpu.enqueue_dma source(%dma_start3A_88 : memref<400x32xf32, #tpu.memory_space<vmem>>) target(%dma_start3A_85 : memref<400x32xf32, #tpu.memory_space<hbm>>) target_semaphore(%run_scoped3A : memref<!tpu.dma_semaphore, #tpu.memory_space<semaphore_mem>>)
        %dma_wait3A_89 = arith.constant 1200 : i32
        %dma_wait3A_90 = arith.constant 0 : i32
        %dma_wait3A_91 = tpu.memref_slice %arg6[%dma_wait3A_89, %dma_wait3A_90] : memref<1600x32xf32, #tpu.memory_space<vmem>> -> memref<400x32xf32, #tpu.memory_space<vmem>>
        %dma_wait3A_92 = arith.constant 96 : i32
        %dma_wait3A_93 = tpu.memref_slice %arg4[%add3A_16, %dma_wait3A_92] : memref<51200x128xf32, #tpu.memory_space<hbm>> -> memref<400x32xf32, #tpu.memory_space<hbm>>
        %dma_wait3A_94 = arith.constant 96 : i32
        %dma_wait3A_95 = tpu.memref_slice %arg4[%add3A_16, %dma_wait3A_94] : memref<51200x128xf32, #tpu.memory_space<hbm>> -> memref<400x32xf32, #tpu.memory_space<hbm>>
        %dma_wait3A_96 = arith.constant 1200 : i32
        %dma_wait3A_97 = arith.constant 0 : i32
        %dma_wait3A_98 = tpu.memref_slice %arg6[%dma_wait3A_96, %dma_wait3A_97] : memref<1600x32xf32, #tpu.memory_space<vmem>> -> memref<400x32xf32, #tpu.memory_space<vmem>>
        tpu.wait_dma2 semaphore(%run_scoped3A : memref<!tpu.dma_semaphore, #tpu.memory_space<semaphore_mem>>) src(%dma_wait3A_98 : memref<400x32xf32, #tpu.memory_space<vmem>>) dst(%dma_wait3A_95 : memref<400x32xf32, #tpu.memory_space<hbm>>)
        tpu.yield
      }) : () -> ()
    }
    %scan3A_9 = arith.constant 4 : i32
    return
  }
}

#map = affine_map<(d0, d1) -> (0, 0)>
#map1 = affine_map<(d0, d1) -> (0)>
module attributes {stable_mosaic.version = 14 : i64} {
  func.func @_sc_gather(%arg0: i32, %arg1: i32, %arg2: memref<1000000x32xf32, #tpu.memory_space<hbm>>, %arg3: memref<204800xi32, #tpu.memory_space<hbm>>, %arg4: memref<51200x128xf32, #tpu.memory_space<hbm>>, %arg5: memref<1600xi32, #tpu.memory_space<vmem>>, %arg6: memref<1600x32xf32, #tpu.memory_space<vmem>>, %arg7: memref<!tpu.dma_semaphore, #tpu.memory_space<semaphore_mem>>) attributes {dimension_semantics = [#tpu.dimension_semantics<core_parallel>, #tpu.dimension_semantics<subcore_parallel>], iteration_bounds = array<i64: 2, 16>, scalar_prefetch = 0 : i64, scratch_operands = 3 : i64, tpu.core_type = #tpu.core_type<sc_vector_subcore>, window_params = [{transform_indices = #map}, {transform_indices = #map1}, {transform_indices = #map}]} {
    %mul3A = arith.constant 2 : i32
    %mul3A_0 = arith.muli %arg1, %mul3A : i32
    %add3A = arith.addi %mul3A_0, %arg0 : i32
    %mul3A_1 = arith.constant 6400 : i32
    %mul3A_2 = arith.muli %add3A, %mul3A_1 : i32
    %mul3A_3 = arith.constant 1600 : i32
    %mul3A_4 = arith.muli %add3A, %mul3A_3 : i32
    %scan3A = arith.constant 0 : i32
    %scan3A_5 = arith.constant 0 : i32
    %scan3A_6 = arith.constant 4 : i32
    %scan3A_7 = arith.addi %scan3A_5, %scan3A_6 : i32
    %scan3A_8 = arith.constant 1 : i32
    scf.for %scan3A_10 = %scan3A_5 to %scan3A_7 step %scan3A_8  : i32 {
      %mul3A_11 = arith.constant 1600 : i32
      %mul3A_12 = arith.muli %scan3A_10, %mul3A_11 : i32
      %add3A_13 = arith.addi %mul3A_2, %mul3A_12 : i32
      %mul3A_14 = arith.constant 400 : i32
      %mul3A_15 = arith.muli %scan3A_10, %mul3A_14 : i32
      %add3A_16 = arith.addi %mul3A_4, %mul3A_15 : i32
      "tpu.region"() ({
        %run_scoped3A = tpu.sem_alloc : memref<!tpu.dma_semaphore, #tpu.memory_space<semaphore_mem>>
        %dma_start3A_79 = tpu.memref_slice %arg3[%add3A_13] : memref<204800xi32, #tpu.memory_space<hbm>> -> memref<1600xi32, #tpu.memory_space<hbm>>
        %dma_start3A_80 = tpu.memref_slice %arg3[%add3A_13] : memref<204800xi32, #tpu.memory_space<hbm>> -> memref<1600xi32, #tpu.memory_space<hbm>>
        tpu.enqueue_dma source(%dma_start3A_80 : memref<1600xi32, #tpu.memory_space<hbm>>) target(%arg5 : memref<1600xi32, #tpu.memory_space<vmem>>) target_semaphore(%run_scoped3A : memref<!tpu.dma_semaphore, #tpu.memory_space<semaphore_mem>>)
        %dma_wait3A_81 = tpu.memref_slice %arg3[%add3A_13] : memref<204800xi32, #tpu.memory_space<hbm>> -> memref<1600xi32, #tpu.memory_space<hbm>>
        %dma_wait3A_82 = tpu.memref_slice %arg3[%add3A_13] : memref<204800xi32, #tpu.memory_space<hbm>> -> memref<1600xi32, #tpu.memory_space<hbm>>
        tpu.wait_dma2 semaphore(%run_scoped3A : memref<!tpu.dma_semaphore, #tpu.memory_space<semaphore_mem>>) src(%dma_wait3A_82 : memref<1600xi32, #tpu.memory_space<hbm>>) dst(%arg5 : memref<1600xi32, #tpu.memory_space<vmem>>)
        tpu.yield
      }) : () -> ()
      %dma_start3A = arith.constant 0 : i32
      %dma_start3A_17 = arith.constant 0 : i32
      %dma_start3A_18 = tpu.memref_slice %arg6[%dma_start3A, %dma_start3A_17] : memref<1600x32xf32, #tpu.memory_space<vmem>> -> memref<400x32xf32, #tpu.memory_space<vmem>>
      %dma_start3A_19 = arith.constant 0 : i32
      %dma_start3A_20 = tpu.memref_slice %arg5[%dma_start3A_19] : memref<1600xi32, #tpu.memory_space<vmem>> -> memref<400xi32, #tpu.memory_space<vmem>>
      %dma_start3A_21 = arith.constant 0 : i32
      %dma_start3A_22 = arith.constant 0 : i32
      %dma_start3A_23 = tpu.memref_slice %arg2[%dma_start3A_21, %dma_start3A_22] : memref<1000000x32xf32, #tpu.memory_space<hbm>> -> memref<1000000x32xf32, #tpu.memory_space<hbm>>
      tpu.enqueue_indirect_dma source(%dma_start3A_23 : memref<1000000x32xf32, #tpu.memory_space<hbm>>) target(%dma_start3A_18 : memref<400x32xf32, #tpu.memory_space<vmem>>) offsets(%dma_start3A_20 : memref<400xi32, #tpu.memory_space<vmem>>) semaphore(%arg7 : memref<!tpu.dma_semaphore, #tpu.memory_space<semaphore_mem>>)
      %dma_start3A_24 = arith.constant 400 : i32
      %dma_start3A_25 = arith.constant 0 : i32
      %dma_start3A_26 = tpu.memref_slice %arg6[%dma_start3A_24, %dma_start3A_25] : memref<1600x32xf32, #tpu.memory_space<vmem>> -> memref<400x32xf32, #tpu.memory_space<vmem>>
      %dma_start3A_27 = arith.constant 400 : i32
      %dma_start3A_28 = tpu.memref_slice %arg5[%dma_start3A_27] : memref<1600xi32, #tpu.memory_space<vmem>> -> memref<400xi32, #tpu.memory_space<vmem>>
      %dma_start3A_29 = arith.constant 0 : i32
      %dma_start3A_30 = arith.constant 0 : i32
      %dma_start3A_31 = tpu.memref_slice %arg2[%dma_start3A_29, %dma_start3A_30] : memref<1000000x32xf32, #tpu.memory_space<hbm>> -> memref<1000000x32xf32, #tpu.memory_space<hbm>>
      tpu.enqueue_indirect_dma source(%dma_start3A_31 : memref<1000000x32xf32, #tpu.memory_space<hbm>>) target(%dma_start3A_26 : memref<400x32xf32, #tpu.memory_space<vmem>>) offsets(%dma_start3A_28 : memref<400xi32, #tpu.memory_space<vmem>>) semaphore(%arg7 : memref<!tpu.dma_semaphore, #tpu.memory_space<semaphore_mem>>)
      %dma_start3A_32 = arith.constant 800 : i32
      %dma_start3A_33 = arith.constant 0 : i32
      %dma_start3A_34 = tpu.memref_slice %arg6[%dma_start3A_32, %dma_start3A_33] : memref<1600x32xf32, #tpu.memory_space<vmem>> -> memref<400x32xf32, #tpu.memory_space<vmem>>
      %dma_start3A_35 = arith.constant 800 : i32
      %dma_start3A_36 = tpu.memref_slice %arg5[%dma_start3A_35] : memref<1600xi32, #tpu.memory_space<vmem>> -> memref<400xi32, #tpu.memory_space<vmem>>
      %dma_start3A_37 = arith.constant 0 : i32
      %dma_start3A_38 = arith.constant 0 : i32
      %dma_start3A_39 = tpu.memref_slice %arg2[%dma_start3A_37, %dma_start3A_38] : memref<1000000x32xf32, #tpu.memory_space<hbm>> -> memref<1000000x32xf32, #tpu.memory_space<hbm>>
      tpu.enqueue_indirect_dma source(%dma_start3A_39 : memref<1000000x32xf32, #tpu.memory_space<hbm>>) target(%dma_start3A_34 : memref<400x32xf32, #tpu.memory_space<vmem>>) offsets(%dma_start3A_36 : memref<400xi32, #tpu.memory_space<vmem>>) semaphore(%arg7 : memref<!tpu.dma_semaphore, #tpu.memory_space<semaphore_mem>>)
      %dma_start3A_40 = arith.constant 1200 : i32
      %dma_start3A_41 = arith.constant 0 : i32
      %dma_start3A_42 = tpu.memref_slice %arg6[%dma_start3A_40, %dma_start3A_41] : memref<1600x32xf32, #tpu.memory_space<vmem>> -> memref<400x32xf32, #tpu.memory_space<vmem>>
      %dma_start3A_43 = arith.constant 1200 : i32
      %dma_start3A_44 = tpu.memref_slice %arg5[%dma_start3A_43] : memref<1600xi32, #tpu.memory_space<vmem>> -> memref<400xi32, #tpu.memory_space<vmem>>
      %dma_start3A_45 = arith.constant 0 : i32
      %dma_start3A_46 = arith.constant 0 : i32
      %dma_start3A_47 = tpu.memref_slice %arg2[%dma_start3A_45, %dma_start3A_46] : memref<1000000x32xf32, #tpu.memory_space<hbm>> -> memref<1000000x32xf32, #tpu.memory_space<hbm>>
      tpu.enqueue_indirect_dma source(%dma_start3A_47 : memref<1000000x32xf32, #tpu.memory_space<hbm>>) target(%dma_start3A_42 : memref<400x32xf32, #tpu.memory_space<vmem>>) offsets(%dma_start3A_44 : memref<400xi32, #tpu.memory_space<vmem>>) semaphore(%arg7 : memref<!tpu.dma_semaphore, #tpu.memory_space<semaphore_mem>>)
      %dma_wait3A = arith.constant 0 : i32
      %dma_wait3A_48 = arith.constant 0 : i32
      %dma_wait3A_49 = tpu.memref_slice %arg6[%dma_wait3A, %dma_wait3A_48] : memref<1600x32xf32, #tpu.memory_space<vmem>> -> memref<400x32xf32, #tpu.memory_space<vmem>>
      %dma_wait3A_50 = arith.constant 0 : i32
      %dma_wait3A_51 = tpu.memref_slice %arg5[%dma_wait3A_50] : memref<1600xi32, #tpu.memory_space<vmem>> -> memref<400xi32, #tpu.memory_space<vmem>>
      %dma_wait3A_52 = arith.constant 0 : i32
      %dma_wait3A_53 = arith.constant 0 : i32
      %dma_wait3A_54 = tpu.memref_slice %arg2[%dma_wait3A_52, %dma_wait3A_53] : memref<1000000x32xf32, #tpu.memory_space<hbm>> -> memref<1000000x32xf32, #tpu.memory_space<hbm>>
      tpu.wait_indirect_dma semaphore(%arg7 : memref<!tpu.dma_semaphore, #tpu.memory_space<semaphore_mem>>) src(%dma_wait3A_54 : memref<1000000x32xf32, #tpu.memory_space<hbm>>) dst(%dma_wait3A_49 : memref<400x32xf32, #tpu.memory_space<vmem>>)
      %dma_wait3A_55 = arith.constant 400 : i32
      %dma_wait3A_56 = arith.constant 0 : i32
      %dma_wait3A_57 = tpu.memref_slice %arg6[%dma_wait3A_55, %dma_wait3A_56] : memref<1600x32xf32, #tpu.memory_space<vmem>> -> memref<400x32xf32, #tpu.memory_space<vmem>>
      %dma_wait3A_58 = arith.constant 400 : i32
      %dma_wait3A_59 = tpu.memref_slice %arg5[%dma_wait3A_58] : memref<1600xi32, #tpu.memory_space<vmem>> -> memref<400xi32, #tpu.memory_space<vmem>>
      %dma_wait3A_60 = arith.constant 0 : i32
      %dma_wait3A_61 = arith.constant 0 : i32
      %dma_wait3A_62 = tpu.memref_slice %arg2[%dma_wait3A_60, %dma_wait3A_61] : memref<1000000x32xf32, #tpu.memory_space<hbm>> -> memref<1000000x32xf32, #tpu.memory_space<hbm>>
      tpu.wait_indirect_dma semaphore(%arg7 : memref<!tpu.dma_semaphore, #tpu.memory_space<semaphore_mem>>) src(%dma_wait3A_62 : memref<1000000x32xf32, #tpu.memory_space<hbm>>) dst(%dma_wait3A_57 : memref<400x32xf32, #tpu.memory_space<vmem>>)
      %dma_wait3A_63 = arith.constant 800 : i32
      %dma_wait3A_64 = arith.constant 0 : i32
      %dma_wait3A_65 = tpu.memref_slice %arg6[%dma_wait3A_63, %dma_wait3A_64] : memref<1600x32xf32, #tpu.memory_space<vmem>> -> memref<400x32xf32, #tpu.memory_space<vmem>>
      %dma_wait3A_66 = arith.constant 800 : i32
      %dma_wait3A_67 = tpu.memref_slice %arg5[%dma_wait3A_66] : memref<1600xi32, #tpu.memory_space<vmem>> -> memref<400xi32, #tpu.memory_space<vmem>>
      %dma_wait3A_68 = arith.constant 0 : i32
      %dma_wait3A_69 = arith.constant 0 : i32
      %dma_wait3A_70 = tpu.memref_slice %arg2[%dma_wait3A_68, %dma_wait3A_69] : memref<1000000x32xf32, #tpu.memory_space<hbm>> -> memref<1000000x32xf32, #tpu.memory_space<hbm>>
      tpu.wait_indirect_dma semaphore(%arg7 : memref<!tpu.dma_semaphore, #tpu.memory_space<semaphore_mem>>) src(%dma_wait3A_70 : memref<1000000x32xf32, #tpu.memory_space<hbm>>) dst(%dma_wait3A_65 : memref<400x32xf32, #tpu.memory_space<vmem>>)
      %dma_wait3A_71 = arith.constant 1200 : i32
      %dma_wait3A_72 = arith.constant 0 : i32
      %dma_wait3A_73 = tpu.memref_slice %arg6[%dma_wait3A_71, %dma_wait3A_72] : memref<1600x32xf32, #tpu.memory_space<vmem>> -> memref<400x32xf32, #tpu.memory_space<vmem>>
      %dma_wait3A_74 = arith.constant 1200 : i32
      %dma_wait3A_75 = tpu.memref_slice %arg5[%dma_wait3A_74] : memref<1600xi32, #tpu.memory_space<vmem>> -> memref<400xi32, #tpu.memory_space<vmem>>
      %dma_wait3A_76 = arith.constant 0 : i32
      %dma_wait3A_77 = arith.constant 0 : i32
      %dma_wait3A_78 = tpu.memref_slice %arg2[%dma_wait3A_76, %dma_wait3A_77] : memref<1000000x32xf32, #tpu.memory_space<hbm>> -> memref<1000000x32xf32, #tpu.memory_space<hbm>>
      tpu.wait_indirect_dma semaphore(%arg7 : memref<!tpu.dma_semaphore, #tpu.memory_space<semaphore_mem>>) src(%dma_wait3A_78 : memref<1000000x32xf32, #tpu.memory_space<hbm>>) dst(%dma_wait3A_73 : memref<400x32xf32, #tpu.memory_space<vmem>>)
      "tpu.region"() ({
        %run_scoped3A = tpu.sem_alloc : memref<!tpu.dma_semaphore, #tpu.memory_space<semaphore_mem>>
        %dma_start3A_79 = arith.constant 0 : i32
        %dma_start3A_80 = arith.constant 0 : i32
        %dma_start3A_81 = tpu.memref_slice %arg6[%dma_start3A_79, %dma_start3A_80] : memref<1600x32xf32, #tpu.memory_space<vmem>> -> memref<400x32xf32, #tpu.memory_space<vmem>>
        %dma_start3A_82 = arith.constant 0 : i32
        %dma_start3A_83 = tpu.memref_slice %arg4[%add3A_16, %dma_start3A_82] : memref<51200x128xf32, #tpu.memory_space<hbm>> -> memref<400x32xf32, #tpu.memory_space<hbm>>
        %dma_start3A_84 = arith.constant 0 : i32
        %dma_start3A_85 = tpu.memref_slice %arg4[%add3A_16, %dma_start3A_84] : memref<51200x128xf32, #tpu.memory_space<hbm>> -> memref<400x32xf32, #tpu.memory_space<hbm>>
        %dma_start3A_86 = arith.constant 0 : i32
        %dma_start3A_87 = arith.constant 0 : i32
        %dma_start3A_88 = tpu.memref_slice %arg6[%dma_start3A_86, %dma_start3A_87] : memref<1600x32xf32, #tpu.memory_space<vmem>> -> memref<400x32xf32, #tpu.memory_space<vmem>>
        tpu.enqueue_dma source(%dma_start3A_88 : memref<400x32xf32, #tpu.memory_space<vmem>>) target(%dma_start3A_85 : memref<400x32xf32, #tpu.memory_space<hbm>>) target_semaphore(%run_scoped3A : memref<!tpu.dma_semaphore, #tpu.memory_space<semaphore_mem>>)
        %dma_wait3A_89 = arith.constant 0 : i32
        %dma_wait3A_90 = arith.constant 0 : i32
        %dma_wait3A_91 = tpu.memref_slice %arg6[%dma_wait3A_89, %dma_wait3A_90] : memref<1600x32xf32, #tpu.memory_space<vmem>> -> memref<400x32xf32, #tpu.memory_space<vmem>>
        %dma_wait3A_92 = arith.constant 0 : i32
        %dma_wait3A_93 = tpu.memref_slice %arg4[%add3A_16, %dma_wait3A_92] : memref<51200x128xf32, #tpu.memory_space<hbm>> -> memref<400x32xf32, #tpu.memory_space<hbm>>
        %dma_wait3A_94 = arith.constant 0 : i32
        %dma_wait3A_95 = tpu.memref_slice %arg4[%add3A_16, %dma_wait3A_94] : memref<51200x128xf32, #tpu.memory_space<hbm>> -> memref<400x32xf32, #tpu.memory_space<hbm>>
        %dma_wait3A_96 = arith.constant 0 : i32
        %dma_wait3A_97 = arith.constant 0 : i32
        %dma_wait3A_98 = tpu.memref_slice %arg6[%dma_wait3A_96, %dma_wait3A_97] : memref<1600x32xf32, #tpu.memory_space<vmem>> -> memref<400x32xf32, #tpu.memory_space<vmem>>
        tpu.wait_dma2 semaphore(%run_scoped3A : memref<!tpu.dma_semaphore, #tpu.memory_space<semaphore_mem>>) src(%dma_wait3A_98 : memref<400x32xf32, #tpu.memory_space<vmem>>) dst(%dma_wait3A_95 : memref<400x32xf32, #tpu.memory_space<hbm>>)
        tpu.yield
      }) : () -> ()
      "tpu.region"() ({
        %run_scoped3A = tpu.sem_alloc : memref<!tpu.dma_semaphore, #tpu.memory_space<semaphore_mem>>
        %dma_start3A_79 = arith.constant 400 : i32
        %dma_start3A_80 = arith.constant 0 : i32
        %dma_start3A_81 = tpu.memref_slice %arg6[%dma_start3A_79, %dma_start3A_80] : memref<1600x32xf32, #tpu.memory_space<vmem>> -> memref<400x32xf32, #tpu.memory_space<vmem>>
        %dma_start3A_82 = arith.constant 32 : i32
        %dma_start3A_83 = tpu.memref_slice %arg4[%add3A_16, %dma_start3A_82] : memref<51200x128xf32, #tpu.memory_space<hbm>> -> memref<400x32xf32, #tpu.memory_space<hbm>>
        %dma_start3A_84 = arith.constant 32 : i32
        %dma_start3A_85 = tpu.memref_slice %arg4[%add3A_16, %dma_start3A_84] : memref<51200x128xf32, #tpu.memory_space<hbm>> -> memref<400x32xf32, #tpu.memory_space<hbm>>
        %dma_start3A_86 = arith.constant 400 : i32
        %dma_start3A_87 = arith.constant 0 : i32
        %dma_start3A_88 = tpu.memref_slice %arg6[%dma_start3A_86, %dma_start3A_87] : memref<1600x32xf32, #tpu.memory_space<vmem>> -> memref<400x32xf32, #tpu.memory_space<vmem>>
        tpu.enqueue_dma source(%dma_start3A_88 : memref<400x32xf32, #tpu.memory_space<vmem>>) target(%dma_start3A_85 : memref<400x32xf32, #tpu.memory_space<hbm>>) target_semaphore(%run_scoped3A : memref<!tpu.dma_semaphore, #tpu.memory_space<semaphore_mem>>)
        %dma_wait3A_89 = arith.constant 400 : i32
        %dma_wait3A_90 = arith.constant 0 : i32
        %dma_wait3A_91 = tpu.memref_slice %arg6[%dma_wait3A_89, %dma_wait3A_90] : memref<1600x32xf32, #tpu.memory_space<vmem>> -> memref<400x32xf32, #tpu.memory_space<vmem>>
        %dma_wait3A_92 = arith.constant 32 : i32
        %dma_wait3A_93 = tpu.memref_slice %arg4[%add3A_16, %dma_wait3A_92] : memref<51200x128xf32, #tpu.memory_space<hbm>> -> memref<400x32xf32, #tpu.memory_space<hbm>>
        %dma_wait3A_94 = arith.constant 32 : i32
        %dma_wait3A_95 = tpu.memref_slice %arg4[%add3A_16, %dma_wait3A_94] : memref<51200x128xf32, #tpu.memory_space<hbm>> -> memref<400x32xf32, #tpu.memory_space<hbm>>
        %dma_wait3A_96 = arith.constant 400 : i32
        %dma_wait3A_97 = arith.constant 0 : i32
        %dma_wait3A_98 = tpu.memref_slice %arg6[%dma_wait3A_96, %dma_wait3A_97] : memref<1600x32xf32, #tpu.memory_space<vmem>> -> memref<400x32xf32, #tpu.memory_space<vmem>>
        tpu.wait_dma2 semaphore(%run_scoped3A : memref<!tpu.dma_semaphore, #tpu.memory_space<semaphore_mem>>) src(%dma_wait3A_98 : memref<400x32xf32, #tpu.memory_space<vmem>>) dst(%dma_wait3A_95 : memref<400x32xf32, #tpu.memory_space<hbm>>)
        tpu.yield
      }) : () -> ()
      "tpu.region"() ({
        %run_scoped3A = tpu.sem_alloc : memref<!tpu.dma_semaphore, #tpu.memory_space<semaphore_mem>>
        %dma_start3A_79 = arith.constant 800 : i32
        %dma_start3A_80 = arith.constant 0 : i32
        %dma_start3A_81 = tpu.memref_slice %arg6[%dma_start3A_79, %dma_start3A_80] : memref<1600x32xf32, #tpu.memory_space<vmem>> -> memref<400x32xf32, #tpu.memory_space<vmem>>
        %dma_start3A_82 = arith.constant 64 : i32
        %dma_start3A_83 = tpu.memref_slice %arg4[%add3A_16, %dma_start3A_82] : memref<51200x128xf32, #tpu.memory_space<hbm>> -> memref<400x32xf32, #tpu.memory_space<hbm>>
        %dma_start3A_84 = arith.constant 64 : i32
        %dma_start3A_85 = tpu.memref_slice %arg4[%add3A_16, %dma_start3A_84] : memref<51200x128xf32, #tpu.memory_space<hbm>> -> memref<400x32xf32, #tpu.memory_space<hbm>>
        %dma_start3A_86 = arith.constant 800 : i32
        %dma_start3A_87 = arith.constant 0 : i32
        %dma_start3A_88 = tpu.memref_slice %arg6[%dma_start3A_86, %dma_start3A_87] : memref<1600x32xf32, #tpu.memory_space<vmem>> -> memref<400x32xf32, #tpu.memory_space<vmem>>
        tpu.enqueue_dma source(%dma_start3A_88 : memref<400x32xf32, #tpu.memory_space<vmem>>) target(%dma_start3A_85 : memref<400x32xf32, #tpu.memory_space<hbm>>) target_semaphore(%run_scoped3A : memref<!tpu.dma_semaphore, #tpu.memory_space<semaphore_mem>>)
        %dma_wait3A_89 = arith.constant 800 : i32
        %dma_wait3A_90 = arith.constant 0 : i32
        %dma_wait3A_91 = tpu.memref_slice %arg6[%dma_wait3A_89, %dma_wait3A_90] : memref<1600x32xf32, #tpu.memory_space<vmem>> -> memref<400x32xf32, #tpu.memory_space<vmem>>
        %dma_wait3A_92 = arith.constant 64 : i32
        %dma_wait3A_93 = tpu.memref_slice %arg4[%add3A_16, %dma_wait3A_92] : memref<51200x128xf32, #tpu.memory_space<hbm>> -> memref<400x32xf32, #tpu.memory_space<hbm>>
        %dma_wait3A_94 = arith.constant 64 : i32
        %dma_wait3A_95 = tpu.memref_slice %arg4[%add3A_16, %dma_wait3A_94] : memref<51200x128xf32, #tpu.memory_space<hbm>> -> memref<400x32xf32, #tpu.memory_space<hbm>>
        %dma_wait3A_96 = arith.constant 800 : i32
        %dma_wait3A_97 = arith.constant 0 : i32
        %dma_wait3A_98 = tpu.memref_slice %arg6[%dma_wait3A_96, %dma_wait3A_97] : memref<1600x32xf32, #tpu.memory_space<vmem>> -> memref<400x32xf32, #tpu.memory_space<vmem>>
        tpu.wait_dma2 semaphore(%run_scoped3A : memref<!tpu.dma_semaphore, #tpu.memory_space<semaphore_mem>>) src(%dma_wait3A_98 : memref<400x32xf32, #tpu.memory_space<vmem>>) dst(%dma_wait3A_95 : memref<400x32xf32, #tpu.memory_space<hbm>>)
        tpu.yield
      }) : () -> ()
      "tpu.region"() ({
        %run_scoped3A = tpu.sem_alloc : memref<!tpu.dma_semaphore, #tpu.memory_space<semaphore_mem>>
        %dma_start3A_79 = arith.constant 1200 : i32
        %dma_start3A_80 = arith.constant 0 : i32
        %dma_start3A_81 = tpu.memref_slice %arg6[%dma_start3A_79, %dma_start3A_80] : memref<1600x32xf32, #tpu.memory_space<vmem>> -> memref<400x32xf32, #tpu.memory_space<vmem>>
        %dma_start3A_82 = arith.constant 96 : i32
        %dma_start3A_83 = tpu.memref_slice %arg4[%add3A_16, %dma_start3A_82] : memref<51200x128xf32, #tpu.memory_space<hbm>> -> memref<400x32xf32, #tpu.memory_space<hbm>>
        %dma_start3A_84 = arith.constant 96 : i32
        %dma_start3A_85 = tpu.memref_slice %arg4[%add3A_16, %dma_start3A_84] : memref<51200x128xf32, #tpu.memory_space<hbm>> -> memref<400x32xf32, #tpu.memory_space<hbm>>
        %dma_start3A_86 = arith.constant 1200 : i32
        %dma_start3A_87 = arith.constant 0 : i32
        %dma_start3A_88 = tpu.memref_slice %arg6[%dma_start3A_86, %dma_start3A_87] : memref<1600x32xf32, #tpu.memory_space<vmem>> -> memref<400x32xf32, #tpu.memory_space<vmem>>
        tpu.enqueue_dma source(%dma_start3A_88 : memref<400x32xf32, #tpu.memory_space<vmem>>) target(%dma_start3A_85 : memref<400x32xf32, #tpu.memory_space<hbm>>) target_semaphore(%run_scoped3A : memref<!tpu.dma_semaphore, #tpu.memory_space<semaphore_mem>>)
        %dma_wait3A_89 = arith.constant 1200 : i32
        %dma_wait3A_90 = arith.constant 0 : i32
        %dma_wait3A_91 = tpu.memref_slice %arg6[%dma_wait3A_89, %dma_wait3A_90] : memref<1600x32xf32, #tpu.memory_space<vmem>> -> memref<400x32xf32, #tpu.memory_space<vmem>>
        %dma_wait3A_92 = arith.constant 96 : i32
        %dma_wait3A_93 = tpu.memref_slice %arg4[%add3A_16, %dma_wait3A_92] : memref<51200x128xf32, #tpu.memory_space<hbm>> -> memref<400x32xf32, #tpu.memory_space<hbm>>
        %dma_wait3A_94 = arith.constant 96 : i32
        %dma_wait3A_95 = tpu.memref_slice %arg4[%add3A_16, %dma_wait3A_94] : memref<51200x128xf32, #tpu.memory_space<hbm>> -> memref<400x32xf32, #tpu.memory_space<hbm>>
        %dma_wait3A_96 = arith.constant 1200 : i32
        %dma_wait3A_97 = arith.constant 0 : i32
        %dma_wait3A_98 = tpu.memref_slice %arg6[%dma_wait3A_96, %dma_wait3A_97] : memref<1600x32xf32, #tpu.memory_space<vmem>> -> memref<400x32xf32, #tpu.memory_space<vmem>>
        tpu.wait_dma2 semaphore(%run_scoped3A : memref<!tpu.dma_semaphore, #tpu.memory_space<semaphore_mem>>) src(%dma_wait3A_98 : memref<400x32xf32, #tpu.memory_space<vmem>>) dst(%dma_wait3A_95 : memref<400x32xf32, #tpu.memory_space<hbm>>)
        tpu.yield
      }) : () -> ()
    }
    %scan3A_9 = arith.constant 4 : i32
    return
  }
}

#map = affine_map<(d0, d1) -> (0, 0)>
#map1 = affine_map<(d0, d1) -> (0)>
module attributes {stable_mosaic.version = 14 : i64} {
  func.func @_sc_gather(%arg0: i32, %arg1: i32, %arg2: memref<1000000x32xf32, #tpu.memory_space<hbm>>, %arg3: memref<204800xi32, #tpu.memory_space<hbm>>, %arg4: memref<51200x128xf32, #tpu.memory_space<hbm>>, %arg5: memref<1600xi32, #tpu.memory_space<vmem>>, %arg6: memref<1600x32xf32, #tpu.memory_space<vmem>>, %arg7: memref<!tpu.dma_semaphore, #tpu.memory_space<semaphore_mem>>) attributes {dimension_semantics = [#tpu.dimension_semantics<core_parallel>, #tpu.dimension_semantics<subcore_parallel>], iteration_bounds = array<i64: 2, 16>, scalar_prefetch = 0 : i64, scratch_operands = 3 : i64, tpu.core_type = #tpu.core_type<sc_vector_subcore>, window_params = [{transform_indices = #map}, {transform_indices = #map1}, {transform_indices = #map}]} {
    %mul3A = arith.constant 2 : i32
    %mul3A_0 = arith.muli %arg1, %mul3A : i32
    %add3A = arith.addi %mul3A_0, %arg0 : i32
    %mul3A_1 = arith.constant 6400 : i32
    %mul3A_2 = arith.muli %add3A, %mul3A_1 : i32
    %mul3A_3 = arith.constant 1600 : i32
    %mul3A_4 = arith.muli %add3A, %mul3A_3 : i32
    %scan3A = arith.constant 0 : i32
    %scan3A_5 = arith.constant 0 : i32
    %scan3A_6 = arith.constant 4 : i32
    %scan3A_7 = arith.addi %scan3A_5, %scan3A_6 : i32
    %scan3A_8 = arith.constant 1 : i32
    scf.for %scan3A_10 = %scan3A_5 to %scan3A_7 step %scan3A_8  : i32 {
      %mul3A_11 = arith.constant 1600 : i32
      %mul3A_12 = arith.muli %scan3A_10, %mul3A_11 : i32
      %add3A_13 = arith.addi %mul3A_2, %mul3A_12 : i32
      %mul3A_14 = arith.constant 400 : i32
      %mul3A_15 = arith.muli %scan3A_10, %mul3A_14 : i32
      %add3A_16 = arith.addi %mul3A_4, %mul3A_15 : i32
      "tpu.region"() ({
        %run_scoped3A = tpu.sem_alloc : memref<!tpu.dma_semaphore, #tpu.memory_space<semaphore_mem>>
        %dma_start3A_79 = tpu.memref_slice %arg3[%add3A_13] : memref<204800xi32, #tpu.memory_space<hbm>> -> memref<1600xi32, #tpu.memory_space<hbm>>
        %dma_start3A_80 = tpu.memref_slice %arg3[%add3A_13] : memref<204800xi32, #tpu.memory_space<hbm>> -> memref<1600xi32, #tpu.memory_space<hbm>>
        tpu.enqueue_dma source(%dma_start3A_80 : memref<1600xi32, #tpu.memory_space<hbm>>) target(%arg5 : memref<1600xi32, #tpu.memory_space<vmem>>) target_semaphore(%run_scoped3A : memref<!tpu.dma_semaphore, #tpu.memory_space<semaphore_mem>>)
        %dma_wait3A_81 = tpu.memref_slice %arg3[%add3A_13] : memref<204800xi32, #tpu.memory_space<hbm>> -> memref<1600xi32, #tpu.memory_space<hbm>>
        %dma_wait3A_82 = tpu.memref_slice %arg3[%add3A_13] : memref<204800xi32, #tpu.memory_space<hbm>> -> memref<1600xi32, #tpu.memory_space<hbm>>
        tpu.wait_dma2 semaphore(%run_scoped3A : memref<!tpu.dma_semaphore, #tpu.memory_space<semaphore_mem>>) src(%dma_wait3A_82 : memref<1600xi32, #tpu.memory_space<hbm>>) dst(%arg5 : memref<1600xi32, #tpu.memory_space<vmem>>)
        tpu.yield
      }) : () -> ()
      %dma_start3A = arith.constant 0 : i32
      %dma_start3A_17 = arith.constant 0 : i32
      %dma_start3A_18 = tpu.memref_slice %arg6[%dma_start3A, %dma_start3A_17] : memref<1600x32xf32, #tpu.memory_space<vmem>> -> memref<400x32xf32, #tpu.memory_space<vmem>>
      %dma_start3A_19 = arith.constant 0 : i32
      %dma_start3A_20 = tpu.memref_slice %arg5[%dma_start3A_19] : memref<1600xi32, #tpu.memory_space<vmem>> -> memref<400xi32, #tpu.memory_space<vmem>>
      %dma_start3A_21 = arith.constant 0 : i32
      %dma_start3A_22 = arith.constant 0 : i32
      %dma_start3A_23 = tpu.memref_slice %arg2[%dma_start3A_21, %dma_start3A_22] : memref<1000000x32xf32, #tpu.memory_space<hbm>> -> memref<1000000x32xf32, #tpu.memory_space<hbm>>
      tpu.enqueue_indirect_dma source(%dma_start3A_23 : memref<1000000x32xf32, #tpu.memory_space<hbm>>) target(%dma_start3A_18 : memref<400x32xf32, #tpu.memory_space<vmem>>) offsets(%dma_start3A_20 : memref<400xi32, #tpu.memory_space<vmem>>) semaphore(%arg7 : memref<!tpu.dma_semaphore, #tpu.memory_space<semaphore_mem>>)
      %dma_start3A_24 = arith.constant 400 : i32
      %dma_start3A_25 = arith.constant 0 : i32
      %dma_start3A_26 = tpu.memref_slice %arg6[%dma_start3A_24, %dma_start3A_25] : memref<1600x32xf32, #tpu.memory_space<vmem>> -> memref<400x32xf32, #tpu.memory_space<vmem>>
      %dma_start3A_27 = arith.constant 400 : i32
      %dma_start3A_28 = tpu.memref_slice %arg5[%dma_start3A_27] : memref<1600xi32, #tpu.memory_space<vmem>> -> memref<400xi32, #tpu.memory_space<vmem>>
      %dma_start3A_29 = arith.constant 0 : i32
      %dma_start3A_30 = arith.constant 0 : i32
      %dma_start3A_31 = tpu.memref_slice %arg2[%dma_start3A_29, %dma_start3A_30] : memref<1000000x32xf32, #tpu.memory_space<hbm>> -> memref<1000000x32xf32, #tpu.memory_space<hbm>>
      tpu.enqueue_indirect_dma source(%dma_start3A_31 : memref<1000000x32xf32, #tpu.memory_space<hbm>>) target(%dma_start3A_26 : memref<400x32xf32, #tpu.memory_space<vmem>>) offsets(%dma_start3A_28 : memref<400xi32, #tpu.memory_space<vmem>>) semaphore(%arg7 : memref<!tpu.dma_semaphore, #tpu.memory_space<semaphore_mem>>)
      %dma_start3A_32 = arith.constant 800 : i32
      %dma_start3A_33 = arith.constant 0 : i32
      %dma_start3A_34 = tpu.memref_slice %arg6[%dma_start3A_32, %dma_start3A_33] : memref<1600x32xf32, #tpu.memory_space<vmem>> -> memref<400x32xf32, #tpu.memory_space<vmem>>
      %dma_start3A_35 = arith.constant 800 : i32
      %dma_start3A_36 = tpu.memref_slice %arg5[%dma_start3A_35] : memref<1600xi32, #tpu.memory_space<vmem>> -> memref<400xi32, #tpu.memory_space<vmem>>
      %dma_start3A_37 = arith.constant 0 : i32
      %dma_start3A_38 = arith.constant 0 : i32
      %dma_start3A_39 = tpu.memref_slice %arg2[%dma_start3A_37, %dma_start3A_38] : memref<1000000x32xf32, #tpu.memory_space<hbm>> -> memref<1000000x32xf32, #tpu.memory_space<hbm>>
      tpu.enqueue_indirect_dma source(%dma_start3A_39 : memref<1000000x32xf32, #tpu.memory_space<hbm>>) target(%dma_start3A_34 : memref<400x32xf32, #tpu.memory_space<vmem>>) offsets(%dma_start3A_36 : memref<400xi32, #tpu.memory_space<vmem>>) semaphore(%arg7 : memref<!tpu.dma_semaphore, #tpu.memory_space<semaphore_mem>>)
      %dma_start3A_40 = arith.constant 1200 : i32
      %dma_start3A_41 = arith.constant 0 : i32
      %dma_start3A_42 = tpu.memref_slice %arg6[%dma_start3A_40, %dma_start3A_41] : memref<1600x32xf32, #tpu.memory_space<vmem>> -> memref<400x32xf32, #tpu.memory_space<vmem>>
      %dma_start3A_43 = arith.constant 1200 : i32
      %dma_start3A_44 = tpu.memref_slice %arg5[%dma_start3A_43] : memref<1600xi32, #tpu.memory_space<vmem>> -> memref<400xi32, #tpu.memory_space<vmem>>
      %dma_start3A_45 = arith.constant 0 : i32
      %dma_start3A_46 = arith.constant 0 : i32
      %dma_start3A_47 = tpu.memref_slice %arg2[%dma_start3A_45, %dma_start3A_46] : memref<1000000x32xf32, #tpu.memory_space<hbm>> -> memref<1000000x32xf32, #tpu.memory_space<hbm>>
      tpu.enqueue_indirect_dma source(%dma_start3A_47 : memref<1000000x32xf32, #tpu.memory_space<hbm>>) target(%dma_start3A_42 : memref<400x32xf32, #tpu.memory_space<vmem>>) offsets(%dma_start3A_44 : memref<400xi32, #tpu.memory_space<vmem>>) semaphore(%arg7 : memref<!tpu.dma_semaphore, #tpu.memory_space<semaphore_mem>>)
      %dma_wait3A = arith.constant 0 : i32
      %dma_wait3A_48 = arith.constant 0 : i32
      %dma_wait3A_49 = tpu.memref_slice %arg6[%dma_wait3A, %dma_wait3A_48] : memref<1600x32xf32, #tpu.memory_space<vmem>> -> memref<400x32xf32, #tpu.memory_space<vmem>>
      %dma_wait3A_50 = arith.constant 0 : i32
      %dma_wait3A_51 = tpu.memref_slice %arg5[%dma_wait3A_50] : memref<1600xi32, #tpu.memory_space<vmem>> -> memref<400xi32, #tpu.memory_space<vmem>>
      %dma_wait3A_52 = arith.constant 0 : i32
      %dma_wait3A_53 = arith.constant 0 : i32
      %dma_wait3A_54 = tpu.memref_slice %arg2[%dma_wait3A_52, %dma_wait3A_53] : memref<1000000x32xf32, #tpu.memory_space<hbm>> -> memref<1000000x32xf32, #tpu.memory_space<hbm>>
      tpu.wait_indirect_dma semaphore(%arg7 : memref<!tpu.dma_semaphore, #tpu.memory_space<semaphore_mem>>) src(%dma_wait3A_54 : memref<1000000x32xf32, #tpu.memory_space<hbm>>) dst(%dma_wait3A_49 : memref<400x32xf32, #tpu.memory_space<vmem>>)
      %dma_wait3A_55 = arith.constant 400 : i32
      %dma_wait3A_56 = arith.constant 0 : i32
      %dma_wait3A_57 = tpu.memref_slice %arg6[%dma_wait3A_55, %dma_wait3A_56] : memref<1600x32xf32, #tpu.memory_space<vmem>> -> memref<400x32xf32, #tpu.memory_space<vmem>>
      %dma_wait3A_58 = arith.constant 400 : i32
      %dma_wait3A_59 = tpu.memref_slice %arg5[%dma_wait3A_58] : memref<1600xi32, #tpu.memory_space<vmem>> -> memref<400xi32, #tpu.memory_space<vmem>>
      %dma_wait3A_60 = arith.constant 0 : i32
      %dma_wait3A_61 = arith.constant 0 : i32
      %dma_wait3A_62 = tpu.memref_slice %arg2[%dma_wait3A_60, %dma_wait3A_61] : memref<1000000x32xf32, #tpu.memory_space<hbm>> -> memref<1000000x32xf32, #tpu.memory_space<hbm>>
      tpu.wait_indirect_dma semaphore(%arg7 : memref<!tpu.dma_semaphore, #tpu.memory_space<semaphore_mem>>) src(%dma_wait3A_62 : memref<1000000x32xf32, #tpu.memory_space<hbm>>) dst(%dma_wait3A_57 : memref<400x32xf32, #tpu.memory_space<vmem>>)
      %dma_wait3A_63 = arith.constant 800 : i32
      %dma_wait3A_64 = arith.constant 0 : i32
      %dma_wait3A_65 = tpu.memref_slice %arg6[%dma_wait3A_63, %dma_wait3A_64] : memref<1600x32xf32, #tpu.memory_space<vmem>> -> memref<400x32xf32, #tpu.memory_space<vmem>>
      %dma_wait3A_66 = arith.constant 800 : i32
      %dma_wait3A_67 = tpu.memref_slice %arg5[%dma_wait3A_66] : memref<1600xi32, #tpu.memory_space<vmem>> -> memref<400xi32, #tpu.memory_space<vmem>>
      %dma_wait3A_68 = arith.constant 0 : i32
      %dma_wait3A_69 = arith.constant 0 : i32
      %dma_wait3A_70 = tpu.memref_slice %arg2[%dma_wait3A_68, %dma_wait3A_69] : memref<1000000x32xf32, #tpu.memory_space<hbm>> -> memref<1000000x32xf32, #tpu.memory_space<hbm>>
      tpu.wait_indirect_dma semaphore(%arg7 : memref<!tpu.dma_semaphore, #tpu.memory_space<semaphore_mem>>) src(%dma_wait3A_70 : memref<1000000x32xf32, #tpu.memory_space<hbm>>) dst(%dma_wait3A_65 : memref<400x32xf32, #tpu.memory_space<vmem>>)
      %dma_wait3A_71 = arith.constant 1200 : i32
      %dma_wait3A_72 = arith.constant 0 : i32
      %dma_wait3A_73 = tpu.memref_slice %arg6[%dma_wait3A_71, %dma_wait3A_72] : memref<1600x32xf32, #tpu.memory_space<vmem>> -> memref<400x32xf32, #tpu.memory_space<vmem>>
      %dma_wait3A_74 = arith.constant 1200 : i32
      %dma_wait3A_75 = tpu.memref_slice %arg5[%dma_wait3A_74] : memref<1600xi32, #tpu.memory_space<vmem>> -> memref<400xi32, #tpu.memory_space<vmem>>
      %dma_wait3A_76 = arith.constant 0 : i32
      %dma_wait3A_77 = arith.constant 0 : i32
      %dma_wait3A_78 = tpu.memref_slice %arg2[%dma_wait3A_76, %dma_wait3A_77] : memref<1000000x32xf32, #tpu.memory_space<hbm>> -> memref<1000000x32xf32, #tpu.memory_space<hbm>>
      tpu.wait_indirect_dma semaphore(%arg7 : memref<!tpu.dma_semaphore, #tpu.memory_space<semaphore_mem>>) src(%dma_wait3A_78 : memref<1000000x32xf32, #tpu.memory_space<hbm>>) dst(%dma_wait3A_73 : memref<400x32xf32, #tpu.memory_space<vmem>>)
      "tpu.region"() ({
        %run_scoped3A = tpu.sem_alloc : memref<!tpu.dma_semaphore, #tpu.memory_space<semaphore_mem>>
        %dma_start3A_79 = arith.constant 0 : i32
        %dma_start3A_80 = arith.constant 0 : i32
        %dma_start3A_81 = tpu.memref_slice %arg6[%dma_start3A_79, %dma_start3A_80] : memref<1600x32xf32, #tpu.memory_space<vmem>> -> memref<400x32xf32, #tpu.memory_space<vmem>>
        %dma_start3A_82 = arith.constant 0 : i32
        %dma_start3A_83 = tpu.memref_slice %arg4[%add3A_16, %dma_start3A_82] : memref<51200x128xf32, #tpu.memory_space<hbm>> -> memref<400x32xf32, #tpu.memory_space<hbm>>
        %dma_start3A_84 = arith.constant 0 : i32
        %dma_start3A_85 = tpu.memref_slice %arg4[%add3A_16, %dma_start3A_84] : memref<51200x128xf32, #tpu.memory_space<hbm>> -> memref<400x32xf32, #tpu.memory_space<hbm>>
        %dma_start3A_86 = arith.constant 0 : i32
        %dma_start3A_87 = arith.constant 0 : i32
        %dma_start3A_88 = tpu.memref_slice %arg6[%dma_start3A_86, %dma_start3A_87] : memref<1600x32xf32, #tpu.memory_space<vmem>> -> memref<400x32xf32, #tpu.memory_space<vmem>>
        tpu.enqueue_dma source(%dma_start3A_88 : memref<400x32xf32, #tpu.memory_space<vmem>>) target(%dma_start3A_85 : memref<400x32xf32, #tpu.memory_space<hbm>>) target_semaphore(%run_scoped3A : memref<!tpu.dma_semaphore, #tpu.memory_space<semaphore_mem>>)
        %dma_wait3A_89 = arith.constant 0 : i32
        %dma_wait3A_90 = arith.constant 0 : i32
        %dma_wait3A_91 = tpu.memref_slice %arg6[%dma_wait3A_89, %dma_wait3A_90] : memref<1600x32xf32, #tpu.memory_space<vmem>> -> memref<400x32xf32, #tpu.memory_space<vmem>>
        %dma_wait3A_92 = arith.constant 0 : i32
        %dma_wait3A_93 = tpu.memref_slice %arg4[%add3A_16, %dma_wait3A_92] : memref<51200x128xf32, #tpu.memory_space<hbm>> -> memref<400x32xf32, #tpu.memory_space<hbm>>
        %dma_wait3A_94 = arith.constant 0 : i32
        %dma_wait3A_95 = tpu.memref_slice %arg4[%add3A_16, %dma_wait3A_94] : memref<51200x128xf32, #tpu.memory_space<hbm>> -> memref<400x32xf32, #tpu.memory_space<hbm>>
        %dma_wait3A_96 = arith.constant 0 : i32
        %dma_wait3A_97 = arith.constant 0 : i32
        %dma_wait3A_98 = tpu.memref_slice %arg6[%dma_wait3A_96, %dma_wait3A_97] : memref<1600x32xf32, #tpu.memory_space<vmem>> -> memref<400x32xf32, #tpu.memory_space<vmem>>
        tpu.wait_dma2 semaphore(%run_scoped3A : memref<!tpu.dma_semaphore, #tpu.memory_space<semaphore_mem>>) src(%dma_wait3A_98 : memref<400x32xf32, #tpu.memory_space<vmem>>) dst(%dma_wait3A_95 : memref<400x32xf32, #tpu.memory_space<hbm>>)
        tpu.yield
      }) : () -> ()
      "tpu.region"() ({
        %run_scoped3A = tpu.sem_alloc : memref<!tpu.dma_semaphore, #tpu.memory_space<semaphore_mem>>
        %dma_start3A_79 = arith.constant 400 : i32
        %dma_start3A_80 = arith.constant 0 : i32
        %dma_start3A_81 = tpu.memref_slice %arg6[%dma_start3A_79, %dma_start3A_80] : memref<1600x32xf32, #tpu.memory_space<vmem>> -> memref<400x32xf32, #tpu.memory_space<vmem>>
        %dma_start3A_82 = arith.constant 32 : i32
        %dma_start3A_83 = tpu.memref_slice %arg4[%add3A_16, %dma_start3A_82] : memref<51200x128xf32, #tpu.memory_space<hbm>> -> memref<400x32xf32, #tpu.memory_space<hbm>>
        %dma_start3A_84 = arith.constant 32 : i32
        %dma_start3A_85 = tpu.memref_slice %arg4[%add3A_16, %dma_start3A_84] : memref<51200x128xf32, #tpu.memory_space<hbm>> -> memref<400x32xf32, #tpu.memory_space<hbm>>
        %dma_start3A_86 = arith.constant 400 : i32
        %dma_start3A_87 = arith.constant 0 : i32
        %dma_start3A_88 = tpu.memref_slice %arg6[%dma_start3A_86, %dma_start3A_87] : memref<1600x32xf32, #tpu.memory_space<vmem>> -> memref<400x32xf32, #tpu.memory_space<vmem>>
        tpu.enqueue_dma source(%dma_start3A_88 : memref<400x32xf32, #tpu.memory_space<vmem>>) target(%dma_start3A_85 : memref<400x32xf32, #tpu.memory_space<hbm>>) target_semaphore(%run_scoped3A : memref<!tpu.dma_semaphore, #tpu.memory_space<semaphore_mem>>)
        %dma_wait3A_89 = arith.constant 400 : i32
        %dma_wait3A_90 = arith.constant 0 : i32
        %dma_wait3A_91 = tpu.memref_slice %arg6[%dma_wait3A_89, %dma_wait3A_90] : memref<1600x32xf32, #tpu.memory_space<vmem>> -> memref<400x32xf32, #tpu.memory_space<vmem>>
        %dma_wait3A_92 = arith.constant 32 : i32
        %dma_wait3A_93 = tpu.memref_slice %arg4[%add3A_16, %dma_wait3A_92] : memref<51200x128xf32, #tpu.memory_space<hbm>> -> memref<400x32xf32, #tpu.memory_space<hbm>>
        %dma_wait3A_94 = arith.constant 32 : i32
        %dma_wait3A_95 = tpu.memref_slice %arg4[%add3A_16, %dma_wait3A_94] : memref<51200x128xf32, #tpu.memory_space<hbm>> -> memref<400x32xf32, #tpu.memory_space<hbm>>
        %dma_wait3A_96 = arith.constant 400 : i32
        %dma_wait3A_97 = arith.constant 0 : i32
        %dma_wait3A_98 = tpu.memref_slice %arg6[%dma_wait3A_96, %dma_wait3A_97] : memref<1600x32xf32, #tpu.memory_space<vmem>> -> memref<400x32xf32, #tpu.memory_space<vmem>>
        tpu.wait_dma2 semaphore(%run_scoped3A : memref<!tpu.dma_semaphore, #tpu.memory_space<semaphore_mem>>) src(%dma_wait3A_98 : memref<400x32xf32, #tpu.memory_space<vmem>>) dst(%dma_wait3A_95 : memref<400x32xf32, #tpu.memory_space<hbm>>)
        tpu.yield
      }) : () -> ()
      "tpu.region"() ({
        %run_scoped3A = tpu.sem_alloc : memref<!tpu.dma_semaphore, #tpu.memory_space<semaphore_mem>>
        %dma_start3A_79 = arith.constant 800 : i32
        %dma_start3A_80 = arith.constant 0 : i32
        %dma_start3A_81 = tpu.memref_slice %arg6[%dma_start3A_79, %dma_start3A_80] : memref<1600x32xf32, #tpu.memory_space<vmem>> -> memref<400x32xf32, #tpu.memory_space<vmem>>
        %dma_start3A_82 = arith.constant 64 : i32
        %dma_start3A_83 = tpu.memref_slice %arg4[%add3A_16, %dma_start3A_82] : memref<51200x128xf32, #tpu.memory_space<hbm>> -> memref<400x32xf32, #tpu.memory_space<hbm>>
        %dma_start3A_84 = arith.constant 64 : i32
        %dma_start3A_85 = tpu.memref_slice %arg4[%add3A_16, %dma_start3A_84] : memref<51200x128xf32, #tpu.memory_space<hbm>> -> memref<400x32xf32, #tpu.memory_space<hbm>>
        %dma_start3A_86 = arith.constant 800 : i32
        %dma_start3A_87 = arith.constant 0 : i32
        %dma_start3A_88 = tpu.memref_slice %arg6[%dma_start3A_86, %dma_start3A_87] : memref<1600x32xf32, #tpu.memory_space<vmem>> -> memref<400x32xf32, #tpu.memory_space<vmem>>
        tpu.enqueue_dma source(%dma_start3A_88 : memref<400x32xf32, #tpu.memory_space<vmem>>) target(%dma_start3A_85 : memref<400x32xf32, #tpu.memory_space<hbm>>) target_semaphore(%run_scoped3A : memref<!tpu.dma_semaphore, #tpu.memory_space<semaphore_mem>>)
        %dma_wait3A_89 = arith.constant 800 : i32
        %dma_wait3A_90 = arith.constant 0 : i32
        %dma_wait3A_91 = tpu.memref_slice %arg6[%dma_wait3A_89, %dma_wait3A_90] : memref<1600x32xf32, #tpu.memory_space<vmem>> -> memref<400x32xf32, #tpu.memory_space<vmem>>
        %dma_wait3A_92 = arith.constant 64 : i32
        %dma_wait3A_93 = tpu.memref_slice %arg4[%add3A_16, %dma_wait3A_92] : memref<51200x128xf32, #tpu.memory_space<hbm>> -> memref<400x32xf32, #tpu.memory_space<hbm>>
        %dma_wait3A_94 = arith.constant 64 : i32
        %dma_wait3A_95 = tpu.memref_slice %arg4[%add3A_16, %dma_wait3A_94] : memref<51200x128xf32, #tpu.memory_space<hbm>> -> memref<400x32xf32, #tpu.memory_space<hbm>>
        %dma_wait3A_96 = arith.constant 800 : i32
        %dma_wait3A_97 = arith.constant 0 : i32
        %dma_wait3A_98 = tpu.memref_slice %arg6[%dma_wait3A_96, %dma_wait3A_97] : memref<1600x32xf32, #tpu.memory_space<vmem>> -> memref<400x32xf32, #tpu.memory_space<vmem>>
        tpu.wait_dma2 semaphore(%run_scoped3A : memref<!tpu.dma_semaphore, #tpu.memory_space<semaphore_mem>>) src(%dma_wait3A_98 : memref<400x32xf32, #tpu.memory_space<vmem>>) dst(%dma_wait3A_95 : memref<400x32xf32, #tpu.memory_space<hbm>>)
        tpu.yield
      }) : () -> ()
      "tpu.region"() ({
        %run_scoped3A = tpu.sem_alloc : memref<!tpu.dma_semaphore, #tpu.memory_space<semaphore_mem>>
        %dma_start3A_79 = arith.constant 1200 : i32
        %dma_start3A_80 = arith.constant 0 : i32
        %dma_start3A_81 = tpu.memref_slice %arg6[%dma_start3A_79, %dma_start3A_80] : memref<1600x32xf32, #tpu.memory_space<vmem>> -> memref<400x32xf32, #tpu.memory_space<vmem>>
        %dma_start3A_82 = arith.constant 96 : i32
        %dma_start3A_83 = tpu.memref_slice %arg4[%add3A_16, %dma_start3A_82] : memref<51200x128xf32, #tpu.memory_space<hbm>> -> memref<400x32xf32, #tpu.memory_space<hbm>>
        %dma_start3A_84 = arith.constant 96 : i32
        %dma_start3A_85 = tpu.memref_slice %arg4[%add3A_16, %dma_start3A_84] : memref<51200x128xf32, #tpu.memory_space<hbm>> -> memref<400x32xf32, #tpu.memory_space<hbm>>
        %dma_start3A_86 = arith.constant 1200 : i32
        %dma_start3A_87 = arith.constant 0 : i32
        %dma_start3A_88 = tpu.memref_slice %arg6[%dma_start3A_86, %dma_start3A_87] : memref<1600x32xf32, #tpu.memory_space<vmem>> -> memref<400x32xf32, #tpu.memory_space<vmem>>
        tpu.enqueue_dma source(%dma_start3A_88 : memref<400x32xf32, #tpu.memory_space<vmem>>) target(%dma_start3A_85 : memref<400x32xf32, #tpu.memory_space<hbm>>) target_semaphore(%run_scoped3A : memref<!tpu.dma_semaphore, #tpu.memory_space<semaphore_mem>>)
        %dma_wait3A_89 = arith.constant 1200 : i32
        %dma_wait3A_90 = arith.constant 0 : i32
        %dma_wait3A_91 = tpu.memref_slice %arg6[%dma_wait3A_89, %dma_wait3A_90] : memref<1600x32xf32, #tpu.memory_space<vmem>> -> memref<400x32xf32, #tpu.memory_space<vmem>>
        %dma_wait3A_92 = arith.constant 96 : i32
        %dma_wait3A_93 = tpu.memref_slice %arg4[%add3A_16, %dma_wait3A_92] : memref<51200x128xf32, #tpu.memory_space<hbm>> -> memref<400x32xf32, #tpu.memory_space<hbm>>
        %dma_wait3A_94 = arith.constant 96 : i32
        %dma_wait3A_95 = tpu.memref_slice %arg4[%add3A_16, %dma_wait3A_94] : memref<51200x128xf32, #tpu.memory_space<hbm>> -> memref<400x32xf32, #tpu.memory_space<hbm>>
        %dma_wait3A_96 = arith.constant 1200 : i32
        %dma_wait3A_97 = arith.constant 0 : i32
        %dma_wait3A_98 = tpu.memref_slice %arg6[%dma_wait3A_96, %dma_wait3A_97] : memref<1600x32xf32, #tpu.memory_space<vmem>> -> memref<400x32xf32, #tpu.memory_space<vmem>>
        tpu.wait_dma2 semaphore(%run_scoped3A : memref<!tpu.dma_semaphore, #tpu.memory_space<semaphore_mem>>) src(%dma_wait3A_98 : memref<400x32xf32, #tpu.memory_space<vmem>>) dst(%dma_wait3A_95 : memref<400x32xf32, #tpu.memory_space<hbm>>)
        tpu.yield
      }) : () -> ()
    }
    %scan3A_9 = arith.constant 4 : i32
    return
  }
}

module attributes {stable_mosaic.version = 14 : i64} {
  func.func @_mm_first(%arg0: i32, %arg1: memref<6400x128xf32, #tpu.memory_space<vmem>>, %arg2: memref<128x512xbf16, #tpu.memory_space<vmem>>, %arg3: memref<128x200x128xf32, #tpu.memory_space<vmem>>) attributes {dimension_semantics = [#tpu.dimension_semantics<arbitrary>], iteration_bounds = array<i64: 8>, scalar_prefetch = 0 : i64, scratch_operands = 0 : i64, tpu.core_type = #tpu.core_type<tc>, window_params = [{transform_indices = @transform_0, window_bounds = array<i64: 6400, 128>}, {pipeline_mode = #tpu.pipeline_mode<synchronous>, transform_indices = @transform_1, window_bounds = array<i64: 128, 512>}, {transform_indices = @transform_2, window_bounds = array<i64: 128, 200, 128>}]} {
    %get3A = arith.constant 0 : index
    %get3A_0 = arith.constant 0 : index
    %get3A_1 = vector.load %arg2[%get3A, %get3A_0] : memref<128x512xbf16, #tpu.memory_space<vmem>>, vector<128x512xbf16>
    %get3A_2 = arith.constant 0 : index
    %get3A_3 = arith.constant 0 : index
    %get3A_4 = vector.load %arg1[%get3A_2, %get3A_3] : memref<6400x128xf32, #tpu.memory_space<vmem>>, vector<400x128xf32>
    %convert_element_type3A = arith.truncf %get3A_4 : vector<400x128xf32> to vector<400x128xbf16>
    %dot_general3A = arith.constant dense<0.000000e+00> : vector<400x512xf32>
    %dot_general3A_5 = tpu.matmul %convert_element_type3A, %get3A_1, %dot_general3A {dimension_numbers = #tpu.dot_dimension_numbers<[1], [0], [0], [1], [0, 0, 1, 1], [], []>, transpose_lhs_hint = false} : vector<400x128xbf16>, vector<128x512xbf16>, vector<400x512xf32> -> vector<400x512xf32>
    %slice3A = vector.extract_strided_slice %dot_general3A_5 {offsets = [0, 0], sizes = [400, 128], strides = [1, 1]} : vector<400x512xf32> to vector<400x128xf32>
    %slice3A_6 = vector.extract_strided_slice %dot_general3A_5 {offsets = [0, 128], sizes = [400, 128], strides = [1, 1]} : vector<400x512xf32> to vector<400x128xf32>
    %slice3A_7 = vector.extract_strided_slice %dot_general3A_5 {offsets = [0, 256], sizes = [400, 128], strides = [1, 1]} : vector<400x512xf32> to vector<400x128xf32>
    %slice3A_8 = vector.extract_strided_slice %dot_general3A_5 {offsets = [0, 384], sizes = [400, 128], strides = [1, 1]} : vector<400x512xf32> to vector<400x128xf32>
    %get3A_9 = arith.constant 400 : index
    %get3A_10 = arith.constant 0 : index
    %get3A_11 = vector.load %arg1[%get3A_9, %get3A_10] : memref<6400x128xf32, #tpu.memory_space<vmem>>, vector<400x128xf32>
    %convert_element_type3A_12 = arith.truncf %get3A_11 : vector<400x128xf32> to vector<400x128xbf16>
    %dot_general3A_13 = arith.constant dense<0.000000e+00> : vector<400x512xf32>
    %dot_general3A_14 = tpu.matmul %convert_element_type3A_12, %get3A_1, %dot_general3A_13 {dimension_numbers = #tpu.dot_dimension_numbers<[1], [0], [0], [1], [0, 0, 1, 1], [], []>, transpose_lhs_hint = false} : vector<400x128xbf16>, vector<128x512xbf16>, vector<400x512xf32> -> vector<400x512xf32>
    %slice3A_15 = vector.extract_strided_slice %dot_general3A_14 {offsets = [0, 0], sizes = [400, 128], strides = [1, 1]} : vector<400x512xf32> to vector<400x128xf32>
    %slice3A_16 = vector.extract_strided_slice %dot_general3A_14 {offsets = [0, 128], sizes = [400, 128], strides = [1, 1]} : vector<400x512xf32> to vector<400x128xf32>
    %slice3A_17 = vector.extract_strided_slice %dot_general3A_14 {offsets = [0, 256], sizes = [400, 128], strides = [1, 1]} : vector<400x512xf32> to vector<400x128xf32>
    %slice3A_18 = vector.extract_strided_slice %dot_general3A_14 {offsets = [0, 384], sizes = [400, 128], strides = [1, 1]} : vector<400x512xf32> to vector<400x128xf32>
    %get3A_19 = arith.constant 800 : index
    %get3A_20 = arith.constant 0 : index
    %get3A_21 = vector.load %arg1[%get3A_19, %get3A_20] : memref<6400x128xf32, #tpu.memory_space<vmem>>, vector<400x128xf32>
    %convert_element_type3A_22 = arith.truncf %get3A_21 : vector<400x128xf32> to vector<400x128xbf16>
    %dot_general3A_23 = arith.constant dense<0.000000e+00> : vector<400x512xf32>
    %dot_general3A_24 = tpu.matmul %convert_element_type3A_22, %get3A_1, %dot_general3A_23 {dimension_numbers = #tpu.dot_dimension_numbers<[1], [0], [0], [1], [0, 0, 1, 1], [], []>, transpose_lhs_hint = false} : vector<400x128xbf16>, vector<128x512xbf16>, vector<400x512xf32> -> vector<400x512xf32>
    %slice3A_25 = vector.extract_strided_slice %dot_general3A_24 {offsets = [0, 0], sizes = [400, 128], strides = [1, 1]} : vector<400x512xf32> to vector<400x128xf32>
    %slice3A_26 = vector.extract_strided_slice %dot_general3A_24 {offsets = [0, 128], sizes = [400, 128], strides = [1, 1]} : vector<400x512xf32> to vector<400x128xf32>
    %slice3A_27 = vector.extract_strided_slice %dot_general3A_24 {offsets = [0, 256], sizes = [400, 128], strides = [1, 1]} : vector<400x512xf32> to vector<400x128xf32>
    %slice3A_28 = vector.extract_strided_slice %dot_general3A_24 {offsets = [0, 384], sizes = [400, 128], strides = [1, 1]} : vector<400x512xf32> to vector<400x128xf32>
    %get3A_29 = arith.constant 1200 : index
    %get3A_30 = arith.constant 0 : index
    %get3A_31 = vector.load %arg1[%get3A_29, %get3A_30] : memref<6400x128xf32, #tpu.memory_space<vmem>>, vector<400x128xf32>
    %convert_element_type3A_32 = arith.truncf %get3A_31 : vector<400x128xf32> to vector<400x128xbf16>
    %dot_general3A_33 = arith.constant dense<0.000000e+00> : vector<400x512xf32>
    %dot_general3A_34 = tpu.matmul %convert_element_type3A_32, %get3A_1, %dot_general3A_33 {dimension_numbers = #tpu.dot_dimension_numbers<[1], [0], [0], [1], [0, 0, 1, 1], [], []>, transpose_lhs_hint = false} : vector<400x128xbf16>, vector<128x512xbf16>, vector<400x512xf32> -> vector<400x512xf32>
    %slice3A_35 = vector.extract_strided_slice %dot_general3A_34 {offsets = [0, 0], sizes = [400, 128], strides = [1, 1]} : vector<400x512xf32> to vector<400x128xf32>
    %slice3A_36 = vector.extract_strided_slice %dot_general3A_34 {offsets = [0, 128], sizes = [400, 128], strides = [1, 1]} : vector<400x512xf32> to vector<400x128xf32>
    %slice3A_37 = vector.extract_strided_slice %dot_general3A_34 {offsets = [0, 256], sizes = [400, 128], strides = [1, 1]} : vector<400x512xf32> to vector<400x128xf32>
    %slice3A_38 = vector.extract_strided_slice %dot_general3A_34 {offsets = [0, 384], sizes = [400, 128], strides = [1, 1]} : vector<400x512xf32> to vector<400x128xf32>
    %get3A_39 = arith.constant 1600 : index
    %get3A_40 = arith.constant 0 : index
    %get3A_41 = vector.load %arg1[%get3A_39, %get3A_40] : memref<6400x128xf32, #tpu.memory_space<vmem>>, vector<400x128xf32>
    %convert_element_type3A_42 = arith.truncf %get3A_41 : vector<400x128xf32> to vector<400x128xbf16>
    %dot_general3A_43 = arith.constant dense<0.000000e+00> : vector<400x512xf32>
    %dot_general3A_44 = tpu.matmul %convert_element_type3A_42, %get3A_1, %dot_general3A_43 {dimension_numbers = #tpu.dot_dimension_numbers<[1], [0], [0], [1], [0, 0, 1, 1], [], []>, transpose_lhs_hint = false} : vector<400x128xbf16>, vector<128x512xbf16>, vector<400x512xf32> -> vector<400x512xf32>
    %slice3A_45 = vector.extract_strided_slice %dot_general3A_44 {offsets = [0, 0], sizes = [400, 128], strides = [1, 1]} : vector<400x512xf32> to vector<400x128xf32>
    %slice3A_46 = vector.extract_strided_slice %dot_general3A_44 {offsets = [0, 128], sizes = [400, 128], strides = [1, 1]} : vector<400x512xf32> to vector<400x128xf32>
    %slice3A_47 = vector.extract_strided_slice %dot_general3A_44 {offsets = [0, 256], sizes = [400, 128], strides = [1, 1]} : vector<400x512xf32> to vector<400x128xf32>
    %slice3A_48 = vector.extract_strided_slice %dot_general3A_44 {offsets = [0, 384], sizes = [400, 128], strides = [1, 1]} : vector<400x512xf32> to vector<400x128xf32>
    %get3A_49 = arith.constant 2000 : index
    %get3A_50 = arith.constant 0 : index
    %get3A_51 = vector.load %arg1[%get3A_49, %get3A_50] : memref<6400x128xf32, #tpu.memory_space<vmem>>, vector<400x128xf32>
    %convert_element_type3A_52 = arith.truncf %get3A_51 : vector<400x128xf32> to vector<400x128xbf16>
    %dot_general3A_53 = arith.constant dense<0.000000e+00> : vector<400x512xf32>
    %dot_general3A_54 = tpu.matmul %convert_element_type3A_52, %get3A_1, %dot_general3A_53 {dimension_numbers = #tpu.dot_dimension_numbers<[1], [0], [0], [1], [0, 0, 1, 1], [], []>, transpose_lhs_hint = false} : vector<400x128xbf16>, vector<128x512xbf16>, vector<400x512xf32> -> vector<400x512xf32>
    %slice3A_55 = vector.extract_strided_slice %dot_general3A_54 {offsets = [0, 0], sizes = [400, 128], strides = [1, 1]} : vector<400x512xf32> to vector<400x128xf32>
    %slice3A_56 = vector.extract_strided_slice %dot_general3A_54 {offsets = [0, 128], sizes = [400, 128], strides = [1, 1]} : vector<400x512xf32> to vector<400x128xf32>
    %slice3A_57 = vector.extract_strided_slice %dot_general3A_54 {offsets = [0, 256], sizes = [400, 128], strides = [1, 1]} : vector<400x512xf32> to vector<400x128xf32>
    %slice3A_58 = vector.extract_strided_slice %dot_general3A_54 {offsets = [0, 384], sizes = [400, 128], strides = [1, 1]} : vector<400x512xf32> to vector<400x128xf32>
    %get3A_59 = arith.constant 2400 : index
    %get3A_60 = arith.constant 0 : index
    %get3A_61 = vector.load %arg1[%get3A_59, %get3A_60] : memref<6400x128xf32, #tpu.memory_space<vmem>>, vector<400x128xf32>
    %convert_element_type3A_62 = arith.truncf %get3A_61 : vector<400x128xf32> to vector<400x128xbf16>
    %dot_general3A_63 = arith.constant dense<0.000000e+00> : vector<400x512xf32>
    %dot_general3A_64 = tpu.matmul %convert_element_type3A_62, %get3A_1, %dot_general3A_63 {dimension_numbers = #tpu.dot_dimension_numbers<[1], [0], [0], [1], [0, 0, 1, 1], [], []>, transpose_lhs_hint = false} : vector<400x128xbf16>, vector<128x512xbf16>, vector<400x512xf32> -> vector<400x512xf32>
    %slice3A_65 = vector.extract_strided_slice %dot_general3A_64 {offsets = [0, 0], sizes = [400, 128], strides = [1, 1]} : vector<400x512xf32> to vector<400x128xf32>
    %slice3A_66 = vector.extract_strided_slice %dot_general3A_64 {offsets = [0, 128], sizes = [400, 128], strides = [1, 1]} : vector<400x512xf32> to vector<400x128xf32>
    %slice3A_67 = vector.extract_strided_slice %dot_general3A_64 {offsets = [0, 256], sizes = [400, 128], strides = [1, 1]} : vector<400x512xf32> to vector<400x128xf32>
    %slice3A_68 = vector.extract_strided_slice %dot_general3A_64 {offsets = [0, 384], sizes = [400, 128], strides = [1, 1]} : vector<400x512xf32> to vector<400x128xf32>
    %get3A_69 = arith.constant 2800 : index
    %get3A_70 = arith.constant 0 : index
    %get3A_71 = vector.load %arg1[%get3A_69, %get3A_70] : memref<6400x128xf32, #tpu.memory_space<vmem>>, vector<400x128xf32>
    %convert_element_type3A_72 = arith.truncf %get3A_71 : vector<400x128xf32> to vector<400x128xbf16>
    %dot_general3A_73 = arith.constant dense<0.000000e+00> : vector<400x512xf32>
    %dot_general3A_74 = tpu.matmul %convert_element_type3A_72, %get3A_1, %dot_general3A_73 {dimension_numbers = #tpu.dot_dimension_numbers<[1], [0], [0], [1], [0, 0, 1, 1], [], []>, transpose_lhs_hint = false} : vector<400x128xbf16>, vector<128x512xbf16>, vector<400x512xf32> -> vector<400x512xf32>
    %slice3A_75 = vector.extract_strided_slice %dot_general3A_74 {offsets = [0, 0], sizes = [400, 128], strides = [1, 1]} : vector<400x512xf32> to vector<400x128xf32>
    %slice3A_76 = vector.extract_strided_slice %dot_general3A_74 {offsets = [0, 128], sizes = [400, 128], strides = [1, 1]} : vector<400x512xf32> to vector<400x128xf32>
    %slice3A_77 = vector.extract_strided_slice %dot_general3A_74 {offsets = [0, 256], sizes = [400, 128], strides = [1, 1]} : vector<400x512xf32> to vector<400x128xf32>
    %slice3A_78 = vector.extract_strided_slice %dot_general3A_74 {offsets = [0, 384], sizes = [400, 128], strides = [1, 1]} : vector<400x512xf32> to vector<400x128xf32>
    %get3A_79 = arith.constant 3200 : index
    %get3A_80 = arith.constant 0 : index
    %get3A_81 = vector.load %arg1[%get3A_79, %get3A_80] : memref<6400x128xf32, #tpu.memory_space<vmem>>, vector<400x128xf32>
    %convert_element_type3A_82 = arith.truncf %get3A_81 : vector<400x128xf32> to vector<400x128xbf16>
    %dot_general3A_83 = arith.constant dense<0.000000e+00> : vector<400x512xf32>
    %dot_general3A_84 = tpu.matmul %convert_element_type3A_82, %get3A_1, %dot_general3A_83 {dimension_numbers = #tpu.dot_dimension_numbers<[1], [0], [0], [1], [0, 0, 1, 1], [], []>, transpose_lhs_hint = false} : vector<400x128xbf16>, vector<128x512xbf16>, vector<400x512xf32> -> vector<400x512xf32>
    %slice3A_85 = vector.extract_strided_slice %dot_general3A_84 {offsets = [0, 0], sizes = [400, 128], strides = [1, 1]} : vector<400x512xf32> to vector<400x128xf32>
    %slice3A_86 = vector.extract_strided_slice %dot_general3A_84 {offsets = [0, 128], sizes = [400, 128], strides = [1, 1]} : vector<400x512xf32> to vector<400x128xf32>
    %slice3A_87 = vector.extract_strided_slice %dot_general3A_84 {offsets = [0, 256], sizes = [400, 128], strides = [1, 1]} : vector<400x512xf32> to vector<400x128xf32>
    %slice3A_88 = vector.extract_strided_slice %dot_general3A_84 {offsets = [0, 384], sizes = [400, 128], strides = [1, 1]} : vector<400x512xf32> to vector<400x128xf32>
    %get3A_89 = arith.constant 3600 : index
    %get3A_90 = arith.constant 0 : index
    %get3A_91 = vector.load %arg1[%get3A_89, %get3A_90] : memref<6400x128xf32, #tpu.memory_space<vmem>>, vector<400x128xf32>
    %convert_element_type3A_92 = arith.truncf %get3A_91 : vector<400x128xf32> to vector<400x128xbf16>
    %dot_general3A_93 = arith.constant dense<0.000000e+00> : vector<400x512xf32>
    %dot_general3A_94 = tpu.matmul %convert_element_type3A_92, %get3A_1, %dot_general3A_93 {dimension_numbers = #tpu.dot_dimension_numbers<[1], [0], [0], [1], [0, 0, 1, 1], [], []>, transpose_lhs_hint = false} : vector<400x128xbf16>, vector<128x512xbf16>, vector<400x512xf32> -> vector<400x512xf32>
    %slice3A_95 = vector.extract_strided_slice %dot_general3A_94 {offsets = [0, 0], sizes = [400, 128], strides = [1, 1]} : vector<400x512xf32> to vector<400x128xf32>
    %slice3A_96 = vector.extract_strided_slice %dot_general3A_94 {offsets = [0, 128], sizes = [400, 128], strides = [1, 1]} : vector<400x512xf32> to vector<400x128xf32>
    %slice3A_97 = vector.extract_strided_slice %dot_general3A_94 {offsets = [0, 256], sizes = [400, 128], strides = [1, 1]} : vector<400x512xf32> to vector<400x128xf32>
    %slice3A_98 = vector.extract_strided_slice %dot_general3A_94 {offsets = [0, 384], sizes = [400, 128], strides = [1, 1]} : vector<400x512xf32> to vector<400x128xf32>
    %get3A_99 = arith.constant 4000 : index
    %get3A_100 = arith.constant 0 : index
    %get3A_101 = vector.load %arg1[%get3A_99, %get3A_100] : memref<6400x128xf32, #tpu.memory_space<vmem>>, vector<400x128xf32>
    %convert_element_type3A_102 = arith.truncf %get3A_101 : vector<400x128xf32> to vector<400x128xbf16>
    %dot_general3A_103 = arith.constant dense<0.000000e+00> : vector<400x512xf32>
    %dot_general3A_104 = tpu.matmul %convert_element_type3A_102, %get3A_1, %dot_general3A_103 {dimension_numbers = #tpu.dot_dimension_numbers<[1], [0], [0], [1], [0, 0, 1, 1], [], []>, transpose_lhs_hint = false} : vector<400x128xbf16>, vector<128x512xbf16>, vector<400x512xf32> -> vector<400x512xf32>
    %slice3A_105 = vector.extract_strided_slice %dot_general3A_104 {offsets = [0, 0], sizes = [400, 128], strides = [1, 1]} : vector<400x512xf32> to vector<400x128xf32>
    %slice3A_106 = vector.extract_strided_slice %dot_general3A_104 {offsets = [0, 128], sizes = [400, 128], strides = [1, 1]} : vector<400x512xf32> to vector<400x128xf32>
    %slice3A_107 = vector.extract_strided_slice %dot_general3A_104 {offsets = [0, 256], sizes = [400, 128], strides = [1, 1]} : vector<400x512xf32> to vector<400x128xf32>
    %slice3A_108 = vector.extract_strided_slice %dot_general3A_104 {offsets = [0, 384], sizes = [400, 128], strides = [1, 1]} : vector<400x512xf32> to vector<400x128xf32>
    %get3A_109 = arith.constant 4400 : index
    %get3A_110 = arith.constant 0 : index
    %get3A_111 = vector.load %arg1[%get3A_109, %get3A_110] : memref<6400x128xf32, #tpu.memory_space<vmem>>, vector<400x128xf32>
    %convert_element_type3A_112 = arith.truncf %get3A_111 : vector<400x128xf32> to vector<400x128xbf16>
    %dot_general3A_113 = arith.constant dense<0.000000e+00> : vector<400x512xf32>
    %dot_general3A_114 = tpu.matmul %convert_element_type3A_112, %get3A_1, %dot_general3A_113 {dimension_numbers = #tpu.dot_dimension_numbers<[1], [0], [0], [1], [0, 0, 1, 1], [], []>, transpose_lhs_hint = false} : vector<400x128xbf16>, vector<128x512xbf16>, vector<400x512xf32> -> vector<400x512xf32>
    %slice3A_115 = vector.extract_strided_slice %dot_general3A_114 {offsets = [0, 0], sizes = [400, 128], strides = [1, 1]} : vector<400x512xf32> to vector<400x128xf32>
    %slice3A_116 = vector.extract_strided_slice %dot_general3A_114 {offsets = [0, 128], sizes = [400, 128], strides = [1, 1]} : vector<400x512xf32> to vector<400x128xf32>
    %slice3A_117 = vector.extract_strided_slice %dot_general3A_114 {offsets = [0, 256], sizes = [400, 128], strides = [1, 1]} : vector<400x512xf32> to vector<400x128xf32>
    %slice3A_118 = vector.extract_strided_slice %dot_general3A_114 {offsets = [0, 384], sizes = [400, 128], strides = [1, 1]} : vector<400x512xf32> to vector<400x128xf32>
    %get3A_119 = arith.constant 4800 : index
    %get3A_120 = arith.constant 0 : index
    %get3A_121 = vector.load %arg1[%get3A_119, %get3A_120] : memref<6400x128xf32, #tpu.memory_space<vmem>>, vector<400x128xf32>
    %convert_element_type3A_122 = arith.truncf %get3A_121 : vector<400x128xf32> to vector<400x128xbf16>
    %dot_general3A_123 = arith.constant dense<0.000000e+00> : vector<400x512xf32>
    %dot_general3A_124 = tpu.matmul %convert_element_type3A_122, %get3A_1, %dot_general3A_123 {dimension_numbers = #tpu.dot_dimension_numbers<[1], [0], [0], [1], [0, 0, 1, 1], [], []>, transpose_lhs_hint = false} : vector<400x128xbf16>, vector<128x512xbf16>, vector<400x512xf32> -> vector<400x512xf32>
    %slice3A_125 = vector.extract_strided_slice %dot_general3A_124 {offsets = [0, 0], sizes = [400, 128], strides = [1, 1]} : vector<400x512xf32> to vector<400x128xf32>
    %slice3A_126 = vector.extract_strided_slice %dot_general3A_124 {offsets = [0, 128], sizes = [400, 128], strides = [1, 1]} : vector<400x512xf32> to vector<400x128xf32>
    %slice3A_127 = vector.extract_strided_slice %dot_general3A_124 {offsets = [0, 256], sizes = [400, 128], strides = [1, 1]} : vector<400x512xf32> to vector<400x128xf32>
    %slice3A_128 = vector.extract_strided_slice %dot_general3A_124 {offsets = [0, 384], sizes = [400, 128], strides = [1, 1]} : vector<400x512xf32> to vector<400x128xf32>
    %get3A_129 = arith.constant 5200 : index
    %get3A_130 = arith.constant 0 : index
    %get3A_131 = vector.load %arg1[%get3A_129, %get3A_130] : memref<6400x128xf32, #tpu.memory_space<vmem>>, vector<400x128xf32>
    %convert_element_type3A_132 = arith.truncf %get3A_131 : vector<400x128xf32> to vector<400x128xbf16>
    %dot_general3A_133 = arith.constant dense<0.000000e+00> : vector<400x512xf32>
    %dot_general3A_134 = tpu.matmul %convert_element_type3A_132, %get3A_1, %dot_general3A_133 {dimension_numbers = #tpu.dot_dimension_numbers<[1], [0], [0], [1], [0, 0, 1, 1], [], []>, transpose_lhs_hint = false} : vector<400x128xbf16>, vector<128x512xbf16>, vector<400x512xf32> -> vector<400x512xf32>
    %slice3A_135 = vector.extract_strided_slice %dot_general3A_134 {offsets = [0, 0], sizes = [400, 128], strides = [1, 1]} : vector<400x512xf32> to vector<400x128xf32>
    %slice3A_136 = vector.extract_strided_slice %dot_general3A_134 {offsets = [0, 128], sizes = [400, 128], strides = [1, 1]} : vector<400x512xf32> to vector<400x128xf32>
    %slice3A_137 = vector.extract_strided_slice %dot_general3A_134 {offsets = [0, 256], sizes = [400, 128], strides = [1, 1]} : vector<400x512xf32> to vector<400x128xf32>
    %slice3A_138 = vector.extract_strided_slice %dot_general3A_134 {offsets = [0, 384], sizes = [400, 128], strides = [1, 1]} : vector<400x512xf32> to vector<400x128xf32>
    %get3A_139 = arith.constant 5600 : index
    %get3A_140 = arith.constant 0 : index
    %get3A_141 = vector.load %arg1[%get3A_139, %get3A_140] : memref<6400x128xf32, #tpu.memory_space<vmem>>, vector<400x128xf32>
    %convert_element_type3A_142 = arith.truncf %get3A_141 : vector<400x128xf32> to vector<400x128xbf16>
    %dot_general3A_143 = arith.constant dense<0.000000e+00> : vector<400x512xf32>
    %dot_general3A_144 = tpu.matmul %convert_element_type3A_142, %get3A_1, %dot_general3A_143 {dimension_numbers = #tpu.dot_dimension_numbers<[1], [0], [0], [1], [0, 0, 1, 1], [], []>, transpose_lhs_hint = false} : vector<400x128xbf16>, vector<128x512xbf16>, vector<400x512xf32> -> vector<400x512xf32>
    %slice3A_145 = vector.extract_strided_slice %dot_general3A_144 {offsets = [0, 0], sizes = [400, 128], strides = [1, 1]} : vector<400x512xf32> to vector<400x128xf32>
    %slice3A_146 = vector.extract_strided_slice %dot_general3A_144 {offsets = [0, 128], sizes = [400, 128], strides = [1, 1]} : vector<400x512xf32> to vector<400x128xf32>
    %slice3A_147 = vector.extract_strided_slice %dot_general3A_144 {offsets = [0, 256], sizes = [400, 128], strides = [1, 1]} : vector<400x512xf32> to vector<400x128xf32>
    %slice3A_148 = vector.extract_strided_slice %dot_general3A_144 {offsets = [0, 384], sizes = [400, 128], strides = [1, 1]} : vector<400x512xf32> to vector<400x128xf32>
    %get3A_149 = arith.constant 6000 : index
    %get3A_150 = arith.constant 0 : index
    %get3A_151 = vector.load %arg1[%get3A_149, %get3A_150] : memref<6400x128xf32, #tpu.memory_space<vmem>>, vector<400x128xf32>
    %convert_element_type3A_152 = arith.truncf %get3A_151 : vector<400x128xf32> to vector<400x128xbf16>
    %dot_general3A_153 = arith.constant dense<0.000000e+00> : vector<400x512xf32>
    %dot_general3A_154 = tpu.matmul %convert_element_type3A_152, %get3A_1, %dot_general3A_153 {dimension_numbers = #tpu.dot_dimension_numbers<[1], [0], [0], [1], [0, 0, 1, 1], [], []>, transpose_lhs_hint = false} : vector<400x128xbf16>, vector<128x512xbf16>, vector<400x512xf32> -> vector<400x512xf32>
    %slice3A_155 = vector.extract_strided_slice %dot_general3A_154 {offsets = [0, 0], sizes = [400, 128], strides = [1, 1]} : vector<400x512xf32> to vector<400x128xf32>
    %slice3A_156 = vector.extract_strided_slice %dot_general3A_154 {offsets = [0, 128], sizes = [400, 128], strides = [1, 1]} : vector<400x512xf32> to vector<400x128xf32>
    %slice3A_157 = vector.extract_strided_slice %dot_general3A_154 {offsets = [0, 256], sizes = [400, 128], strides = [1, 1]} : vector<400x512xf32> to vector<400x128xf32>
    %slice3A_158 = vector.extract_strided_slice %dot_general3A_154 {offsets = [0, 384], sizes = [400, 128], strides = [1, 1]} : vector<400x512xf32> to vector<400x128xf32>
    %concatenate3A = tpu.concatenate %slice3A, %slice3A_6, %slice3A_7, %slice3A_8, %slice3A_15, %slice3A_16, %slice3A_17, %slice3A_18, %slice3A_25, %slice3A_26, %slice3A_27, %slice3A_28, %slice3A_35, %slice3A_36, %slice3A_37, %slice3A_38, %slice3A_45, %slice3A_46, %slice3A_47, %slice3A_48, %slice3A_55, %slice3A_56, %slice3A_57, %slice3A_58, %slice3A_65, %slice3A_66, %slice3A_67, %slice3A_68, %slice3A_75, %slice3A_76, %slice3A_77, %slice3A_78, %slice3A_85, %slice3A_86, %slice3A_87, %slice3A_88, %slice3A_95, %slice3A_96, %slice3A_97, %slice3A_98, %slice3A_105, %slice3A_106, %slice3A_107, %slice3A_108, %slice3A_115, %slice3A_116, %slice3A_117, %slice3A_118, %slice3A_125, %slice3A_126, %slice3A_127, %slice3A_128, %slice3A_135, %slice3A_136, %slice3A_137, %slice3A_138, %slice3A_145, %slice3A_146, %slice3A_147, %slice3A_148, %slice3A_155, %slice3A_156, %slice3A_157, %slice3A_158 in 0 : vector<400x128xf32>, vector<400x128xf32>, vector<400x128xf32>, vector<400x128xf32>, vector<400x128xf32>, vector<400x128xf32>, vector<400x128xf32>, vector<400x128xf32>, vector<400x128xf32>, vector<400x128xf32>, vector<400x128xf32>, vector<400x128xf32>, vector<400x128xf32>, vector<400x128xf32>, vector<400x128xf32>, vector<400x128xf32>, vector<400x128xf32>, vector<400x128xf32>, vector<400x128xf32>, vector<400x128xf32>, vector<400x128xf32>, vector<400x128xf32>, vector<400x128xf32>, vector<400x128xf32>, vector<400x128xf32>, vector<400x128xf32>, vector<400x128xf32>, vector<400x128xf32>, vector<400x128xf32>, vector<400x128xf32>, vector<400x128xf32>, vector<400x128xf32>, vector<400x128xf32>, vector<400x128xf32>, vector<400x128xf32>, vector<400x128xf32>, vector<400x128xf32>, vector<400x128xf32>, vector<400x128xf32>, vector<400x128xf32>, vector<400x128xf32>, vector<400x128xf32>, vector<400x128xf32>, vector<400x128xf32>, vector<400x128xf32>, vector<400x128xf32>, vector<400x128xf32>, vector<400x128xf32>, vector<400x128xf32>, vector<400x128xf32>, vector<400x128xf32>, vector<400x128xf32>, vector<400x128xf32>, vector<400x128xf32>, vector<400x128xf32>, vector<400x128xf32>, vector<400x128xf32>, vector<400x128xf32>, vector<400x128xf32>, vector<400x128xf32>, vector<400x128xf32>, vector<400x128xf32>, vector<400x128xf32>, vector<400x128xf32> -> vector<25600x128xf32>
    %reshape3A = vector.shape_cast %concatenate3A : vector<25600x128xf32> to vector<128x200x128xf32>
    %swap3A = arith.constant 0 : index
    %swap3A_159 = arith.constant 0 : index
    %swap3A_160 = arith.constant 0 : index
    %swap3A_161 = vector.load %arg3[%swap3A, %swap3A_159, %swap3A_160] : memref<128x200x128xf32, #tpu.memory_space<vmem>>, vector<128x200x128xf32>
    tpu.vector_store %arg3[%swap3A, %swap3A_159, %swap3A_160], %reshape3A {strides = array<i32>} : memref<128x200x128xf32, #tpu.memory_space<vmem>>, vector<128x200x128xf32>,
    return
  }
  func.func @transform_0(%arg0: i32) -> (i32, i32) {
    %c0_i32 = arith.constant 0 : i32
    %c0_i32_0 = arith.constant 0 : i32
    return %arg0, %c0_i32 : i32, i32
  }
  func.func @transform_1(%arg0: i32) -> (i32, i32) {
    %c0_i32 = arith.constant 0 : i32
    %c0_i32_0 = arith.constant 0 : i32
    %c0_i32_1 = arith.constant 0 : i32
    return %c0_i32, %c0_i32_0 : i32, i32
  }
  func.func @transform_2(%arg0: i32) -> (i32, i32, i32) {
    %add3A = arith.constant 0 : i32
    %add3A_0 = arith.addi %add3A, %arg0 : i32
    %c0_i32 = arith.constant 0 : i32
    %c0_i32_1 = arith.constant 0 : i32
    %c0_i32_2 = arith.constant 0 : i32
    return %add3A_0, %c0_i32, %c0_i32_1 : i32, i32, i32
  }
}

module attributes {stable_mosaic.version = 14 : i64} {
  func.func @_mm_next(%arg0: i32, %arg1: memref<6400x128xf32, #tpu.memory_space<vmem>>, %arg2: memref<128x512xbf16, #tpu.memory_space<vmem>>, %arg3: memref<4096x200x128xf32, #tpu.memory_space<any>>, %arg4: memref<128x200x128xf32, #tpu.memory_space<vmem>>) attributes {dimension_semantics = [#tpu.dimension_semantics<arbitrary>], iteration_bounds = array<i64: 8>, scalar_prefetch = 0 : i64, scratch_operands = 0 : i64, tpu.core_type = #tpu.core_type<tc>, window_params = [{transform_indices = @transform_0, window_bounds = array<i64: 6400, 128>}, {pipeline_mode = #tpu.pipeline_mode<synchronous>, transform_indices = @transform_1, window_bounds = array<i64: 128, 512>}, {}, {transform_indices = @transform_3, window_bounds = array<i64: 128, 200, 128>}]} {
    %get3A = arith.constant 0 : index
    %get3A_0 = arith.constant 0 : index
    %get3A_1 = vector.load %arg2[%get3A, %get3A_0] : memref<128x512xbf16, #tpu.memory_space<vmem>>, vector<128x512xbf16>
    %get3A_2 = arith.constant 0 : index
    %get3A_3 = arith.constant 0 : index
    %get3A_4 = vector.load %arg1[%get3A_2, %get3A_3] : memref<6400x128xf32, #tpu.memory_space<vmem>>, vector<400x128xf32>
    %convert_element_type3A = arith.truncf %get3A_4 : vector<400x128xf32> to vector<400x128xbf16>
    %dot_general3A = arith.constant dense<0.000000e+00> : vector<400x512xf32>
    %dot_general3A_5 = tpu.matmul %convert_element_type3A, %get3A_1, %dot_general3A {dimension_numbers = #tpu.dot_dimension_numbers<[1], [0], [0], [1], [0, 0, 1, 1], [], []>, transpose_lhs_hint = false} : vector<400x128xbf16>, vector<128x512xbf16>, vector<400x512xf32> -> vector<400x512xf32>
    %slice3A = vector.extract_strided_slice %dot_general3A_5 {offsets = [0, 0], sizes = [400, 128], strides = [1, 1]} : vector<400x512xf32> to vector<400x128xf32>
    %slice3A_6 = vector.extract_strided_slice %dot_general3A_5 {offsets = [0, 128], sizes = [400, 128], strides = [1, 1]} : vector<400x512xf32> to vector<400x128xf32>
    %slice3A_7 = vector.extract_strided_slice %dot_general3A_5 {offsets = [0, 256], sizes = [400, 128], strides = [1, 1]} : vector<400x512xf32> to vector<400x128xf32>
    %slice3A_8 = vector.extract_strided_slice %dot_general3A_5 {offsets = [0, 384], sizes = [400, 128], strides = [1, 1]} : vector<400x512xf32> to vector<400x128xf32>
    %get3A_9 = arith.constant 400 : index
    %get3A_10 = arith.constant 0 : index
    %get3A_11 = vector.load %arg1[%get3A_9, %get3A_10] : memref<6400x128xf32, #tpu.memory_space<vmem>>, vector<400x128xf32>
    %convert_element_type3A_12 = arith.truncf %get3A_11 : vector<400x128xf32> to vector<400x128xbf16>
    %dot_general3A_13 = arith.constant dense<0.000000e+00> : vector<400x512xf32>
    %dot_general3A_14 = tpu.matmul %convert_element_type3A_12, %get3A_1, %dot_general3A_13 {dimension_numbers = #tpu.dot_dimension_numbers<[1], [0], [0], [1], [0, 0, 1, 1], [], []>, transpose_lhs_hint = false} : vector<400x128xbf16>, vector<128x512xbf16>, vector<400x512xf32> -> vector<400x512xf32>
    %slice3A_15 = vector.extract_strided_slice %dot_general3A_14 {offsets = [0, 0], sizes = [400, 128], strides = [1, 1]} : vector<400x512xf32> to vector<400x128xf32>
    %slice3A_16 = vector.extract_strided_slice %dot_general3A_14 {offsets = [0, 128], sizes = [400, 128], strides = [1, 1]} : vector<400x512xf32> to vector<400x128xf32>
    %slice3A_17 = vector.extract_strided_slice %dot_general3A_14 {offsets = [0, 256], sizes = [400, 128], strides = [1, 1]} : vector<400x512xf32> to vector<400x128xf32>
    %slice3A_18 = vector.extract_strided_slice %dot_general3A_14 {offsets = [0, 384], sizes = [400, 128], strides = [1, 1]} : vector<400x512xf32> to vector<400x128xf32>
    %get3A_19 = arith.constant 800 : index
    %get3A_20 = arith.constant 0 : index
    %get3A_21 = vector.load %arg1[%get3A_19, %get3A_20] : memref<6400x128xf32, #tpu.memory_space<vmem>>, vector<400x128xf32>
    %convert_element_type3A_22 = arith.truncf %get3A_21 : vector<400x128xf32> to vector<400x128xbf16>
    %dot_general3A_23 = arith.constant dense<0.000000e+00> : vector<400x512xf32>
    %dot_general3A_24 = tpu.matmul %convert_element_type3A_22, %get3A_1, %dot_general3A_23 {dimension_numbers = #tpu.dot_dimension_numbers<[1], [0], [0], [1], [0, 0, 1, 1], [], []>, transpose_lhs_hint = false} : vector<400x128xbf16>, vector<128x512xbf16>, vector<400x512xf32> -> vector<400x512xf32>
    %slice3A_25 = vector.extract_strided_slice %dot_general3A_24 {offsets = [0, 0], sizes = [400, 128], strides = [1, 1]} : vector<400x512xf32> to vector<400x128xf32>
    %slice3A_26 = vector.extract_strided_slice %dot_general3A_24 {offsets = [0, 128], sizes = [400, 128], strides = [1, 1]} : vector<400x512xf32> to vector<400x128xf32>
    %slice3A_27 = vector.extract_strided_slice %dot_general3A_24 {offsets = [0, 256], sizes = [400, 128], strides = [1, 1]} : vector<400x512xf32> to vector<400x128xf32>
    %slice3A_28 = vector.extract_strided_slice %dot_general3A_24 {offsets = [0, 384], sizes = [400, 128], strides = [1, 1]} : vector<400x512xf32> to vector<400x128xf32>
    %get3A_29 = arith.constant 1200 : index
    %get3A_30 = arith.constant 0 : index
    %get3A_31 = vector.load %arg1[%get3A_29, %get3A_30] : memref<6400x128xf32, #tpu.memory_space<vmem>>, vector<400x128xf32>
    %convert_element_type3A_32 = arith.truncf %get3A_31 : vector<400x128xf32> to vector<400x128xbf16>
    %dot_general3A_33 = arith.constant dense<0.000000e+00> : vector<400x512xf32>
    %dot_general3A_34 = tpu.matmul %convert_element_type3A_32, %get3A_1, %dot_general3A_33 {dimension_numbers = #tpu.dot_dimension_numbers<[1], [0], [0], [1], [0, 0, 1, 1], [], []>, transpose_lhs_hint = false} : vector<400x128xbf16>, vector<128x512xbf16>, vector<400x512xf32> -> vector<400x512xf32>
    %slice3A_35 = vector.extract_strided_slice %dot_general3A_34 {offsets = [0, 0], sizes = [400, 128], strides = [1, 1]} : vector<400x512xf32> to vector<400x128xf32>
    %slice3A_36 = vector.extract_strided_slice %dot_general3A_34 {offsets = [0, 128], sizes = [400, 128], strides = [1, 1]} : vector<400x512xf32> to vector<400x128xf32>
    %slice3A_37 = vector.extract_strided_slice %dot_general3A_34 {offsets = [0, 256], sizes = [400, 128], strides = [1, 1]} : vector<400x512xf32> to vector<400x128xf32>
    %slice3A_38 = vector.extract_strided_slice %dot_general3A_34 {offsets = [0, 384], sizes = [400, 128], strides = [1, 1]} : vector<400x512xf32> to vector<400x128xf32>
    %get3A_39 = arith.constant 1600 : index
    %get3A_40 = arith.constant 0 : index
    %get3A_41 = vector.load %arg1[%get3A_39, %get3A_40] : memref<6400x128xf32, #tpu.memory_space<vmem>>, vector<400x128xf32>
    %convert_element_type3A_42 = arith.truncf %get3A_41 : vector<400x128xf32> to vector<400x128xbf16>
    %dot_general3A_43 = arith.constant dense<0.000000e+00> : vector<400x512xf32>
    %dot_general3A_44 = tpu.matmul %convert_element_type3A_42, %get3A_1, %dot_general3A_43 {dimension_numbers = #tpu.dot_dimension_numbers<[1], [0], [0], [1], [0, 0, 1, 1], [], []>, transpose_lhs_hint = false} : vector<400x128xbf16>, vector<128x512xbf16>, vector<400x512xf32> -> vector<400x512xf32>
    %slice3A_45 = vector.extract_strided_slice %dot_general3A_44 {offsets = [0, 0], sizes = [400, 128], strides = [1, 1]} : vector<400x512xf32> to vector<400x128xf32>
    %slice3A_46 = vector.extract_strided_slice %dot_general3A_44 {offsets = [0, 128], sizes = [400, 128], strides = [1, 1]} : vector<400x512xf32> to vector<400x128xf32>
    %slice3A_47 = vector.extract_strided_slice %dot_general3A_44 {offsets = [0, 256], sizes = [400, 128], strides = [1, 1]} : vector<400x512xf32> to vector<400x128xf32>
    %slice3A_48 = vector.extract_strided_slice %dot_general3A_44 {offsets = [0, 384], sizes = [400, 128], strides = [1, 1]} : vector<400x512xf32> to vector<400x128xf32>
    %get3A_49 = arith.constant 2000 : index
    %get3A_50 = arith.constant 0 : index
    %get3A_51 = vector.load %arg1[%get3A_49, %get3A_50] : memref<6400x128xf32, #tpu.memory_space<vmem>>, vector<400x128xf32>
    %convert_element_type3A_52 = arith.truncf %get3A_51 : vector<400x128xf32> to vector<400x128xbf16>
    %dot_general3A_53 = arith.constant dense<0.000000e+00> : vector<400x512xf32>
    %dot_general3A_54 = tpu.matmul %convert_element_type3A_52, %get3A_1, %dot_general3A_53 {dimension_numbers = #tpu.dot_dimension_numbers<[1], [0], [0], [1], [0, 0, 1, 1], [], []>, transpose_lhs_hint = false} : vector<400x128xbf16>, vector<128x512xbf16>, vector<400x512xf32> -> vector<400x512xf32>
    %slice3A_55 = vector.extract_strided_slice %dot_general3A_54 {offsets = [0, 0], sizes = [400, 128], strides = [1, 1]} : vector<400x512xf32> to vector<400x128xf32>
    %slice3A_56 = vector.extract_strided_slice %dot_general3A_54 {offsets = [0, 128], sizes = [400, 128], strides = [1, 1]} : vector<400x512xf32> to vector<400x128xf32>
    %slice3A_57 = vector.extract_strided_slice %dot_general3A_54 {offsets = [0, 256], sizes = [400, 128], strides = [1, 1]} : vector<400x512xf32> to vector<400x128xf32>
    %slice3A_58 = vector.extract_strided_slice %dot_general3A_54 {offsets = [0, 384], sizes = [400, 128], strides = [1, 1]} : vector<400x512xf32> to vector<400x128xf32>
    %get3A_59 = arith.constant 2400 : index
    %get3A_60 = arith.constant 0 : index
    %get3A_61 = vector.load %arg1[%get3A_59, %get3A_60] : memref<6400x128xf32, #tpu.memory_space<vmem>>, vector<400x128xf32>
    %convert_element_type3A_62 = arith.truncf %get3A_61 : vector<400x128xf32> to vector<400x128xbf16>
    %dot_general3A_63 = arith.constant dense<0.000000e+00> : vector<400x512xf32>
    %dot_general3A_64 = tpu.matmul %convert_element_type3A_62, %get3A_1, %dot_general3A_63 {dimension_numbers = #tpu.dot_dimension_numbers<[1], [0], [0], [1], [0, 0, 1, 1], [], []>, transpose_lhs_hint = false} : vector<400x128xbf16>, vector<128x512xbf16>, vector<400x512xf32> -> vector<400x512xf32>
    %slice3A_65 = vector.extract_strided_slice %dot_general3A_64 {offsets = [0, 0], sizes = [400, 128], strides = [1, 1]} : vector<400x512xf32> to vector<400x128xf32>
    %slice3A_66 = vector.extract_strided_slice %dot_general3A_64 {offsets = [0, 128], sizes = [400, 128], strides = [1, 1]} : vector<400x512xf32> to vector<400x128xf32>
    %slice3A_67 = vector.extract_strided_slice %dot_general3A_64 {offsets = [0, 256], sizes = [400, 128], strides = [1, 1]} : vector<400x512xf32> to vector<400x128xf32>
    %slice3A_68 = vector.extract_strided_slice %dot_general3A_64 {offsets = [0, 384], sizes = [400, 128], strides = [1, 1]} : vector<400x512xf32> to vector<400x128xf32>
    %get3A_69 = arith.constant 2800 : index
    %get3A_70 = arith.constant 0 : index
    %get3A_71 = vector.load %arg1[%get3A_69, %get3A_70] : memref<6400x128xf32, #tpu.memory_space<vmem>>, vector<400x128xf32>
    %convert_element_type3A_72 = arith.truncf %get3A_71 : vector<400x128xf32> to vector<400x128xbf16>
    %dot_general3A_73 = arith.constant dense<0.000000e+00> : vector<400x512xf32>
    %dot_general3A_74 = tpu.matmul %convert_element_type3A_72, %get3A_1, %dot_general3A_73 {dimension_numbers = #tpu.dot_dimension_numbers<[1], [0], [0], [1], [0, 0, 1, 1], [], []>, transpose_lhs_hint = false} : vector<400x128xbf16>, vector<128x512xbf16>, vector<400x512xf32> -> vector<400x512xf32>
    %slice3A_75 = vector.extract_strided_slice %dot_general3A_74 {offsets = [0, 0], sizes = [400, 128], strides = [1, 1]} : vector<400x512xf32> to vector<400x128xf32>
    %slice3A_76 = vector.extract_strided_slice %dot_general3A_74 {offsets = [0, 128], sizes = [400, 128], strides = [1, 1]} : vector<400x512xf32> to vector<400x128xf32>
    %slice3A_77 = vector.extract_strided_slice %dot_general3A_74 {offsets = [0, 256], sizes = [400, 128], strides = [1, 1]} : vector<400x512xf32> to vector<400x128xf32>
    %slice3A_78 = vector.extract_strided_slice %dot_general3A_74 {offsets = [0, 384], sizes = [400, 128], strides = [1, 1]} : vector<400x512xf32> to vector<400x128xf32>
    %get3A_79 = arith.constant 3200 : index
    %get3A_80 = arith.constant 0 : index
    %get3A_81 = vector.load %arg1[%get3A_79, %get3A_80] : memref<6400x128xf32, #tpu.memory_space<vmem>>, vector<400x128xf32>
    %convert_element_type3A_82 = arith.truncf %get3A_81 : vector<400x128xf32> to vector<400x128xbf16>
    %dot_general3A_83 = arith.constant dense<0.000000e+00> : vector<400x512xf32>
    %dot_general3A_84 = tpu.matmul %convert_element_type3A_82, %get3A_1, %dot_general3A_83 {dimension_numbers = #tpu.dot_dimension_numbers<[1], [0], [0], [1], [0, 0, 1, 1], [], []>, transpose_lhs_hint = false} : vector<400x128xbf16>, vector<128x512xbf16>, vector<400x512xf32> -> vector<400x512xf32>
    %slice3A_85 = vector.extract_strided_slice %dot_general3A_84 {offsets = [0, 0], sizes = [400, 128], strides = [1, 1]} : vector<400x512xf32> to vector<400x128xf32>
    %slice3A_86 = vector.extract_strided_slice %dot_general3A_84 {offsets = [0, 128], sizes = [400, 128], strides = [1, 1]} : vector<400x512xf32> to vector<400x128xf32>
    %slice3A_87 = vector.extract_strided_slice %dot_general3A_84 {offsets = [0, 256], sizes = [400, 128], strides = [1, 1]} : vector<400x512xf32> to vector<400x128xf32>
    %slice3A_88 = vector.extract_strided_slice %dot_general3A_84 {offsets = [0, 384], sizes = [400, 128], strides = [1, 1]} : vector<400x512xf32> to vector<400x128xf32>
    %get3A_89 = arith.constant 3600 : index
    %get3A_90 = arith.constant 0 : index
    %get3A_91 = vector.load %arg1[%get3A_89, %get3A_90] : memref<6400x128xf32, #tpu.memory_space<vmem>>, vector<400x128xf32>
    %convert_element_type3A_92 = arith.truncf %get3A_91 : vector<400x128xf32> to vector<400x128xbf16>
    %dot_general3A_93 = arith.constant dense<0.000000e+00> : vector<400x512xf32>
    %dot_general3A_94 = tpu.matmul %convert_element_type3A_92, %get3A_1, %dot_general3A_93 {dimension_numbers = #tpu.dot_dimension_numbers<[1], [0], [0], [1], [0, 0, 1, 1], [], []>, transpose_lhs_hint = false} : vector<400x128xbf16>, vector<128x512xbf16>, vector<400x512xf32> -> vector<400x512xf32>
    %slice3A_95 = vector.extract_strided_slice %dot_general3A_94 {offsets = [0, 0], sizes = [400, 128], strides = [1, 1]} : vector<400x512xf32> to vector<400x128xf32>
    %slice3A_96 = vector.extract_strided_slice %dot_general3A_94 {offsets = [0, 128], sizes = [400, 128], strides = [1, 1]} : vector<400x512xf32> to vector<400x128xf32>
    %slice3A_97 = vector.extract_strided_slice %dot_general3A_94 {offsets = [0, 256], sizes = [400, 128], strides = [1, 1]} : vector<400x512xf32> to vector<400x128xf32>
    %slice3A_98 = vector.extract_strided_slice %dot_general3A_94 {offsets = [0, 384], sizes = [400, 128], strides = [1, 1]} : vector<400x512xf32> to vector<400x128xf32>
    %get3A_99 = arith.constant 4000 : index
    %get3A_100 = arith.constant 0 : index
    %get3A_101 = vector.load %arg1[%get3A_99, %get3A_100] : memref<6400x128xf32, #tpu.memory_space<vmem>>, vector<400x128xf32>
    %convert_element_type3A_102 = arith.truncf %get3A_101 : vector<400x128xf32> to vector<400x128xbf16>
    %dot_general3A_103 = arith.constant dense<0.000000e+00> : vector<400x512xf32>
    %dot_general3A_104 = tpu.matmul %convert_element_type3A_102, %get3A_1, %dot_general3A_103 {dimension_numbers = #tpu.dot_dimension_numbers<[1], [0], [0], [1], [0, 0, 1, 1], [], []>, transpose_lhs_hint = false} : vector<400x128xbf16>, vector<128x512xbf16>, vector<400x512xf32> -> vector<400x512xf32>
    %slice3A_105 = vector.extract_strided_slice %dot_general3A_104 {offsets = [0, 0], sizes = [400, 128], strides = [1, 1]} : vector<400x512xf32> to vector<400x128xf32>
    %slice3A_106 = vector.extract_strided_slice %dot_general3A_104 {offsets = [0, 128], sizes = [400, 128], strides = [1, 1]} : vector<400x512xf32> to vector<400x128xf32>
    %slice3A_107 = vector.extract_strided_slice %dot_general3A_104 {offsets = [0, 256], sizes = [400, 128], strides = [1, 1]} : vector<400x512xf32> to vector<400x128xf32>
    %slice3A_108 = vector.extract_strided_slice %dot_general3A_104 {offsets = [0, 384], sizes = [400, 128], strides = [1, 1]} : vector<400x512xf32> to vector<400x128xf32>
    %get3A_109 = arith.constant 4400 : index
    %get3A_110 = arith.constant 0 : index
    %get3A_111 = vector.load %arg1[%get3A_109, %get3A_110] : memref<6400x128xf32, #tpu.memory_space<vmem>>, vector<400x128xf32>
    %convert_element_type3A_112 = arith.truncf %get3A_111 : vector<400x128xf32> to vector<400x128xbf16>
    %dot_general3A_113 = arith.constant dense<0.000000e+00> : vector<400x512xf32>
    %dot_general3A_114 = tpu.matmul %convert_element_type3A_112, %get3A_1, %dot_general3A_113 {dimension_numbers = #tpu.dot_dimension_numbers<[1], [0], [0], [1], [0, 0, 1, 1], [], []>, transpose_lhs_hint = false} : vector<400x128xbf16>, vector<128x512xbf16>, vector<400x512xf32> -> vector<400x512xf32>
    %slice3A_115 = vector.extract_strided_slice %dot_general3A_114 {offsets = [0, 0], sizes = [400, 128], strides = [1, 1]} : vector<400x512xf32> to vector<400x128xf32>
    %slice3A_116 = vector.extract_strided_slice %dot_general3A_114 {offsets = [0, 128], sizes = [400, 128], strides = [1, 1]} : vector<400x512xf32> to vector<400x128xf32>
    %slice3A_117 = vector.extract_strided_slice %dot_general3A_114 {offsets = [0, 256], sizes = [400, 128], strides = [1, 1]} : vector<400x512xf32> to vector<400x128xf32>
    %slice3A_118 = vector.extract_strided_slice %dot_general3A_114 {offsets = [0, 384], sizes = [400, 128], strides = [1, 1]} : vector<400x512xf32> to vector<400x128xf32>
    %get3A_119 = arith.constant 4800 : index
    %get3A_120 = arith.constant 0 : index
    %get3A_121 = vector.load %arg1[%get3A_119, %get3A_120] : memref<6400x128xf32, #tpu.memory_space<vmem>>, vector<400x128xf32>
    %convert_element_type3A_122 = arith.truncf %get3A_121 : vector<400x128xf32> to vector<400x128xbf16>
    %dot_general3A_123 = arith.constant dense<0.000000e+00> : vector<400x512xf32>
    %dot_general3A_124 = tpu.matmul %convert_element_type3A_122, %get3A_1, %dot_general3A_123 {dimension_numbers = #tpu.dot_dimension_numbers<[1], [0], [0], [1], [0, 0, 1, 1], [], []>, transpose_lhs_hint = false} : vector<400x128xbf16>, vector<128x512xbf16>, vector<400x512xf32> -> vector<400x512xf32>
    %slice3A_125 = vector.extract_strided_slice %dot_general3A_124 {offsets = [0, 0], sizes = [400, 128], strides = [1, 1]} : vector<400x512xf32> to vector<400x128xf32>
    %slice3A_126 = vector.extract_strided_slice %dot_general3A_124 {offsets = [0, 128], sizes = [400, 128], strides = [1, 1]} : vector<400x512xf32> to vector<400x128xf32>
    %slice3A_127 = vector.extract_strided_slice %dot_general3A_124 {offsets = [0, 256], sizes = [400, 128], strides = [1, 1]} : vector<400x512xf32> to vector<400x128xf32>
    %slice3A_128 = vector.extract_strided_slice %dot_general3A_124 {offsets = [0, 384], sizes = [400, 128], strides = [1, 1]} : vector<400x512xf32> to vector<400x128xf32>
    %get3A_129 = arith.constant 5200 : index
    %get3A_130 = arith.constant 0 : index
    %get3A_131 = vector.load %arg1[%get3A_129, %get3A_130] : memref<6400x128xf32, #tpu.memory_space<vmem>>, vector<400x128xf32>
    %convert_element_type3A_132 = arith.truncf %get3A_131 : vector<400x128xf32> to vector<400x128xbf16>
    %dot_general3A_133 = arith.constant dense<0.000000e+00> : vector<400x512xf32>
    %dot_general3A_134 = tpu.matmul %convert_element_type3A_132, %get3A_1, %dot_general3A_133 {dimension_numbers = #tpu.dot_dimension_numbers<[1], [0], [0], [1], [0, 0, 1, 1], [], []>, transpose_lhs_hint = false} : vector<400x128xbf16>, vector<128x512xbf16>, vector<400x512xf32> -> vector<400x512xf32>
    %slice3A_135 = vector.extract_strided_slice %dot_general3A_134 {offsets = [0, 0], sizes = [400, 128], strides = [1, 1]} : vector<400x512xf32> to vector<400x128xf32>
    %slice3A_136 = vector.extract_strided_slice %dot_general3A_134 {offsets = [0, 128], sizes = [400, 128], strides = [1, 1]} : vector<400x512xf32> to vector<400x128xf32>
    %slice3A_137 = vector.extract_strided_slice %dot_general3A_134 {offsets = [0, 256], sizes = [400, 128], strides = [1, 1]} : vector<400x512xf32> to vector<400x128xf32>
    %slice3A_138 = vector.extract_strided_slice %dot_general3A_134 {offsets = [0, 384], sizes = [400, 128], strides = [1, 1]} : vector<400x512xf32> to vector<400x128xf32>
    %get3A_139 = arith.constant 5600 : index
    %get3A_140 = arith.constant 0 : index
    %get3A_141 = vector.load %arg1[%get3A_139, %get3A_140] : memref<6400x128xf32, #tpu.memory_space<vmem>>, vector<400x128xf32>
    %convert_element_type3A_142 = arith.truncf %get3A_141 : vector<400x128xf32> to vector<400x128xbf16>
    %dot_general3A_143 = arith.constant dense<0.000000e+00> : vector<400x512xf32>
    %dot_general3A_144 = tpu.matmul %convert_element_type3A_142, %get3A_1, %dot_general3A_143 {dimension_numbers = #tpu.dot_dimension_numbers<[1], [0], [0], [1], [0, 0, 1, 1], [], []>, transpose_lhs_hint = false} : vector<400x128xbf16>, vector<128x512xbf16>, vector<400x512xf32> -> vector<400x512xf32>
    %slice3A_145 = vector.extract_strided_slice %dot_general3A_144 {offsets = [0, 0], sizes = [400, 128], strides = [1, 1]} : vector<400x512xf32> to vector<400x128xf32>
    %slice3A_146 = vector.extract_strided_slice %dot_general3A_144 {offsets = [0, 128], sizes = [400, 128], strides = [1, 1]} : vector<400x512xf32> to vector<400x128xf32>
    %slice3A_147 = vector.extract_strided_slice %dot_general3A_144 {offsets = [0, 256], sizes = [400, 128], strides = [1, 1]} : vector<400x512xf32> to vector<400x128xf32>
    %slice3A_148 = vector.extract_strided_slice %dot_general3A_144 {offsets = [0, 384], sizes = [400, 128], strides = [1, 1]} : vector<400x512xf32> to vector<400x128xf32>
    %get3A_149 = arith.constant 6000 : index
    %get3A_150 = arith.constant 0 : index
    %get3A_151 = vector.load %arg1[%get3A_149, %get3A_150] : memref<6400x128xf32, #tpu.memory_space<vmem>>, vector<400x128xf32>
    %convert_element_type3A_152 = arith.truncf %get3A_151 : vector<400x128xf32> to vector<400x128xbf16>
    %dot_general3A_153 = arith.constant dense<0.000000e+00> : vector<400x512xf32>
    %dot_general3A_154 = tpu.matmul %convert_element_type3A_152, %get3A_1, %dot_general3A_153 {dimension_numbers = #tpu.dot_dimension_numbers<[1], [0], [0], [1], [0, 0, 1, 1], [], []>, transpose_lhs_hint = false} : vector<400x128xbf16>, vector<128x512xbf16>, vector<400x512xf32> -> vector<400x512xf32>
    %slice3A_155 = vector.extract_strided_slice %dot_general3A_154 {offsets = [0, 0], sizes = [400, 128], strides = [1, 1]} : vector<400x512xf32> to vector<400x128xf32>
    %slice3A_156 = vector.extract_strided_slice %dot_general3A_154 {offsets = [0, 128], sizes = [400, 128], strides = [1, 1]} : vector<400x512xf32> to vector<400x128xf32>
    %slice3A_157 = vector.extract_strided_slice %dot_general3A_154 {offsets = [0, 256], sizes = [400, 128], strides = [1, 1]} : vector<400x512xf32> to vector<400x128xf32>
    %slice3A_158 = vector.extract_strided_slice %dot_general3A_154 {offsets = [0, 384], sizes = [400, 128], strides = [1, 1]} : vector<400x512xf32> to vector<400x128xf32>
    %concatenate3A = tpu.concatenate %slice3A, %slice3A_6, %slice3A_7, %slice3A_8, %slice3A_15, %slice3A_16, %slice3A_17, %slice3A_18, %slice3A_25, %slice3A_26, %slice3A_27, %slice3A_28, %slice3A_35, %slice3A_36, %slice3A_37, %slice3A_38, %slice3A_45, %slice3A_46, %slice3A_47, %slice3A_48, %slice3A_55, %slice3A_56, %slice3A_57, %slice3A_58, %slice3A_65, %slice3A_66, %slice3A_67, %slice3A_68, %slice3A_75, %slice3A_76, %slice3A_77, %slice3A_78, %slice3A_85, %slice3A_86, %slice3A_87, %slice3A_88, %slice3A_95, %slice3A_96, %slice3A_97, %slice3A_98, %slice3A_105, %slice3A_106, %slice3A_107, %slice3A_108, %slice3A_115, %slice3A_116, %slice3A_117, %slice3A_118, %slice3A_125, %slice3A_126, %slice3A_127, %slice3A_128, %slice3A_135, %slice3A_136, %slice3A_137, %slice3A_138, %slice3A_145, %slice3A_146, %slice3A_147, %slice3A_148, %slice3A_155, %slice3A_156, %slice3A_157, %slice3A_158 in 0 : vector<400x128xf32>, vector<400x128xf32>, vector<400x128xf32>, vector<400x128xf32>, vector<400x128xf32>, vector<400x128xf32>, vector<400x128xf32>, vector<400x128xf32>, vector<400x128xf32>, vector<400x128xf32>, vector<400x128xf32>, vector<400x128xf32>, vector<400x128xf32>, vector<400x128xf32>, vector<400x128xf32>, vector<400x128xf32>, vector<400x128xf32>, vector<400x128xf32>, vector<400x128xf32>, vector<400x128xf32>, vector<400x128xf32>, vector<400x128xf32>, vector<400x128xf32>, vector<400x128xf32>, vector<400x128xf32>, vector<400x128xf32>, vector<400x128xf32>, vector<400x128xf32>, vector<400x128xf32>, vector<400x128xf32>, vector<400x128xf32>, vector<400x128xf32>, vector<400x128xf32>, vector<400x128xf32>, vector<400x128xf32>, vector<400x128xf32>, vector<400x128xf32>, vector<400x128xf32>, vector<400x128xf32>, vector<400x128xf32>, vector<400x128xf32>, vector<400x128xf32>, vector<400x128xf32>, vector<400x128xf32>, vector<400x128xf32>, vector<400x128xf32>, vector<400x128xf32>, vector<400x128xf32>, vector<400x128xf32>, vector<400x128xf32>, vector<400x128xf32>, vector<400x128xf32>, vector<400x128xf32>, vector<400x128xf32>, vector<400x128xf32>, vector<400x128xf32>, vector<400x128xf32>, vector<400x128xf32>, vector<400x128xf32>, vector<400x128xf32>, vector<400x128xf32>, vector<400x128xf32>, vector<400x128xf32>, vector<400x128xf32> -> vector<25600x128xf32>
    %reshape3A = vector.shape_cast %concatenate3A : vector<25600x128xf32> to vector<128x200x128xf32>
    %swap3A = arith.constant 0 : index
    %swap3A_159 = arith.constant 0 : index
    %swap3A_160 = arith.constant 0 : index
    %swap3A_161 = vector.load %arg4[%swap3A, %swap3A_159, %swap3A_160] : memref<128x200x128xf32, #tpu.memory_space<vmem>>, vector<128x200x128xf32>
    tpu.vector_store %arg4[%swap3A, %swap3A_159, %swap3A_160], %reshape3A {strides = array<i32>} : memref<128x200x128xf32, #tpu.memory_space<vmem>>, vector<128x200x128xf32>,
    return
  }
  func.func @transform_0(%arg0: i32) -> (i32, i32) {
    %c0_i32 = arith.constant 0 : i32
    %c0_i32_0 = arith.constant 0 : i32
    return %arg0, %c0_i32 : i32, i32
  }
  func.func @transform_1(%arg0: i32) -> (i32, i32) {
    %c0_i32 = arith.constant 0 : i32
    %c0_i32_0 = arith.constant 0 : i32
    %c0_i32_1 = arith.constant 0 : i32
    return %c0_i32, %c0_i32_0 : i32, i32
  }
  func.func @transform_3(%arg0: i32) -> (i32, i32, i32) {
    %add3A = arith.constant 8 : i32
    %add3A_0 = arith.addi %add3A, %arg0 : i32
    %c0_i32 = arith.constant 0 : i32
    %c0_i32_1 = arith.constant 0 : i32
    %c0_i32_2 = arith.constant 0 : i32
    return %add3A_0, %c0_i32, %c0_i32_1 : i32, i32, i32
  }
}

module attributes {stable_mosaic.version = 14 : i64} {
  func.func @_mm_next(%arg0: i32, %arg1: memref<6400x128xf32, #tpu.memory_space<vmem>>, %arg2: memref<128x512xbf16, #tpu.memory_space<vmem>>, %arg3: memref<4096x200x128xf32, #tpu.memory_space<any>>, %arg4: memref<128x200x128xf32, #tpu.memory_space<vmem>>) attributes {dimension_semantics = [#tpu.dimension_semantics<arbitrary>], iteration_bounds = array<i64: 8>, scalar_prefetch = 0 : i64, scratch_operands = 0 : i64, tpu.core_type = #tpu.core_type<tc>, window_params = [{transform_indices = @transform_0, window_bounds = array<i64: 6400, 128>}, {pipeline_mode = #tpu.pipeline_mode<synchronous>, transform_indices = @transform_1, window_bounds = array<i64: 128, 512>}, {}, {transform_indices = @transform_3, window_bounds = array<i64: 128, 200, 128>}]} {
    %get3A = arith.constant 0 : index
    %get3A_0 = arith.constant 0 : index
    %get3A_1 = vector.load %arg2[%get3A, %get3A_0] : memref<128x512xbf16, #tpu.memory_space<vmem>>, vector<128x512xbf16>
    %get3A_2 = arith.constant 0 : index
    %get3A_3 = arith.constant 0 : index
    %get3A_4 = vector.load %arg1[%get3A_2, %get3A_3] : memref<6400x128xf32, #tpu.memory_space<vmem>>, vector<400x128xf32>
    %convert_element_type3A = arith.truncf %get3A_4 : vector<400x128xf32> to vector<400x128xbf16>
    %dot_general3A = arith.constant dense<0.000000e+00> : vector<400x512xf32>
    %dot_general3A_5 = tpu.matmul %convert_element_type3A, %get3A_1, %dot_general3A {dimension_numbers = #tpu.dot_dimension_numbers<[1], [0], [0], [1], [0, 0, 1, 1], [], []>, transpose_lhs_hint = false} : vector<400x128xbf16>, vector<128x512xbf16>, vector<400x512xf32> -> vector<400x512xf32>
    %slice3A = vector.extract_strided_slice %dot_general3A_5 {offsets = [0, 0], sizes = [400, 128], strides = [1, 1]} : vector<400x512xf32> to vector<400x128xf32>
    %slice3A_6 = vector.extract_strided_slice %dot_general3A_5 {offsets = [0, 128], sizes = [400, 128], strides = [1, 1]} : vector<400x512xf32> to vector<400x128xf32>
    %slice3A_7 = vector.extract_strided_slice %dot_general3A_5 {offsets = [0, 256], sizes = [400, 128], strides = [1, 1]} : vector<400x512xf32> to vector<400x128xf32>
    %slice3A_8 = vector.extract_strided_slice %dot_general3A_5 {offsets = [0, 384], sizes = [400, 128], strides = [1, 1]} : vector<400x512xf32> to vector<400x128xf32>
    %get3A_9 = arith.constant 400 : index
    %get3A_10 = arith.constant 0 : index
    %get3A_11 = vector.load %arg1[%get3A_9, %get3A_10] : memref<6400x128xf32, #tpu.memory_space<vmem>>, vector<400x128xf32>
    %convert_element_type3A_12 = arith.truncf %get3A_11 : vector<400x128xf32> to vector<400x128xbf16>
    %dot_general3A_13 = arith.constant dense<0.000000e+00> : vector<400x512xf32>
    %dot_general3A_14 = tpu.matmul %convert_element_type3A_12, %get3A_1, %dot_general3A_13 {dimension_numbers = #tpu.dot_dimension_numbers<[1], [0], [0], [1], [0, 0, 1, 1], [], []>, transpose_lhs_hint = false} : vector<400x128xbf16>, vector<128x512xbf16>, vector<400x512xf32> -> vector<400x512xf32>
    %slice3A_15 = vector.extract_strided_slice %dot_general3A_14 {offsets = [0, 0], sizes = [400, 128], strides = [1, 1]} : vector<400x512xf32> to vector<400x128xf32>
    %slice3A_16 = vector.extract_strided_slice %dot_general3A_14 {offsets = [0, 128], sizes = [400, 128], strides = [1, 1]} : vector<400x512xf32> to vector<400x128xf32>
    %slice3A_17 = vector.extract_strided_slice %dot_general3A_14 {offsets = [0, 256], sizes = [400, 128], strides = [1, 1]} : vector<400x512xf32> to vector<400x128xf32>
    %slice3A_18 = vector.extract_strided_slice %dot_general3A_14 {offsets = [0, 384], sizes = [400, 128], strides = [1, 1]} : vector<400x512xf32> to vector<400x128xf32>
    %get3A_19 = arith.constant 800 : index
    %get3A_20 = arith.constant 0 : index
    %get3A_21 = vector.load %arg1[%get3A_19, %get3A_20] : memref<6400x128xf32, #tpu.memory_space<vmem>>, vector<400x128xf32>
    %convert_element_type3A_22 = arith.truncf %get3A_21 : vector<400x128xf32> to vector<400x128xbf16>
    %dot_general3A_23 = arith.constant dense<0.000000e+00> : vector<400x512xf32>
    %dot_general3A_24 = tpu.matmul %convert_element_type3A_22, %get3A_1, %dot_general3A_23 {dimension_numbers = #tpu.dot_dimension_numbers<[1], [0], [0], [1], [0, 0, 1, 1], [], []>, transpose_lhs_hint = false} : vector<400x128xbf16>, vector<128x512xbf16>, vector<400x512xf32> -> vector<400x512xf32>
    %slice3A_25 = vector.extract_strided_slice %dot_general3A_24 {offsets = [0, 0], sizes = [400, 128], strides = [1, 1]} : vector<400x512xf32> to vector<400x128xf32>
    %slice3A_26 = vector.extract_strided_slice %dot_general3A_24 {offsets = [0, 128], sizes = [400, 128], strides = [1, 1]} : vector<400x512xf32> to vector<400x128xf32>
    %slice3A_27 = vector.extract_strided_slice %dot_general3A_24 {offsets = [0, 256], sizes = [400, 128], strides = [1, 1]} : vector<400x512xf32> to vector<400x128xf32>
    %slice3A_28 = vector.extract_strided_slice %dot_general3A_24 {offsets = [0, 384], sizes = [400, 128], strides = [1, 1]} : vector<400x512xf32> to vector<400x128xf32>
    %get3A_29 = arith.constant 1200 : index
    %get3A_30 = arith.constant 0 : index
    %get3A_31 = vector.load %arg1[%get3A_29, %get3A_30] : memref<6400x128xf32, #tpu.memory_space<vmem>>, vector<400x128xf32>
    %convert_element_type3A_32 = arith.truncf %get3A_31 : vector<400x128xf32> to vector<400x128xbf16>
    %dot_general3A_33 = arith.constant dense<0.000000e+00> : vector<400x512xf32>
    %dot_general3A_34 = tpu.matmul %convert_element_type3A_32, %get3A_1, %dot_general3A_33 {dimension_numbers = #tpu.dot_dimension_numbers<[1], [0], [0], [1], [0, 0, 1, 1], [], []>, transpose_lhs_hint = false} : vector<400x128xbf16>, vector<128x512xbf16>, vector<400x512xf32> -> vector<400x512xf32>
    %slice3A_35 = vector.extract_strided_slice %dot_general3A_34 {offsets = [0, 0], sizes = [400, 128], strides = [1, 1]} : vector<400x512xf32> to vector<400x128xf32>
    %slice3A_36 = vector.extract_strided_slice %dot_general3A_34 {offsets = [0, 128], sizes = [400, 128], strides = [1, 1]} : vector<400x512xf32> to vector<400x128xf32>
    %slice3A_37 = vector.extract_strided_slice %dot_general3A_34 {offsets = [0, 256], sizes = [400, 128], strides = [1, 1]} : vector<400x512xf32> to vector<400x128xf32>
    %slice3A_38 = vector.extract_strided_slice %dot_general3A_34 {offsets = [0, 384], sizes = [400, 128], strides = [1, 1]} : vector<400x512xf32> to vector<400x128xf32>
    %get3A_39 = arith.constant 1600 : index
    %get3A_40 = arith.constant 0 : index
    %get3A_41 = vector.load %arg1[%get3A_39, %get3A_40] : memref<6400x128xf32, #tpu.memory_space<vmem>>, vector<400x128xf32>
    %convert_element_type3A_42 = arith.truncf %get3A_41 : vector<400x128xf32> to vector<400x128xbf16>
    %dot_general3A_43 = arith.constant dense<0.000000e+00> : vector<400x512xf32>
    %dot_general3A_44 = tpu.matmul %convert_element_type3A_42, %get3A_1, %dot_general3A_43 {dimension_numbers = #tpu.dot_dimension_numbers<[1], [0], [0], [1], [0, 0, 1, 1], [], []>, transpose_lhs_hint = false} : vector<400x128xbf16>, vector<128x512xbf16>, vector<400x512xf32> -> vector<400x512xf32>
    %slice3A_45 = vector.extract_strided_slice %dot_general3A_44 {offsets = [0, 0], sizes = [400, 128], strides = [1, 1]} : vector<400x512xf32> to vector<400x128xf32>
    %slice3A_46 = vector.extract_strided_slice %dot_general3A_44 {offsets = [0, 128], sizes = [400, 128], strides = [1, 1]} : vector<400x512xf32> to vector<400x128xf32>
    %slice3A_47 = vector.extract_strided_slice %dot_general3A_44 {offsets = [0, 256], sizes = [400, 128], strides = [1, 1]} : vector<400x512xf32> to vector<400x128xf32>
    %slice3A_48 = vector.extract_strided_slice %dot_general3A_44 {offsets = [0, 384], sizes = [400, 128], strides = [1, 1]} : vector<400x512xf32> to vector<400x128xf32>
    %get3A_49 = arith.constant 2000 : index
    %get3A_50 = arith.constant 0 : index
    %get3A_51 = vector.load %arg1[%get3A_49, %get3A_50] : memref<6400x128xf32, #tpu.memory_space<vmem>>, vector<400x128xf32>
    %convert_element_type3A_52 = arith.truncf %get3A_51 : vector<400x128xf32> to vector<400x128xbf16>
    %dot_general3A_53 = arith.constant dense<0.000000e+00> : vector<400x512xf32>
    %dot_general3A_54 = tpu.matmul %convert_element_type3A_52, %get3A_1, %dot_general3A_53 {dimension_numbers = #tpu.dot_dimension_numbers<[1], [0], [0], [1], [0, 0, 1, 1], [], []>, transpose_lhs_hint = false} : vector<400x128xbf16>, vector<128x512xbf16>, vector<400x512xf32> -> vector<400x512xf32>
    %slice3A_55 = vector.extract_strided_slice %dot_general3A_54 {offsets = [0, 0], sizes = [400, 128], strides = [1, 1]} : vector<400x512xf32> to vector<400x128xf32>
    %slice3A_56 = vector.extract_strided_slice %dot_general3A_54 {offsets = [0, 128], sizes = [400, 128], strides = [1, 1]} : vector<400x512xf32> to vector<400x128xf32>
    %slice3A_57 = vector.extract_strided_slice %dot_general3A_54 {offsets = [0, 256], sizes = [400, 128], strides = [1, 1]} : vector<400x512xf32> to vector<400x128xf32>
    %slice3A_58 = vector.extract_strided_slice %dot_general3A_54 {offsets = [0, 384], sizes = [400, 128], strides = [1, 1]} : vector<400x512xf32> to vector<400x128xf32>
    %get3A_59 = arith.constant 2400 : index
    %get3A_60 = arith.constant 0 : index
    %get3A_61 = vector.load %arg1[%get3A_59, %get3A_60] : memref<6400x128xf32, #tpu.memory_space<vmem>>, vector<400x128xf32>
    %convert_element_type3A_62 = arith.truncf %get3A_61 : vector<400x128xf32> to vector<400x128xbf16>
    %dot_general3A_63 = arith.constant dense<0.000000e+00> : vector<400x512xf32>
    %dot_general3A_64 = tpu.matmul %convert_element_type3A_62, %get3A_1, %dot_general3A_63 {dimension_numbers = #tpu.dot_dimension_numbers<[1], [0], [0], [1], [0, 0, 1, 1], [], []>, transpose_lhs_hint = false} : vector<400x128xbf16>, vector<128x512xbf16>, vector<400x512xf32> -> vector<400x512xf32>
    %slice3A_65 = vector.extract_strided_slice %dot_general3A_64 {offsets = [0, 0], sizes = [400, 128], strides = [1, 1]} : vector<400x512xf32> to vector<400x128xf32>
    %slice3A_66 = vector.extract_strided_slice %dot_general3A_64 {offsets = [0, 128], sizes = [400, 128], strides = [1, 1]} : vector<400x512xf32> to vector<400x128xf32>
    %slice3A_67 = vector.extract_strided_slice %dot_general3A_64 {offsets = [0, 256], sizes = [400, 128], strides = [1, 1]} : vector<400x512xf32> to vector<400x128xf32>
    %slice3A_68 = vector.extract_strided_slice %dot_general3A_64 {offsets = [0, 384], sizes = [400, 128], strides = [1, 1]} : vector<400x512xf32> to vector<400x128xf32>
    %get3A_69 = arith.constant 2800 : index
    %get3A_70 = arith.constant 0 : index
    %get3A_71 = vector.load %arg1[%get3A_69, %get3A_70] : memref<6400x128xf32, #tpu.memory_space<vmem>>, vector<400x128xf32>
    %convert_element_type3A_72 = arith.truncf %get3A_71 : vector<400x128xf32> to vector<400x128xbf16>
    %dot_general3A_73 = arith.constant dense<0.000000e+00> : vector<400x512xf32>
    %dot_general3A_74 = tpu.matmul %convert_element_type3A_72, %get3A_1, %dot_general3A_73 {dimension_numbers = #tpu.dot_dimension_numbers<[1], [0], [0], [1], [0, 0, 1, 1], [], []>, transpose_lhs_hint = false} : vector<400x128xbf16>, vector<128x512xbf16>, vector<400x512xf32> -> vector<400x512xf32>
    %slice3A_75 = vector.extract_strided_slice %dot_general3A_74 {offsets = [0, 0], sizes = [400, 128], strides = [1, 1]} : vector<400x512xf32> to vector<400x128xf32>
    %slice3A_76 = vector.extract_strided_slice %dot_general3A_74 {offsets = [0, 128], sizes = [400, 128], strides = [1, 1]} : vector<400x512xf32> to vector<400x128xf32>
    %slice3A_77 = vector.extract_strided_slice %dot_general3A_74 {offsets = [0, 256], sizes = [400, 128], strides = [1, 1]} : vector<400x512xf32> to vector<400x128xf32>
    %slice3A_78 = vector.extract_strided_slice %dot_general3A_74 {offsets = [0, 384], sizes = [400, 128], strides = [1, 1]} : vector<400x512xf32> to vector<400x128xf32>
    %get3A_79 = arith.constant 3200 : index
    %get3A_80 = arith.constant 0 : index
    %get3A_81 = vector.load %arg1[%get3A_79, %get3A_80] : memref<6400x128xf32, #tpu.memory_space<vmem>>, vector<400x128xf32>
    %convert_element_type3A_82 = arith.truncf %get3A_81 : vector<400x128xf32> to vector<400x128xbf16>
    %dot_general3A_83 = arith.constant dense<0.000000e+00> : vector<400x512xf32>
    %dot_general3A_84 = tpu.matmul %convert_element_type3A_82, %get3A_1, %dot_general3A_83 {dimension_numbers = #tpu.dot_dimension_numbers<[1], [0], [0], [1], [0, 0, 1, 1], [], []>, transpose_lhs_hint = false} : vector<400x128xbf16>, vector<128x512xbf16>, vector<400x512xf32> -> vector<400x512xf32>
    %slice3A_85 = vector.extract_strided_slice %dot_general3A_84 {offsets = [0, 0], sizes = [400, 128], strides = [1, 1]} : vector<400x512xf32> to vector<400x128xf32>
    %slice3A_86 = vector.extract_strided_slice %dot_general3A_84 {offsets = [0, 128], sizes = [400, 128], strides = [1, 1]} : vector<400x512xf32> to vector<400x128xf32>
    %slice3A_87 = vector.extract_strided_slice %dot_general3A_84 {offsets = [0, 256], sizes = [400, 128], strides = [1, 1]} : vector<400x512xf32> to vector<400x128xf32>
    %slice3A_88 = vector.extract_strided_slice %dot_general3A_84 {offsets = [0, 384], sizes = [400, 128], strides = [1, 1]} : vector<400x512xf32> to vector<400x128xf32>
    %get3A_89 = arith.constant 3600 : index
    %get3A_90 = arith.constant 0 : index
    %get3A_91 = vector.load %arg1[%get3A_89, %get3A_90] : memref<6400x128xf32, #tpu.memory_space<vmem>>, vector<400x128xf32>
    %convert_element_type3A_92 = arith.truncf %get3A_91 : vector<400x128xf32> to vector<400x128xbf16>
    %dot_general3A_93 = arith.constant dense<0.000000e+00> : vector<400x512xf32>
    %dot_general3A_94 = tpu.matmul %convert_element_type3A_92, %get3A_1, %dot_general3A_93 {dimension_numbers = #tpu.dot_dimension_numbers<[1], [0], [0], [1], [0, 0, 1, 1], [], []>, transpose_lhs_hint = false} : vector<400x128xbf16>, vector<128x512xbf16>, vector<400x512xf32> -> vector<400x512xf32>
    %slice3A_95 = vector.extract_strided_slice %dot_general3A_94 {offsets = [0, 0], sizes = [400, 128], strides = [1, 1]} : vector<400x512xf32> to vector<400x128xf32>
    %slice3A_96 = vector.extract_strided_slice %dot_general3A_94 {offsets = [0, 128], sizes = [400, 128], strides = [1, 1]} : vector<400x512xf32> to vector<400x128xf32>
    %slice3A_97 = vector.extract_strided_slice %dot_general3A_94 {offsets = [0, 256], sizes = [400, 128], strides = [1, 1]} : vector<400x512xf32> to vector<400x128xf32>
    %slice3A_98 = vector.extract_strided_slice %dot_general3A_94 {offsets = [0, 384], sizes = [400, 128], strides = [1, 1]} : vector<400x512xf32> to vector<400x128xf32>
    %get3A_99 = arith.constant 4000 : index
    %get3A_100 = arith.constant 0 : index
    %get3A_101 = vector.load %arg1[%get3A_99, %get3A_100] : memref<6400x128xf32, #tpu.memory_space<vmem>>, vector<400x128xf32>
    %convert_element_type3A_102 = arith.truncf %get3A_101 : vector<400x128xf32> to vector<400x128xbf16>
    %dot_general3A_103 = arith.constant dense<0.000000e+00> : vector<400x512xf32>
    %dot_general3A_104 = tpu.matmul %convert_element_type3A_102, %get3A_1, %dot_general3A_103 {dimension_numbers = #tpu.dot_dimension_numbers<[1], [0], [0], [1], [0, 0, 1, 1], [], []>, transpose_lhs_hint = false} : vector<400x128xbf16>, vector<128x512xbf16>, vector<400x512xf32> -> vector<400x512xf32>
    %slice3A_105 = vector.extract_strided_slice %dot_general3A_104 {offsets = [0, 0], sizes = [400, 128], strides = [1, 1]} : vector<400x512xf32> to vector<400x128xf32>
    %slice3A_106 = vector.extract_strided_slice %dot_general3A_104 {offsets = [0, 128], sizes = [400, 128], strides = [1, 1]} : vector<400x512xf32> to vector<400x128xf32>
    %slice3A_107 = vector.extract_strided_slice %dot_general3A_104 {offsets = [0, 256], sizes = [400, 128], strides = [1, 1]} : vector<400x512xf32> to vector<400x128xf32>
    %slice3A_108 = vector.extract_strided_slice %dot_general3A_104 {offsets = [0, 384], sizes = [400, 128], strides = [1, 1]} : vector<400x512xf32> to vector<400x128xf32>
    %get3A_109 = arith.constant 4400 : index
    %get3A_110 = arith.constant 0 : index
    %get3A_111 = vector.load %arg1[%get3A_109, %get3A_110] : memref<6400x128xf32, #tpu.memory_space<vmem>>, vector<400x128xf32>
    %convert_element_type3A_112 = arith.truncf %get3A_111 : vector<400x128xf32> to vector<400x128xbf16>
    %dot_general3A_113 = arith.constant dense<0.000000e+00> : vector<400x512xf32>
    %dot_general3A_114 = tpu.matmul %convert_element_type3A_112, %get3A_1, %dot_general3A_113 {dimension_numbers = #tpu.dot_dimension_numbers<[1], [0], [0], [1], [0, 0, 1, 1], [], []>, transpose_lhs_hint = false} : vector<400x128xbf16>, vector<128x512xbf16>, vector<400x512xf32> -> vector<400x512xf32>
    %slice3A_115 = vector.extract_strided_slice %dot_general3A_114 {offsets = [0, 0], sizes = [400, 128], strides = [1, 1]} : vector<400x512xf32> to vector<400x128xf32>
    %slice3A_116 = vector.extract_strided_slice %dot_general3A_114 {offsets = [0, 128], sizes = [400, 128], strides = [1, 1]} : vector<400x512xf32> to vector<400x128xf32>
    %slice3A_117 = vector.extract_strided_slice %dot_general3A_114 {offsets = [0, 256], sizes = [400, 128], strides = [1, 1]} : vector<400x512xf32> to vector<400x128xf32>
    %slice3A_118 = vector.extract_strided_slice %dot_general3A_114 {offsets = [0, 384], sizes = [400, 128], strides = [1, 1]} : vector<400x512xf32> to vector<400x128xf32>
    %get3A_119 = arith.constant 4800 : index
    %get3A_120 = arith.constant 0 : index
    %get3A_121 = vector.load %arg1[%get3A_119, %get3A_120] : memref<6400x128xf32, #tpu.memory_space<vmem>>, vector<400x128xf32>
    %convert_element_type3A_122 = arith.truncf %get3A_121 : vector<400x128xf32> to vector<400x128xbf16>
    %dot_general3A_123 = arith.constant dense<0.000000e+00> : vector<400x512xf32>
    %dot_general3A_124 = tpu.matmul %convert_element_type3A_122, %get3A_1, %dot_general3A_123 {dimension_numbers = #tpu.dot_dimension_numbers<[1], [0], [0], [1], [0, 0, 1, 1], [], []>, transpose_lhs_hint = false} : vector<400x128xbf16>, vector<128x512xbf16>, vector<400x512xf32> -> vector<400x512xf32>
    %slice3A_125 = vector.extract_strided_slice %dot_general3A_124 {offsets = [0, 0], sizes = [400, 128], strides = [1, 1]} : vector<400x512xf32> to vector<400x128xf32>
    %slice3A_126 = vector.extract_strided_slice %dot_general3A_124 {offsets = [0, 128], sizes = [400, 128], strides = [1, 1]} : vector<400x512xf32> to vector<400x128xf32>
    %slice3A_127 = vector.extract_strided_slice %dot_general3A_124 {offsets = [0, 256], sizes = [400, 128], strides = [1, 1]} : vector<400x512xf32> to vector<400x128xf32>
    %slice3A_128 = vector.extract_strided_slice %dot_general3A_124 {offsets = [0, 384], sizes = [400, 128], strides = [1, 1]} : vector<400x512xf32> to vector<400x128xf32>
    %get3A_129 = arith.constant 5200 : index
    %get3A_130 = arith.constant 0 : index
    %get3A_131 = vector.load %arg1[%get3A_129, %get3A_130] : memref<6400x128xf32, #tpu.memory_space<vmem>>, vector<400x128xf32>
    %convert_element_type3A_132 = arith.truncf %get3A_131 : vector<400x128xf32> to vector<400x128xbf16>
    %dot_general3A_133 = arith.constant dense<0.000000e+00> : vector<400x512xf32>
    %dot_general3A_134 = tpu.matmul %convert_element_type3A_132, %get3A_1, %dot_general3A_133 {dimension_numbers = #tpu.dot_dimension_numbers<[1], [0], [0], [1], [0, 0, 1, 1], [], []>, transpose_lhs_hint = false} : vector<400x128xbf16>, vector<128x512xbf16>, vector<400x512xf32> -> vector<400x512xf32>
    %slice3A_135 = vector.extract_strided_slice %dot_general3A_134 {offsets = [0, 0], sizes = [400, 128], strides = [1, 1]} : vector<400x512xf32> to vector<400x128xf32>
    %slice3A_136 = vector.extract_strided_slice %dot_general3A_134 {offsets = [0, 128], sizes = [400, 128], strides = [1, 1]} : vector<400x512xf32> to vector<400x128xf32>
    %slice3A_137 = vector.extract_strided_slice %dot_general3A_134 {offsets = [0, 256], sizes = [400, 128], strides = [1, 1]} : vector<400x512xf32> to vector<400x128xf32>
    %slice3A_138 = vector.extract_strided_slice %dot_general3A_134 {offsets = [0, 384], sizes = [400, 128], strides = [1, 1]} : vector<400x512xf32> to vector<400x128xf32>
    %get3A_139 = arith.constant 5600 : index
    %get3A_140 = arith.constant 0 : index
    %get3A_141 = vector.load %arg1[%get3A_139, %get3A_140] : memref<6400x128xf32, #tpu.memory_space<vmem>>, vector<400x128xf32>
    %convert_element_type3A_142 = arith.truncf %get3A_141 : vector<400x128xf32> to vector<400x128xbf16>
    %dot_general3A_143 = arith.constant dense<0.000000e+00> : vector<400x512xf32>
    %dot_general3A_144 = tpu.matmul %convert_element_type3A_142, %get3A_1, %dot_general3A_143 {dimension_numbers = #tpu.dot_dimension_numbers<[1], [0], [0], [1], [0, 0, 1, 1], [], []>, transpose_lhs_hint = false} : vector<400x128xbf16>, vector<128x512xbf16>, vector<400x512xf32> -> vector<400x512xf32>
    %slice3A_145 = vector.extract_strided_slice %dot_general3A_144 {offsets = [0, 0], sizes = [400, 128], strides = [1, 1]} : vector<400x512xf32> to vector<400x128xf32>
    %slice3A_146 = vector.extract_strided_slice %dot_general3A_144 {offsets = [0, 128], sizes = [400, 128], strides = [1, 1]} : vector<400x512xf32> to vector<400x128xf32>
    %slice3A_147 = vector.extract_strided_slice %dot_general3A_144 {offsets = [0, 256], sizes = [400, 128], strides = [1, 1]} : vector<400x512xf32> to vector<400x128xf32>
    %slice3A_148 = vector.extract_strided_slice %dot_general3A_144 {offsets = [0, 384], sizes = [400, 128], strides = [1, 1]} : vector<400x512xf32> to vector<400x128xf32>
    %get3A_149 = arith.constant 6000 : index
    %get3A_150 = arith.constant 0 : index
    %get3A_151 = vector.load %arg1[%get3A_149, %get3A_150] : memref<6400x128xf32, #tpu.memory_space<vmem>>, vector<400x128xf32>
    %convert_element_type3A_152 = arith.truncf %get3A_151 : vector<400x128xf32> to vector<400x128xbf16>
    %dot_general3A_153 = arith.constant dense<0.000000e+00> : vector<400x512xf32>
    %dot_general3A_154 = tpu.matmul %convert_element_type3A_152, %get3A_1, %dot_general3A_153 {dimension_numbers = #tpu.dot_dimension_numbers<[1], [0], [0], [1], [0, 0, 1, 1], [], []>, transpose_lhs_hint = false} : vector<400x128xbf16>, vector<128x512xbf16>, vector<400x512xf32> -> vector<400x512xf32>
    %slice3A_155 = vector.extract_strided_slice %dot_general3A_154 {offsets = [0, 0], sizes = [400, 128], strides = [1, 1]} : vector<400x512xf32> to vector<400x128xf32>
    %slice3A_156 = vector.extract_strided_slice %dot_general3A_154 {offsets = [0, 128], sizes = [400, 128], strides = [1, 1]} : vector<400x512xf32> to vector<400x128xf32>
    %slice3A_157 = vector.extract_strided_slice %dot_general3A_154 {offsets = [0, 256], sizes = [400, 128], strides = [1, 1]} : vector<400x512xf32> to vector<400x128xf32>
    %slice3A_158 = vector.extract_strided_slice %dot_general3A_154 {offsets = [0, 384], sizes = [400, 128], strides = [1, 1]} : vector<400x512xf32> to vector<400x128xf32>
    %concatenate3A = tpu.concatenate %slice3A, %slice3A_6, %slice3A_7, %slice3A_8, %slice3A_15, %slice3A_16, %slice3A_17, %slice3A_18, %slice3A_25, %slice3A_26, %slice3A_27, %slice3A_28, %slice3A_35, %slice3A_36, %slice3A_37, %slice3A_38, %slice3A_45, %slice3A_46, %slice3A_47, %slice3A_48, %slice3A_55, %slice3A_56, %slice3A_57, %slice3A_58, %slice3A_65, %slice3A_66, %slice3A_67, %slice3A_68, %slice3A_75, %slice3A_76, %slice3A_77, %slice3A_78, %slice3A_85, %slice3A_86, %slice3A_87, %slice3A_88, %slice3A_95, %slice3A_96, %slice3A_97, %slice3A_98, %slice3A_105, %slice3A_106, %slice3A_107, %slice3A_108, %slice3A_115, %slice3A_116, %slice3A_117, %slice3A_118, %slice3A_125, %slice3A_126, %slice3A_127, %slice3A_128, %slice3A_135, %slice3A_136, %slice3A_137, %slice3A_138, %slice3A_145, %slice3A_146, %slice3A_147, %slice3A_148, %slice3A_155, %slice3A_156, %slice3A_157, %slice3A_158 in 0 : vector<400x128xf32>, vector<400x128xf32>, vector<400x128xf32>, vector<400x128xf32>, vector<400x128xf32>, vector<400x128xf32>, vector<400x128xf32>, vector<400x128xf32>, vector<400x128xf32>, vector<400x128xf32>, vector<400x128xf32>, vector<400x128xf32>, vector<400x128xf32>, vector<400x128xf32>, vector<400x128xf32>, vector<400x128xf32>, vector<400x128xf32>, vector<400x128xf32>, vector<400x128xf32>, vector<400x128xf32>, vector<400x128xf32>, vector<400x128xf32>, vector<400x128xf32>, vector<400x128xf32>, vector<400x128xf32>, vector<400x128xf32>, vector<400x128xf32>, vector<400x128xf32>, vector<400x128xf32>, vector<400x128xf32>, vector<400x128xf32>, vector<400x128xf32>, vector<400x128xf32>, vector<400x128xf32>, vector<400x128xf32>, vector<400x128xf32>, vector<400x128xf32>, vector<400x128xf32>, vector<400x128xf32>, vector<400x128xf32>, vector<400x128xf32>, vector<400x128xf32>, vector<400x128xf32>, vector<400x128xf32>, vector<400x128xf32>, vector<400x128xf32>, vector<400x128xf32>, vector<400x128xf32>, vector<400x128xf32>, vector<400x128xf32>, vector<400x128xf32>, vector<400x128xf32>, vector<400x128xf32>, vector<400x128xf32>, vector<400x128xf32>, vector<400x128xf32>, vector<400x128xf32>, vector<400x128xf32>, vector<400x128xf32>, vector<400x128xf32>, vector<400x128xf32>, vector<400x128xf32>, vector<400x128xf32>, vector<400x128xf32> -> vector<25600x128xf32>
    %reshape3A = vector.shape_cast %concatenate3A : vector<25600x128xf32> to vector<128x200x128xf32>
    %swap3A = arith.constant 0 : index
    %swap3A_159 = arith.constant 0 : index
    %swap3A_160 = arith.constant 0 : index
    %swap3A_161 = vector.load %arg4[%swap3A, %swap3A_159, %swap3A_160] : memref<128x200x128xf32, #tpu.memory_space<vmem>>, vector<128x200x128xf32>
    tpu.vector_store %arg4[%swap3A, %swap3A_159, %swap3A_160], %reshape3A {strides = array<i32>} : memref<128x200x128xf32, #tpu.memory_space<vmem>>, vector<128x200x128xf32>,
    return
  }
  func.func @transform_0(%arg0: i32) -> (i32, i32) {
    %c0_i32 = arith.constant 0 : i32
    %c0_i32_0 = arith.constant 0 : i32
    return %arg0, %c0_i32 : i32, i32
  }
  func.func @transform_1(%arg0: i32) -> (i32, i32) {
    %c0_i32 = arith.constant 0 : i32
    %c0_i32_0 = arith.constant 0 : i32
    %c0_i32_1 = arith.constant 0 : i32
    return %c0_i32, %c0_i32_0 : i32, i32
  }
  func.func @transform_3(%arg0: i32) -> (i32, i32, i32) {
    %add3A = arith.constant 16 : i32
    %add3A_0 = arith.addi %add3A, %arg0 : i32
    %c0_i32 = arith.constant 0 : i32
    %c0_i32_1 = arith.constant 0 : i32
    %c0_i32_2 = arith.constant 0 : i32
    return %add3A_0, %c0_i32, %c0_i32_1 : i32, i32, i32
  }
}

module attributes {stable_mosaic.version = 14 : i64} {
  func.func @_mm_next(%arg0: i32, %arg1: memref<6400x128xf32, #tpu.memory_space<vmem>>, %arg2: memref<128x512xbf16, #tpu.memory_space<vmem>>, %arg3: memref<4096x200x128xf32, #tpu.memory_space<any>>, %arg4: memref<128x200x128xf32, #tpu.memory_space<vmem>>) attributes {dimension_semantics = [#tpu.dimension_semantics<arbitrary>], iteration_bounds = array<i64: 8>, scalar_prefetch = 0 : i64, scratch_operands = 0 : i64, tpu.core_type = #tpu.core_type<tc>, window_params = [{transform_indices = @transform_0, window_bounds = array<i64: 6400, 128>}, {pipeline_mode = #tpu.pipeline_mode<synchronous>, transform_indices = @transform_1, window_bounds = array<i64: 128, 512>}, {}, {transform_indices = @transform_3, window_bounds = array<i64: 128, 200, 128>}]} {
    %get3A = arith.constant 0 : index
    %get3A_0 = arith.constant 0 : index
    %get3A_1 = vector.load %arg2[%get3A, %get3A_0] : memref<128x512xbf16, #tpu.memory_space<vmem>>, vector<128x512xbf16>
    %get3A_2 = arith.constant 0 : index
    %get3A_3 = arith.constant 0 : index
    %get3A_4 = vector.load %arg1[%get3A_2, %get3A_3] : memref<6400x128xf32, #tpu.memory_space<vmem>>, vector<400x128xf32>
    %convert_element_type3A = arith.truncf %get3A_4 : vector<400x128xf32> to vector<400x128xbf16>
    %dot_general3A = arith.constant dense<0.000000e+00> : vector<400x512xf32>
    %dot_general3A_5 = tpu.matmul %convert_element_type3A, %get3A_1, %dot_general3A {dimension_numbers = #tpu.dot_dimension_numbers<[1], [0], [0], [1], [0, 0, 1, 1], [], []>, transpose_lhs_hint = false} : vector<400x128xbf16>, vector<128x512xbf16>, vector<400x512xf32> -> vector<400x512xf32>
    %slice3A = vector.extract_strided_slice %dot_general3A_5 {offsets = [0, 0], sizes = [400, 128], strides = [1, 1]} : vector<400x512xf32> to vector<400x128xf32>
    %slice3A_6 = vector.extract_strided_slice %dot_general3A_5 {offsets = [0, 128], sizes = [400, 128], strides = [1, 1]} : vector<400x512xf32> to vector<400x128xf32>
    %slice3A_7 = vector.extract_strided_slice %dot_general3A_5 {offsets = [0, 256], sizes = [400, 128], strides = [1, 1]} : vector<400x512xf32> to vector<400x128xf32>
    %slice3A_8 = vector.extract_strided_slice %dot_general3A_5 {offsets = [0, 384], sizes = [400, 128], strides = [1, 1]} : vector<400x512xf32> to vector<400x128xf32>
    %get3A_9 = arith.constant 400 : index
    %get3A_10 = arith.constant 0 : index
    %get3A_11 = vector.load %arg1[%get3A_9, %get3A_10] : memref<6400x128xf32, #tpu.memory_space<vmem>>, vector<400x128xf32>
    %convert_element_type3A_12 = arith.truncf %get3A_11 : vector<400x128xf32> to vector<400x128xbf16>
    %dot_general3A_13 = arith.constant dense<0.000000e+00> : vector<400x512xf32>
    %dot_general3A_14 = tpu.matmul %convert_element_type3A_12, %get3A_1, %dot_general3A_13 {dimension_numbers = #tpu.dot_dimension_numbers<[1], [0], [0], [1], [0, 0, 1, 1], [], []>, transpose_lhs_hint = false} : vector<400x128xbf16>, vector<128x512xbf16>, vector<400x512xf32> -> vector<400x512xf32>
    %slice3A_15 = vector.extract_strided_slice %dot_general3A_14 {offsets = [0, 0], sizes = [400, 128], strides = [1, 1]} : vector<400x512xf32> to vector<400x128xf32>
    %slice3A_16 = vector.extract_strided_slice %dot_general3A_14 {offsets = [0, 128], sizes = [400, 128], strides = [1, 1]} : vector<400x512xf32> to vector<400x128xf32>
    %slice3A_17 = vector.extract_strided_slice %dot_general3A_14 {offsets = [0, 256], sizes = [400, 128], strides = [1, 1]} : vector<400x512xf32> to vector<400x128xf32>
    %slice3A_18 = vector.extract_strided_slice %dot_general3A_14 {offsets = [0, 384], sizes = [400, 128], strides = [1, 1]} : vector<400x512xf32> to vector<400x128xf32>
    %get3A_19 = arith.constant 800 : index
    %get3A_20 = arith.constant 0 : index
    %get3A_21 = vector.load %arg1[%get3A_19, %get3A_20] : memref<6400x128xf32, #tpu.memory_space<vmem>>, vector<400x128xf32>
    %convert_element_type3A_22 = arith.truncf %get3A_21 : vector<400x128xf32> to vector<400x128xbf16>
    %dot_general3A_23 = arith.constant dense<0.000000e+00> : vector<400x512xf32>
    %dot_general3A_24 = tpu.matmul %convert_element_type3A_22, %get3A_1, %dot_general3A_23 {dimension_numbers = #tpu.dot_dimension_numbers<[1], [0], [0], [1], [0, 0, 1, 1], [], []>, transpose_lhs_hint = false} : vector<400x128xbf16>, vector<128x512xbf16>, vector<400x512xf32> -> vector<400x512xf32>
    %slice3A_25 = vector.extract_strided_slice %dot_general3A_24 {offsets = [0, 0], sizes = [400, 128], strides = [1, 1]} : vector<400x512xf32> to vector<400x128xf32>
    %slice3A_26 = vector.extract_strided_slice %dot_general3A_24 {offsets = [0, 128], sizes = [400, 128], strides = [1, 1]} : vector<400x512xf32> to vector<400x128xf32>
    %slice3A_27 = vector.extract_strided_slice %dot_general3A_24 {offsets = [0, 256], sizes = [400, 128], strides = [1, 1]} : vector<400x512xf32> to vector<400x128xf32>
    %slice3A_28 = vector.extract_strided_slice %dot_general3A_24 {offsets = [0, 384], sizes = [400, 128], strides = [1, 1]} : vector<400x512xf32> to vector<400x128xf32>
    %get3A_29 = arith.constant 1200 : index
    %get3A_30 = arith.constant 0 : index
    %get3A_31 = vector.load %arg1[%get3A_29, %get3A_30] : memref<6400x128xf32, #tpu.memory_space<vmem>>, vector<400x128xf32>
    %convert_element_type3A_32 = arith.truncf %get3A_31 : vector<400x128xf32> to vector<400x128xbf16>
    %dot_general3A_33 = arith.constant dense<0.000000e+00> : vector<400x512xf32>
    %dot_general3A_34 = tpu.matmul %convert_element_type3A_32, %get3A_1, %dot_general3A_33 {dimension_numbers = #tpu.dot_dimension_numbers<[1], [0], [0], [1], [0, 0, 1, 1], [], []>, transpose_lhs_hint = false} : vector<400x128xbf16>, vector<128x512xbf16>, vector<400x512xf32> -> vector<400x512xf32>
    %slice3A_35 = vector.extract_strided_slice %dot_general3A_34 {offsets = [0, 0], sizes = [400, 128], strides = [1, 1]} : vector<400x512xf32> to vector<400x128xf32>
    %slice3A_36 = vector.extract_strided_slice %dot_general3A_34 {offsets = [0, 128], sizes = [400, 128], strides = [1, 1]} : vector<400x512xf32> to vector<400x128xf32>
    %slice3A_37 = vector.extract_strided_slice %dot_general3A_34 {offsets = [0, 256], sizes = [400, 128], strides = [1, 1]} : vector<400x512xf32> to vector<400x128xf32>
    %slice3A_38 = vector.extract_strided_slice %dot_general3A_34 {offsets = [0, 384], sizes = [400, 128], strides = [1, 1]} : vector<400x512xf32> to vector<400x128xf32>
    %get3A_39 = arith.constant 1600 : index
    %get3A_40 = arith.constant 0 : index
    %get3A_41 = vector.load %arg1[%get3A_39, %get3A_40] : memref<6400x128xf32, #tpu.memory_space<vmem>>, vector<400x128xf32>
    %convert_element_type3A_42 = arith.truncf %get3A_41 : vector<400x128xf32> to vector<400x128xbf16>
    %dot_general3A_43 = arith.constant dense<0.000000e+00> : vector<400x512xf32>
    %dot_general3A_44 = tpu.matmul %convert_element_type3A_42, %get3A_1, %dot_general3A_43 {dimension_numbers = #tpu.dot_dimension_numbers<[1], [0], [0], [1], [0, 0, 1, 1], [], []>, transpose_lhs_hint = false} : vector<400x128xbf16>, vector<128x512xbf16>, vector<400x512xf32> -> vector<400x512xf32>
    %slice3A_45 = vector.extract_strided_slice %dot_general3A_44 {offsets = [0, 0], sizes = [400, 128], strides = [1, 1]} : vector<400x512xf32> to vector<400x128xf32>
    %slice3A_46 = vector.extract_strided_slice %dot_general3A_44 {offsets = [0, 128], sizes = [400, 128], strides = [1, 1]} : vector<400x512xf32> to vector<400x128xf32>
    %slice3A_47 = vector.extract_strided_slice %dot_general3A_44 {offsets = [0, 256], sizes = [400, 128], strides = [1, 1]} : vector<400x512xf32> to vector<400x128xf32>
    %slice3A_48 = vector.extract_strided_slice %dot_general3A_44 {offsets = [0, 384], sizes = [400, 128], strides = [1, 1]} : vector<400x512xf32> to vector<400x128xf32>
    %get3A_49 = arith.constant 2000 : index
    %get3A_50 = arith.constant 0 : index
    %get3A_51 = vector.load %arg1[%get3A_49, %get3A_50] : memref<6400x128xf32, #tpu.memory_space<vmem>>, vector<400x128xf32>
    %convert_element_type3A_52 = arith.truncf %get3A_51 : vector<400x128xf32> to vector<400x128xbf16>
    %dot_general3A_53 = arith.constant dense<0.000000e+00> : vector<400x512xf32>
    %dot_general3A_54 = tpu.matmul %convert_element_type3A_52, %get3A_1, %dot_general3A_53 {dimension_numbers = #tpu.dot_dimension_numbers<[1], [0], [0], [1], [0, 0, 1, 1], [], []>, transpose_lhs_hint = false} : vector<400x128xbf16>, vector<128x512xbf16>, vector<400x512xf32> -> vector<400x512xf32>
    %slice3A_55 = vector.extract_strided_slice %dot_general3A_54 {offsets = [0, 0], sizes = [400, 128], strides = [1, 1]} : vector<400x512xf32> to vector<400x128xf32>
    %slice3A_56 = vector.extract_strided_slice %dot_general3A_54 {offsets = [0, 128], sizes = [400, 128], strides = [1, 1]} : vector<400x512xf32> to vector<400x128xf32>
    %slice3A_57 = vector.extract_strided_slice %dot_general3A_54 {offsets = [0, 256], sizes = [400, 128], strides = [1, 1]} : vector<400x512xf32> to vector<400x128xf32>
    %slice3A_58 = vector.extract_strided_slice %dot_general3A_54 {offsets = [0, 384], sizes = [400, 128], strides = [1, 1]} : vector<400x512xf32> to vector<400x128xf32>
    %get3A_59 = arith.constant 2400 : index
    %get3A_60 = arith.constant 0 : index
    %get3A_61 = vector.load %arg1[%get3A_59, %get3A_60] : memref<6400x128xf32, #tpu.memory_space<vmem>>, vector<400x128xf32>
    %convert_element_type3A_62 = arith.truncf %get3A_61 : vector<400x128xf32> to vector<400x128xbf16>
    %dot_general3A_63 = arith.constant dense<0.000000e+00> : vector<400x512xf32>
    %dot_general3A_64 = tpu.matmul %convert_element_type3A_62, %get3A_1, %dot_general3A_63 {dimension_numbers = #tpu.dot_dimension_numbers<[1], [0], [0], [1], [0, 0, 1, 1], [], []>, transpose_lhs_hint = false} : vector<400x128xbf16>, vector<128x512xbf16>, vector<400x512xf32> -> vector<400x512xf32>
    %slice3A_65 = vector.extract_strided_slice %dot_general3A_64 {offsets = [0, 0], sizes = [400, 128], strides = [1, 1]} : vector<400x512xf32> to vector<400x128xf32>
    %slice3A_66 = vector.extract_strided_slice %dot_general3A_64 {offsets = [0, 128], sizes = [400, 128], strides = [1, 1]} : vector<400x512xf32> to vector<400x128xf32>
    %slice3A_67 = vector.extract_strided_slice %dot_general3A_64 {offsets = [0, 256], sizes = [400, 128], strides = [1, 1]} : vector<400x512xf32> to vector<400x128xf32>
    %slice3A_68 = vector.extract_strided_slice %dot_general3A_64 {offsets = [0, 384], sizes = [400, 128], strides = [1, 1]} : vector<400x512xf32> to vector<400x128xf32>
    %get3A_69 = arith.constant 2800 : index
    %get3A_70 = arith.constant 0 : index
    %get3A_71 = vector.load %arg1[%get3A_69, %get3A_70] : memref<6400x128xf32, #tpu.memory_space<vmem>>, vector<400x128xf32>
    %convert_element_type3A_72 = arith.truncf %get3A_71 : vector<400x128xf32> to vector<400x128xbf16>
    %dot_general3A_73 = arith.constant dense<0.000000e+00> : vector<400x512xf32>
    %dot_general3A_74 = tpu.matmul %convert_element_type3A_72, %get3A_1, %dot_general3A_73 {dimension_numbers = #tpu.dot_dimension_numbers<[1], [0], [0], [1], [0, 0, 1, 1], [], []>, transpose_lhs_hint = false} : vector<400x128xbf16>, vector<128x512xbf16>, vector<400x512xf32> -> vector<400x512xf32>
    %slice3A_75 = vector.extract_strided_slice %dot_general3A_74 {offsets = [0, 0], sizes = [400, 128], strides = [1, 1]} : vector<400x512xf32> to vector<400x128xf32>
    %slice3A_76 = vector.extract_strided_slice %dot_general3A_74 {offsets = [0, 128], sizes = [400, 128], strides = [1, 1]} : vector<400x512xf32> to vector<400x128xf32>
    %slice3A_77 = vector.extract_strided_slice %dot_general3A_74 {offsets = [0, 256], sizes = [400, 128], strides = [1, 1]} : vector<400x512xf32> to vector<400x128xf32>
    %slice3A_78 = vector.extract_strided_slice %dot_general3A_74 {offsets = [0, 384], sizes = [400, 128], strides = [1, 1]} : vector<400x512xf32> to vector<400x128xf32>
    %get3A_79 = arith.constant 3200 : index
    %get3A_80 = arith.constant 0 : index
    %get3A_81 = vector.load %arg1[%get3A_79, %get3A_80] : memref<6400x128xf32, #tpu.memory_space<vmem>>, vector<400x128xf32>
    %convert_element_type3A_82 = arith.truncf %get3A_81 : vector<400x128xf32> to vector<400x128xbf16>
    %dot_general3A_83 = arith.constant dense<0.000000e+00> : vector<400x512xf32>
    %dot_general3A_84 = tpu.matmul %convert_element_type3A_82, %get3A_1, %dot_general3A_83 {dimension_numbers = #tpu.dot_dimension_numbers<[1], [0], [0], [1], [0, 0, 1, 1], [], []>, transpose_lhs_hint = false} : vector<400x128xbf16>, vector<128x512xbf16>, vector<400x512xf32> -> vector<400x512xf32>
    %slice3A_85 = vector.extract_strided_slice %dot_general3A_84 {offsets = [0, 0], sizes = [400, 128], strides = [1, 1]} : vector<400x512xf32> to vector<400x128xf32>
    %slice3A_86 = vector.extract_strided_slice %dot_general3A_84 {offsets = [0, 128], sizes = [400, 128], strides = [1, 1]} : vector<400x512xf32> to vector<400x128xf32>
    %slice3A_87 = vector.extract_strided_slice %dot_general3A_84 {offsets = [0, 256], sizes = [400, 128], strides = [1, 1]} : vector<400x512xf32> to vector<400x128xf32>
    %slice3A_88 = vector.extract_strided_slice %dot_general3A_84 {offsets = [0, 384], sizes = [400, 128], strides = [1, 1]} : vector<400x512xf32> to vector<400x128xf32>
    %get3A_89 = arith.constant 3600 : index
    %get3A_90 = arith.constant 0 : index
    %get3A_91 = vector.load %arg1[%get3A_89, %get3A_90] : memref<6400x128xf32, #tpu.memory_space<vmem>>, vector<400x128xf32>
    %convert_element_type3A_92 = arith.truncf %get3A_91 : vector<400x128xf32> to vector<400x128xbf16>
    %dot_general3A_93 = arith.constant dense<0.000000e+00> : vector<400x512xf32>
    %dot_general3A_94 = tpu.matmul %convert_element_type3A_92, %get3A_1, %dot_general3A_93 {dimension_numbers = #tpu.dot_dimension_numbers<[1], [0], [0], [1], [0, 0, 1, 1], [], []>, transpose_lhs_hint = false} : vector<400x128xbf16>, vector<128x512xbf16>, vector<400x512xf32> -> vector<400x512xf32>
    %slice3A_95 = vector.extract_strided_slice %dot_general3A_94 {offsets = [0, 0], sizes = [400, 128], strides = [1, 1]} : vector<400x512xf32> to vector<400x128xf32>
    %slice3A_96 = vector.extract_strided_slice %dot_general3A_94 {offsets = [0, 128], sizes = [400, 128], strides = [1, 1]} : vector<400x512xf32> to vector<400x128xf32>
    %slice3A_97 = vector.extract_strided_slice %dot_general3A_94 {offsets = [0, 256], sizes = [400, 128], strides = [1, 1]} : vector<400x512xf32> to vector<400x128xf32>
    %slice3A_98 = vector.extract_strided_slice %dot_general3A_94 {offsets = [0, 384], sizes = [400, 128], strides = [1, 1]} : vector<400x512xf32> to vector<400x128xf32>
    %get3A_99 = arith.constant 4000 : index
    %get3A_100 = arith.constant 0 : index
    %get3A_101 = vector.load %arg1[%get3A_99, %get3A_100] : memref<6400x128xf32, #tpu.memory_space<vmem>>, vector<400x128xf32>
    %convert_element_type3A_102 = arith.truncf %get3A_101 : vector<400x128xf32> to vector<400x128xbf16>
    %dot_general3A_103 = arith.constant dense<0.000000e+00> : vector<400x512xf32>
    %dot_general3A_104 = tpu.matmul %convert_element_type3A_102, %get3A_1, %dot_general3A_103 {dimension_numbers = #tpu.dot_dimension_numbers<[1], [0], [0], [1], [0, 0, 1, 1], [], []>, transpose_lhs_hint = false} : vector<400x128xbf16>, vector<128x512xbf16>, vector<400x512xf32> -> vector<400x512xf32>
    %slice3A_105 = vector.extract_strided_slice %dot_general3A_104 {offsets = [0, 0], sizes = [400, 128], strides = [1, 1]} : vector<400x512xf32> to vector<400x128xf32>
    %slice3A_106 = vector.extract_strided_slice %dot_general3A_104 {offsets = [0, 128], sizes = [400, 128], strides = [1, 1]} : vector<400x512xf32> to vector<400x128xf32>
    %slice3A_107 = vector.extract_strided_slice %dot_general3A_104 {offsets = [0, 256], sizes = [400, 128], strides = [1, 1]} : vector<400x512xf32> to vector<400x128xf32>
    %slice3A_108 = vector.extract_strided_slice %dot_general3A_104 {offsets = [0, 384], sizes = [400, 128], strides = [1, 1]} : vector<400x512xf32> to vector<400x128xf32>
    %get3A_109 = arith.constant 4400 : index
    %get3A_110 = arith.constant 0 : index
    %get3A_111 = vector.load %arg1[%get3A_109, %get3A_110] : memref<6400x128xf32, #tpu.memory_space<vmem>>, vector<400x128xf32>
    %convert_element_type3A_112 = arith.truncf %get3A_111 : vector<400x128xf32> to vector<400x128xbf16>
    %dot_general3A_113 = arith.constant dense<0.000000e+00> : vector<400x512xf32>
    %dot_general3A_114 = tpu.matmul %convert_element_type3A_112, %get3A_1, %dot_general3A_113 {dimension_numbers = #tpu.dot_dimension_numbers<[1], [0], [0], [1], [0, 0, 1, 1], [], []>, transpose_lhs_hint = false} : vector<400x128xbf16>, vector<128x512xbf16>, vector<400x512xf32> -> vector<400x512xf32>
    %slice3A_115 = vector.extract_strided_slice %dot_general3A_114 {offsets = [0, 0], sizes = [400, 128], strides = [1, 1]} : vector<400x512xf32> to vector<400x128xf32>
    %slice3A_116 = vector.extract_strided_slice %dot_general3A_114 {offsets = [0, 128], sizes = [400, 128], strides = [1, 1]} : vector<400x512xf32> to vector<400x128xf32>
    %slice3A_117 = vector.extract_strided_slice %dot_general3A_114 {offsets = [0, 256], sizes = [400, 128], strides = [1, 1]} : vector<400x512xf32> to vector<400x128xf32>
    %slice3A_118 = vector.extract_strided_slice %dot_general3A_114 {offsets = [0, 384], sizes = [400, 128], strides = [1, 1]} : vector<400x512xf32> to vector<400x128xf32>
    %get3A_119 = arith.constant 4800 : index
    %get3A_120 = arith.constant 0 : index
    %get3A_121 = vector.load %arg1[%get3A_119, %get3A_120] : memref<6400x128xf32, #tpu.memory_space<vmem>>, vector<400x128xf32>
    %convert_element_type3A_122 = arith.truncf %get3A_121 : vector<400x128xf32> to vector<400x128xbf16>
    %dot_general3A_123 = arith.constant dense<0.000000e+00> : vector<400x512xf32>
    %dot_general3A_124 = tpu.matmul %convert_element_type3A_122, %get3A_1, %dot_general3A_123 {dimension_numbers = #tpu.dot_dimension_numbers<[1], [0], [0], [1], [0, 0, 1, 1], [], []>, transpose_lhs_hint = false} : vector<400x128xbf16>, vector<128x512xbf16>, vector<400x512xf32> -> vector<400x512xf32>
    %slice3A_125 = vector.extract_strided_slice %dot_general3A_124 {offsets = [0, 0], sizes = [400, 128], strides = [1, 1]} : vector<400x512xf32> to vector<400x128xf32>
    %slice3A_126 = vector.extract_strided_slice %dot_general3A_124 {offsets = [0, 128], sizes = [400, 128], strides = [1, 1]} : vector<400x512xf32> to vector<400x128xf32>
    %slice3A_127 = vector.extract_strided_slice %dot_general3A_124 {offsets = [0, 256], sizes = [400, 128], strides = [1, 1]} : vector<400x512xf32> to vector<400x128xf32>
    %slice3A_128 = vector.extract_strided_slice %dot_general3A_124 {offsets = [0, 384], sizes = [400, 128], strides = [1, 1]} : vector<400x512xf32> to vector<400x128xf32>
    %get3A_129 = arith.constant 5200 : index
    %get3A_130 = arith.constant 0 : index
    %get3A_131 = vector.load %arg1[%get3A_129, %get3A_130] : memref<6400x128xf32, #tpu.memory_space<vmem>>, vector<400x128xf32>
    %convert_element_type3A_132 = arith.truncf %get3A_131 : vector<400x128xf32> to vector<400x128xbf16>
    %dot_general3A_133 = arith.constant dense<0.000000e+00> : vector<400x512xf32>
    %dot_general3A_134 = tpu.matmul %convert_element_type3A_132, %get3A_1, %dot_general3A_133 {dimension_numbers = #tpu.dot_dimension_numbers<[1], [0], [0], [1], [0, 0, 1, 1], [], []>, transpose_lhs_hint = false} : vector<400x128xbf16>, vector<128x512xbf16>, vector<400x512xf32> -> vector<400x512xf32>
    %slice3A_135 = vector.extract_strided_slice %dot_general3A_134 {offsets = [0, 0], sizes = [400, 128], strides = [1, 1]} : vector<400x512xf32> to vector<400x128xf32>
    %slice3A_136 = vector.extract_strided_slice %dot_general3A_134 {offsets = [0, 128], sizes = [400, 128], strides = [1, 1]} : vector<400x512xf32> to vector<400x128xf32>
    %slice3A_137 = vector.extract_strided_slice %dot_general3A_134 {offsets = [0, 256], sizes = [400, 128], strides = [1, 1]} : vector<400x512xf32> to vector<400x128xf32>
    %slice3A_138 = vector.extract_strided_slice %dot_general3A_134 {offsets = [0, 384], sizes = [400, 128], strides = [1, 1]} : vector<400x512xf32> to vector<400x128xf32>
    %get3A_139 = arith.constant 5600 : index
    %get3A_140 = arith.constant 0 : index
    %get3A_141 = vector.load %arg1[%get3A_139, %get3A_140] : memref<6400x128xf32, #tpu.memory_space<vmem>>, vector<400x128xf32>
    %convert_element_type3A_142 = arith.truncf %get3A_141 : vector<400x128xf32> to vector<400x128xbf16>
    %dot_general3A_143 = arith.constant dense<0.000000e+00> : vector<400x512xf32>
    %dot_general3A_144 = tpu.matmul %convert_element_type3A_142, %get3A_1, %dot_general3A_143 {dimension_numbers = #tpu.dot_dimension_numbers<[1], [0], [0], [1], [0, 0, 1, 1], [], []>, transpose_lhs_hint = false} : vector<400x128xbf16>, vector<128x512xbf16>, vector<400x512xf32> -> vector<400x512xf32>
    %slice3A_145 = vector.extract_strided_slice %dot_general3A_144 {offsets = [0, 0], sizes = [400, 128], strides = [1, 1]} : vector<400x512xf32> to vector<400x128xf32>
    %slice3A_146 = vector.extract_strided_slice %dot_general3A_144 {offsets = [0, 128], sizes = [400, 128], strides = [1, 1]} : vector<400x512xf32> to vector<400x128xf32>
    %slice3A_147 = vector.extract_strided_slice %dot_general3A_144 {offsets = [0, 256], sizes = [400, 128], strides = [1, 1]} : vector<400x512xf32> to vector<400x128xf32>
    %slice3A_148 = vector.extract_strided_slice %dot_general3A_144 {offsets = [0, 384], sizes = [400, 128], strides = [1, 1]} : vector<400x512xf32> to vector<400x128xf32>
    %get3A_149 = arith.constant 6000 : index
    %get3A_150 = arith.constant 0 : index
    %get3A_151 = vector.load %arg1[%get3A_149, %get3A_150] : memref<6400x128xf32, #tpu.memory_space<vmem>>, vector<400x128xf32>
    %convert_element_type3A_152 = arith.truncf %get3A_151 : vector<400x128xf32> to vector<400x128xbf16>
    %dot_general3A_153 = arith.constant dense<0.000000e+00> : vector<400x512xf32>
    %dot_general3A_154 = tpu.matmul %convert_element_type3A_152, %get3A_1, %dot_general3A_153 {dimension_numbers = #tpu.dot_dimension_numbers<[1], [0], [0], [1], [0, 0, 1, 1], [], []>, transpose_lhs_hint = false} : vector<400x128xbf16>, vector<128x512xbf16>, vector<400x512xf32> -> vector<400x512xf32>
    %slice3A_155 = vector.extract_strided_slice %dot_general3A_154 {offsets = [0, 0], sizes = [400, 128], strides = [1, 1]} : vector<400x512xf32> to vector<400x128xf32>
    %slice3A_156 = vector.extract_strided_slice %dot_general3A_154 {offsets = [0, 128], sizes = [400, 128], strides = [1, 1]} : vector<400x512xf32> to vector<400x128xf32>
    %slice3A_157 = vector.extract_strided_slice %dot_general3A_154 {offsets = [0, 256], sizes = [400, 128], strides = [1, 1]} : vector<400x512xf32> to vector<400x128xf32>
    %slice3A_158 = vector.extract_strided_slice %dot_general3A_154 {offsets = [0, 384], sizes = [400, 128], strides = [1, 1]} : vector<400x512xf32> to vector<400x128xf32>
    %concatenate3A = tpu.concatenate %slice3A, %slice3A_6, %slice3A_7, %slice3A_8, %slice3A_15, %slice3A_16, %slice3A_17, %slice3A_18, %slice3A_25, %slice3A_26, %slice3A_27, %slice3A_28, %slice3A_35, %slice3A_36, %slice3A_37, %slice3A_38, %slice3A_45, %slice3A_46, %slice3A_47, %slice3A_48, %slice3A_55, %slice3A_56, %slice3A_57, %slice3A_58, %slice3A_65, %slice3A_66, %slice3A_67, %slice3A_68, %slice3A_75, %slice3A_76, %slice3A_77, %slice3A_78, %slice3A_85, %slice3A_86, %slice3A_87, %slice3A_88, %slice3A_95, %slice3A_96, %slice3A_97, %slice3A_98, %slice3A_105, %slice3A_106, %slice3A_107, %slice3A_108, %slice3A_115, %slice3A_116, %slice3A_117, %slice3A_118, %slice3A_125, %slice3A_126, %slice3A_127, %slice3A_128, %slice3A_135, %slice3A_136, %slice3A_137, %slice3A_138, %slice3A_145, %slice3A_146, %slice3A_147, %slice3A_148, %slice3A_155, %slice3A_156, %slice3A_157, %slice3A_158 in 0 : vector<400x128xf32>, vector<400x128xf32>, vector<400x128xf32>, vector<400x128xf32>, vector<400x128xf32>, vector<400x128xf32>, vector<400x128xf32>, vector<400x128xf32>, vector<400x128xf32>, vector<400x128xf32>, vector<400x128xf32>, vector<400x128xf32>, vector<400x128xf32>, vector<400x128xf32>, vector<400x128xf32>, vector<400x128xf32>, vector<400x128xf32>, vector<400x128xf32>, vector<400x128xf32>, vector<400x128xf32>, vector<400x128xf32>, vector<400x128xf32>, vector<400x128xf32>, vector<400x128xf32>, vector<400x128xf32>, vector<400x128xf32>, vector<400x128xf32>, vector<400x128xf32>, vector<400x128xf32>, vector<400x128xf32>, vector<400x128xf32>, vector<400x128xf32>, vector<400x128xf32>, vector<400x128xf32>, vector<400x128xf32>, vector<400x128xf32>, vector<400x128xf32>, vector<400x128xf32>, vector<400x128xf32>, vector<400x128xf32>, vector<400x128xf32>, vector<400x128xf32>, vector<400x128xf32>, vector<400x128xf32>, vector<400x128xf32>, vector<400x128xf32>, vector<400x128xf32>, vector<400x128xf32>, vector<400x128xf32>, vector<400x128xf32>, vector<400x128xf32>, vector<400x128xf32>, vector<400x128xf32>, vector<400x128xf32>, vector<400x128xf32>, vector<400x128xf32>, vector<400x128xf32>, vector<400x128xf32>, vector<400x128xf32>, vector<400x128xf32>, vector<400x128xf32>, vector<400x128xf32>, vector<400x128xf32>, vector<400x128xf32> -> vector<25600x128xf32>
    %reshape3A = vector.shape_cast %concatenate3A : vector<25600x128xf32> to vector<128x200x128xf32>
    %swap3A = arith.constant 0 : index
    %swap3A_159 = arith.constant 0 : index
    %swap3A_160 = arith.constant 0 : index
    %swap3A_161 = vector.load %arg4[%swap3A, %swap3A_159, %swap3A_160] : memref<128x200x128xf32, #tpu.memory_space<vmem>>, vector<128x200x128xf32>
    tpu.vector_store %arg4[%swap3A, %swap3A_159, %swap3A_160], %reshape3A {strides = array<i32>} : memref<128x200x128xf32, #tpu.memory_space<vmem>>, vector<128x200x128xf32>,
    return
  }
  func.func @transform_0(%arg0: i32) -> (i32, i32) {
    %c0_i32 = arith.constant 0 : i32
    %c0_i32_0 = arith.constant 0 : i32
    return %arg0, %c0_i32 : i32, i32
  }
  func.func @transform_1(%arg0: i32) -> (i32, i32) {
    %c0_i32 = arith.constant 0 : i32
    %c0_i32_0 = arith.constant 0 : i32
    %c0_i32_1 = arith.constant 0 : i32
    return %c0_i32, %c0_i32_0 : i32, i32
  }
  func.func @transform_3(%arg0: i32) -> (i32, i32, i32) {
    %add3A = arith.constant 24 : i32
    %add3A_0 = arith.addi %add3A, %arg0 : i32
    %c0_i32 = arith.constant 0 : i32
    %c0_i32_1 = arith.constant 0 : i32
    %c0_i32_2 = arith.constant 0 : i32
    return %add3A_0, %c0_i32, %c0_i32_1 : i32, i32, i32
  }
}

</mosaic_0001>

<sc_bundles>
// kernel: kernel.10.cloned.1.call-start
scs
__scs_entry_jumppad:
0x0: {  	(pc) =	sbr.rel $0x88, $3  }
0x1: {  	(tag) =	ssettag $0x0;
	lr =	simm.s32 $0x1  }
0x2: {  	[smem:$0x3F9E] =	sst lr;
	_ =	strace $0xD0000000  }
0x3: {  	_ = 	snop  }
0x4: {  	_ = 	snop  }
0x5: {  	_ = 	snop  }
0x6: {  	_ = 	snop  }
0x7: {  	_ = 	snop  }
__scs_overlays_trampoline_lowered:
0x8: {  	[smem:$0x3FAD] =	sst s0  }
0x9: {  	[smem:$0x3FAE] =	sst s1  }
0xa: {  	[smem:$0x3FAF] =	sst s2  }
0xb: {  	[smem:$0x3FB0] =	sst s3  }
0xc: {  	[smem:$0x3FB1] =	sst s4  }
0xd: {  	[smem:$0x3FB2] =	sst s5  }
0xe: {  	[smem:$0x3FB3] =	sst s6  }
0xf: {  	[smem:$0x3FB4] =	sst s7  }
0x10: {  	[smem:$0x3FB5] =	sst s8  }
0x11: {  	[smem:$0x3FB6] =	sst s9;
	s0 =	simm.s32 @!p0 $0x0  }
0x12: {  	s1 =	sld [smem:$0x3F9C];
	s0 =	simm.s32 @p0 $0x1  }
0x13: {  	[smem:$0x3FB7] =	sst s0;
	s0 =	simm.s32 @!p1 $0x0  }
0x14: {  	s2 =	sld [smem:$0x3F9B];
	s0 =	simm.s32 @p1 $0x1  }
0x15: {  	[smem:$0x3FB8] =	sst s0;
	s0 =	simm.s32 @!p2 $0x0  }
0x16: {  	s3 =	sld [smem:$0x3FDB];
	s0 =	simm.s32 @p2 $0x1  }
0x17: {  	s4 =	simm.s32 $0x1BF5;
	[smem:$0x3FBA] =	sst s0  }
0x18: {  	s0 =	sld [smem:$0x3F9D];
	_ =	swait.ge [sflag:s4], $0x0  }
0x19: {  	s7 =	sld [smem:$0x3F9E]  }
0x1a: {  	s8 =	sadd.s32 $0xFFFFE003, lr  }
0x1b: {  	s9 =	sadd.s32 $0xFFFFFEF7, lr;
	s5 =	simm.s32 $0xFFFFFFFF;
	p2 =	slt.u32 s8, $0xFFFFF086  }
0x1c: {  	p1 =	slt.u32 s9, $0xF7A;
	s5 =	simm.s32 @!p2 $0x0  }
0x1d: {  	s5 =	simm.s32 @p1 $0x1;
	p0 =	seq.s32 s7, s2  }
0x1e: {  	s7 =	smul.u32 @!p0 $0xF7A, s2;
	p2 =	seq.s32 @!p0 s5, $0x0  }
0x1f: {  	s9 =	smul.u32 $0xF7A, s1;
	s8 =	simm.s32 @!p0 $0x1BF5;
	p2 =	por !p2, p0  }
0x20: {  	[sflag:s8] =	ssyncset.s32 @!p0 $0xFFFFF086;
	s6 =	sadd.s32 @!p0 s3, s7;
	s7 =	simm.s32 @!p0 $0x108  }
0x21: {  	s3 =	sadd.s32 s3, s9;
	s6 =	sadd.s32 @!p0 $0x88, s6;
	s7 =	simm.s32 @p2 $0x1082  }
0x22: {  	[simem:s7], [sflag:s8] =	dma.local @!p0 [hbm:s6], $0xF7A  }
0x23: {  	s9 =	sor.u32 $0xD0000000, s2;
	s6 =	simm.s32 $0x108;
	_ =	swait.ge @!p0 [sflag:s8], $0x0  }
0x24: {  	s3 =	sadd.s32 $0x88, s3;
	s6 =	simm.s32 @!p1 $0x1082;
	[sflag:s4] =	ssyncset.s32 $0xFFFFF086  }
0x25: {  	[simem:s6], [sflag:s4] =	dma.local [hbm:s3], $0xF7A  }
0x26: {  	[smem:$0x3F9E] =	sst s1;
	(tag) =	ssettag s2;
	_ =	strace s9  }
0x27: {  	s1 =	sld [smem:$0x3FAE]  }
0x28: {  	s2 =	sld [smem:$0x3FAF]  }
0x29: {  	s4 =	sld [smem:$0x3FB1]  }
0x2a: {  	p0 =	seq.s32 s5, $0x0;
	s5 =	sld [smem:$0x3FB2]  }
0x2b: {  	s6 =	sld [smem:$0x3FB3]  }
0x2c: {  	s7 =	sld [smem:$0x3FB4]  }
0x2d: {  	s3 =	simm.s32 $0x108;
	s8 =	sld [smem:$0x3FB5]  }
0x2e: {  	s3 =	simm.s32 @!p0 $0x1082;
	s9 =	sld [smem:$0x3FB6]  }
0x2f: {  	lr =	sadd.s32 s0, s3;
	s0 =	sld [smem:$0x3FAD]  }
0x30: {  	s3 =	sld [smem:$0x3FB0]  }
0x31: {  	[smem:$0x3FB9] =	sst s10  }
0x32: {  	s10 =	sld [smem:$0x3FB7];
	_ =	sdelay $0x3  }
0x33: {  	p0 =	seq.s32 s10, $0x1;
	s10 =	sld [smem:$0x3FB9];
	_ =	sdelay $0x3  }
0x34: {  	[smem:$0x3FB9] =	sst s10  }
0x35: {  	s10 =	sld [smem:$0x3FB8];
	_ =	sdelay $0x3  }
0x36: {  	p1 =	seq.s32 s10, $0x1;
	s10 =	sld [smem:$0x3FB9];
	_ =	sdelay $0x3  }
0x37: {  	[smem:$0x3FB9] =	sst s10  }
0x38: {  	s10 =	sld [smem:$0x3FBA]  }
0x39: {  	_ = 	snop;
	(pc) =	sbr.ind lr, $3  }
0x3a: {  	_ = 	snop  }
0x3b: {  	_ = 	snop  }
0x3c: {  	p2 =	seq.s32 s10, $0x1;
	s10 =	sld [smem:$0x3FB9]  }
0x3d: {  	_ =	shalt  }
0x3e: {  	_ =	shalt  }
0x3f: {  	_ =	shalt  }
0x40: {  	_ =	shalt  }
0x41: {  	_ =	shalt  }
0x42: {  	_ =	shalt  }
0x43: {  	_ =	shalt  }
0x44: {  	_ =	shalt  }
0x45: {  	_ =	shalt  }
0x46: {  	_ =	shalt  }
0x47: {  	_ =	shalt  }
0x48: {  	_ =	shalt  }
0x49: {  	_ =	shalt  }
0x4a: {  	_ =	shalt  }
0x4b: {  	_ =	shalt  }
0x4c: {  	_ =	shalt  }
0x4d: {  	_ =	shalt  }
0x4e: {  	_ =	shalt  }
0x4f: {  	_ =	shalt  }
0x50: {  	_ =	shalt  }
0x51: {  	_ =	shalt  }
0x52: {  	_ =	shalt  }
0x53: {  	_ =	shalt  }
0x54: {  	_ =	shalt  }
0x55: {  	_ =	shalt  }
0x56: {  	_ =	shalt  }
0x57: {  	_ =	shalt  }
0x58: {  	_ =	shalt  }
0x59: {  	_ =	shalt  }
0x5a: {  	_ =	shalt  }
0x5b: {  	_ =	shalt  }
0x5c: {  	_ =	shalt  }
0x5d: {  	_ =	shalt  }
0x5e: {  	_ =	shalt  }
0x5f: {  	_ =	shalt  }
0x60: {  	_ =	shalt  }
0x61: {  	_ =	shalt  }
0x62: {  	_ =	shalt  }
0x63: {  	_ =	shalt  }
0x64: {  	_ =	shalt  }
0x65: {  	_ =	shalt  }
0x66: {  	_ =	shalt  }
0x67: {  	_ =	shalt  }
0x68: {  	_ =	shalt  }
0x69: {  	_ =	shalt  }
0x6a: {  	_ =	shalt  }
0x6b: {  	_ =	shalt  }
0x6c: {  	_ =	shalt  }
0x6d: {  	_ =	shalt  }
0x6e: {  	_ =	shalt  }
0x6f: {  	_ =	shalt  }
0x70: {  	_ =	shalt  }
0x71: {  	_ =	shalt  }
0x72: {  	_ =	shalt  }
0x73: {  	_ =	shalt  }
0x74: {  	_ =	shalt  }
0x75: {  	_ =	shalt  }
0x76: {  	_ =	shalt  }
0x77: {  	_ =	shalt  }
0x78: {  	_ =	shalt  }
0x79: {  	_ =	shalt  }
0x7a: {  	_ =	shalt  }
0x7b: {  	_ =	shalt  }
0x7c: {  	_ =	shalt  }
0x7d: {  	_ =	shalt  }
0x7e: {  	_ =	shalt  }
0x7f: {  	_ =	shalt  }
0x80: {  	_ =	shalt  }
0x81: {  	_ =	shalt  }
0x82: {  	_ =	shalt  }
0x83: {  	_ =	shalt  }
0x84: {  	_ =	shalt  }
0x85: {  	_ =	shalt  }
0x86: {  	_ =	shalt  }
0x87: {  	_ =	shalt  }
.Lfunc_end0:
.L_simem_size_0:
called_computation_lowered:
.L_overlay_start_0:
0x88: {  	s2 =	sld [smem:$0x3FD9]  }
0x89: {  	s3 =	sld [smem:$0x3FFE];
	_ =	sdelay $0x1  }
0x8a: {  	s1 =	srdreg.scid  }
0x8b: {  	s0 =	sand.u32 $0x1, s1  }
0x8c: {  	s17 =	sshll.u32 s0, $0xA;
	s2 =	sadd.s32 s3, s2  }
0x8d: {  	s2 =	sadd.s32 s2, s17  }
0x8e: {  	[smem:$0x3FC5] =	sst s2  }
0x8f: {  	_ = 	snop  }
0x90: {  	s2 =	sld [smem:$0x3FD0];
	(tm) =	ssettm $0x1  }
0x91: {  	s18 =	sld [smem:$0x3FFB];
	_ =	sdelay $0x3  }
0x92: {  	_ =	strace s18  }
0x93: {  	s3 =	sld [smem:$0x3FFC];
	_ =	sdelay $0x3  }
0x94: {  	_ =	strace s3  }
0x95: {  	s3 =	sld [smem:$0x3FFD];
	_ =	sdelay $0x3  }
0x96: {  	_ =	strace s3  }
0x97: {  	_ =	strace $0x8FFFFFFF  }
0x98: {  	s19 =	sld [smem:$0x3FDB];
	_ =	sdelay $0x1  }
0x99: {  	s4 =	simm.s32 $_scs_section_size  }
0x9a: {  	s5 =	simm.s32 $_size__tile_overlayer_lowered;
	s6 =	simm.s32 $_tile_overlayer_lowered  }
0x9b: {  	s22 =	simm.s32 $0x1BFF;
	s21 =	sshll.u32 s6, $0x1;
	s3 =	sadd.s32 s4, s19  }
0x9c: {  	s7 =	simm.s32 $0x0;
	s20 =	sshll.u32 s5, $0x1;
	s5 =	sadd.s32 s21, s3  }
0x9d: {  	[timem:s7], [sflag:s22] =	dma.local [hbm:s5], s20  }
0x9e: {  	_ =	swait.ge [sflag:s22], s20  }
0x9f: {  	s4 =	ssub.s32 $0x0, s20;
	[sflag:s22] =	ssyncset.done $0x0  }
0xa0: {  	[sflag:s22] =	ssyncadd.s32 s4;
	_ =	sdelay $0x1  }
0xa1: {  	s23 =	simm.s32 $0x1B8B  }
0xa2: {  	_ =	swait.ge [sflag:s23], $0x1  }
0xa3: {  	[sflag:s23] =	ssyncset.done $0x0  }
0xa4: {  	s25 =	simm.s32 $0x1B8E;
	s24 =	sld [smem:$0x3FFE];
	[sflag:s23] =	ssyncadd.s32 $0xFFFFFFFF  }
0xa5: {  	s26 =	simm.s32 $execute0_lowered;
	[smem:$0x3FD2] =	sst s25  }
0xa6: {  	s5 =	sshll.u32 s26, $0x1;
	_ =	strace $0x80000046;
	[dreg:$0x1] =	wrdreg $0xFFFFFFFF  }
0xa7: {  	s28 =	simm.s32 $_size_execute0_lowered;
	s3 =	sadd.s32 s3, s5;
	[dreg:$0x0] =	wrdreg $0x0  }
0xa8: {  	s5 =	sshll.u32 s28, $0x1;
	[dreg:$0x2] =	wrdreg s3  }
0xa9: {  	[dreg:$0x3] =	wrdreg s5  }
0xaa: {  	[dreg:$0x4] =	wrdreg $0xC0  }
0xab: {  	_ =	task [dreg:s7], $0x5FFFF  }
0xac: {  	[dreg:$0x1] =	wrdreg $0xFFFFFFFF  }
0xad: {  	[dreg:$0x0] =	wrdreg $0x60  }
0xae: {  	[dreg:$0x2] =	wrdreg s24  }
0xaf: {  	[dreg:$0x3] =	wrdreg s2  }
0xb0: {  	[dreg:$0x4] =	wrdreg $0x9  }
0xb1: {  	_ =	task.clear_ibuf [dreg:s7], $0x5FFFF;
	_ =	strace $0x90000046  }
0xb2: {  	s29 =	simm.s32 $0x9;
	_ =	strace $0x80000048  }
0xb3: {  	_ =	swait.ge [sflag:s29], $0x1  }
0xb4: {  	[sflag:s29] =	ssyncadd.s32 $0xFFFFFFFF  }
0xb5: {  	_ =	strace $0x90000048  }
0xb6: {  	_ =	sfence  }
0xb7: {  	s30 =	sld [smem:$0x0];
	_ =	sdelay $0x2  }
0xb8: {  	s31 =	sshll.u32 s1, $0xD;
	s1 =	sshrl.u32 s1, $0x2  }
0xb9: {  	s3 =	sand.u32 $0x4000, s31;
	s1 =	sadd.s32 s1, s30  }
0xba: {  	s0 =	sor.u32 s3, s0;
	s1 =	sshll.u32 s1, $0x11  }
0xbb: {  	s0 =	sor.u32 s1, s0  }
0xbc: {  	s0 =	sadd.s32 $0x8F2B, s0  }
0xbd: {  	[sflag:s0] =	ssyncadd.remote.s32 $0x1  }
0xbe: {  	_ =	sfence.sel $0xFFFF  }
0xbf: {  	[dreg:$0x0] =	wrdreg $0xFFFFFFFF;
	(pc) =	sbr.abs _section_cstart, $3  }
0xc0: {  	[dreg:$0x1] =	wrdreg $0xFFFFFFFF  }
0xc1: {  	_ =	task.clear_ibuf [dreg:s7], $0x2FFFF;
	_ =	strace $0x9FFFFFFF  }
0xc2: {  	(tm) =	ssettm $0x7FFFFFFF  }
0xc3: {  	_ =	shalt  }
tec
execute0_lowered:
.L_overlay_start_1:
0x0: {  	(tag) =	ssettag $0x1  }
0x1: {  	s4 =	rddreg [dreg:$0x0]  }
0x2: {  	s6 =	rddreg [dreg:$0x1]  }
0x3: {  	s0 =	rddreg [dreg:$0x2]  }
0x4: {  	s1 =	stileid.u32;
	s2 =	simm.s32 $0x0;
	s3 =	srdreg.scid  }
0x5: {  	s11 =	simm.s32 $0x320;
	s12 =	simm.s32 $0x6A40;
	s13 =	simm.s32 $0x4B0  }
0x6: {  	s14 =	simm.s32 $0x9C40;
	s15 =	simm.s32 $0x1;
	s16 =	simm.s32 $0x20  }
0x7: {  	s17 =	simm.s32 $0x80;
	s18 =	simm.s32 $0x0;
	s5 =	smul.u32 $0xC800, s1  }
0x8: {  	[smem:$0x7FF] =	sst s2;
	s7 =	sand.u32 $0x1, s3;
	s8 =	smul.u32 $0x3200, s1  }
0x9: {  	s3 =	sadd.s32 $0xF43A00, s4;
	s9 =	smul.u32 $0x1900, s7;
	s10 =	ssub.s32 $0x2, s7  }
0xa: {  	_ =	strace $0x80000047;
	s7 =	smul.u32 $0x6400, s7;
	s31 =	sshrl.u32 s10, $0x1  }
0xb: {  	s4 =	sadd.s32 s5, s4;
	s8 =	sadd.s32 s9, s8;
	s5 =	ssub.s32 s10, s31  }
0xc: {  	s7 =	sadd.s32 s7, s4;
	s9 =	simm.s32 $0x640;
	s10 =	simm.s32 $0x3840  }
0xd: {  	s8 =	sshrl.u32 s8, $0x3;
	s4 =	smax.u32 s5, $0x1;
	s5 =	sadd.s32 $0x1600, s7  }
0xe: {  	s7 =	simm.s32 $0x2;
	s6 =	sadd.s32 s8, s6;
	s8 =	simm.s32 $0x190  }
.LBB2_1:
0xf: {  	[tilespmem:s2], [sflag:$0x2] =	stream.linear.gather [hbm4b:s6+s2], $0x640, $0x38;
	[tilespmem:$0xCE40] =	vst v63  }
0x10: {  	_ =	swait.ge [sflag:s7], $0x640  }
0x11: {  	[sflag:s7] =	ssyncset.done $0x0  }
0x12: {  	[sflag:s7] =	ssyncadd.s32 $0xFFFFF9C0  }
0x13: {  	[tilespmem:s9], [sflag:$0x1] =	stream.indirect.gather [hbm4b:s3+s8], $0x20, s2, s8, $0xb8;
	[tilespmem:$0xCE40] =	vst v63  }
0x14: {  	_ = 	snop  }
0x15: {  	[tilespmem:s10], [sflag:$0x1] =	stream.indirect.gather [hbm4b:s3+s8], $0x20, s8, s8, $0xb8;
	[tilespmem:$0xCE40] =	vst v63  }
0x16: {  	_ = 	snop  }
0x17: {  	[tilespmem:s12], [sflag:$0x1] =	stream.indirect.gather [hbm4b:s3+s8], $0x20, s11, s8, $0xb8;
	[tilespmem:$0xCE40] =	vst v63  }
0x18: {  	_ = 	snop  }
0x19: {  	[tilespmem:s14], [sflag:$0x1] =	stream.indirect.gather [hbm4b:s3+s8], $0x20, s13, s8, $0xb8;
	[tilespmem:$0xCE40] =	vst v63  }
0x1a: {  	_ =	swait.ge [sflag:s15], $0x3200  }
0x1b: {  	[sflag:s15] =	ssyncset.done $0x0  }
0x1c: {  	[sflag:s15] =	ssyncadd.s32 $0xFFFFCE00  }
0x1d: {  	_ =	swait.ge [sflag:s15], $0x3200  }
0x1e: {  	[sflag:s15] =	ssyncset.done $0x0  }
0x1f: {  	[sflag:s15] =	ssyncadd.s32 $0xFFFFCE00  }
0x20: {  	_ =	swait.ge [sflag:s15], $0x3200  }
0x21: {  	[sflag:s15] =	ssyncset.done $0x0  }
0x22: {  	[sflag:s15] =	ssyncadd.s32 $0xFFFFCE00  }
0x23: {  	_ =	swait.ge [sflag:s15], $0x3200  }
0x24: {  	[sflag:s15] =	ssyncset.done $0x0  }
0x25: {  	s19 =	sadd.s32 $0x0, s5;
	[sflag:s15] =	ssyncadd.s32 $0xFFFFCE00  }
0x26: {  	[hbm4b:s19+s16] =	stream.strided.scatter [tilespmem:s9], [sflag:$0x2], $0x3200, s17, s16, $0x38;
	[tilespmem:$0xCE40] =	vst v63  }
0x27: {  	_ =	swait.ge [sflag:s7], $0x3200  }
0x28: {  	[sflag:s7] =	ssyncset.done $0x0  }
0x29: {  	s20 =	sadd.s32 $0x4, s19;
	[sflag:s7] =	ssyncadd.s32 $0xFFFFCE00  }
0x2a: {  	[hbm4b:s20+s16] =	stream.strided.scatter [tilespmem:s10], [sflag:$0x2], $0x3200, s17, s16, $0x38;
	[tilespmem:$0xCE40] =	vst v63  }
0x2b: {  	_ =	swait.ge [sflag:s7], $0x3200  }
0x2c: {  	[sflag:s7] =	ssyncset.done $0x0  }
0x2d: {  	s31 =	sadd.s32 $0x8, s19;
	[sflag:s7] =	ssyncadd.s32 $0xFFFFCE00  }
0x2e: {  	[hbm4b:s31+s16] =	stream.strided.scatter [tilespmem:s12], [sflag:$0x2], $0x3200, s17, s16, $0x38;
	[tilespmem:$0xCE40] =	vst v63  }
0x2f: {  	_ =	swait.ge [sflag:s7], $0x3200  }
0x30: {  	[sflag:s7] =	ssyncset.done $0x0  }
0x31: {  	s19 =	sadd.s32 $0xC, s19;
	[sflag:s7] =	ssyncadd.s32 $0xFFFFCE00  }
0x32: {  	[hbm4b:s19+s16] =	stream.strided.scatter [tilespmem:s14], [sflag:$0x2], $0x3200, s17, s16, $0x38;
	[tilespmem:$0xCE40] =	vst v63  }
0x33: {  	_ =	swait.ge [sflag:s7], $0x3200  }
0x34: {  	s20 =	smov.u32 s6;
	s19 =	simm.s32 $0x1900;
	[sflag:s7] =	ssyncset.done $0x0  }
.LBB2_2:
0x35: {  	p0 =	sne.s32 s19, $0x4B00;
	[sflag:s7] =	ssyncadd.s32 $0xFFFFCE00;
	s20 =	sadd.s32 $0xC8, s20  }
0x36: {  	[tilespmem:s2], [sflag:$0x2] =	stream.linear.gather [hbm4b:s20+s2], $0x640, $0x38;
	[tilespmem:$0xCE40] =	vst v63  }
0x37: {  	s21 =	smov.u32 s19;
	s19 =	sadd.s32 $0x1900, s19;
	_ =	swait.ge [sflag:s7], $0x640  }
0x38: {  	[sflag:s7] =	ssyncset.done $0x0  }
0x39: {  	[sflag:s7] =	ssyncadd.s32 $0xFFFFF9C0  }
0x3a: {  	[tilespmem:s9], [sflag:$0x1] =	stream.indirect.gather [hbm4b:s3+s8], $0x20, s2, s8, $0xb8;
	[tilespmem:$0xCE40] =	vst v63  }
0x3b: {  	_ = 	snop  }
0x3c: {  	[tilespmem:s10], [sflag:$0x1] =	stream.indirect.gather [hbm4b:s3+s8], $0x20, s8, s8, $0xb8;
	[tilespmem:$0xCE40] =	vst v63  }
0x3d: {  	_ = 	snop  }
0x3e: {  	[tilespmem:s12], [sflag:$0x1] =	stream.indirect.gather [hbm4b:s3+s8], $0x20, s11, s8, $0xb8;
	[tilespmem:$0xCE40] =	vst v63  }
0x3f: {  	_ = 	snop  }
0x40: {  	[tilespmem:s14], [sflag:$0x1] =	stream.indirect.gather [hbm4b:s3+s8], $0x20, s13, s8, $0xb8;
	[tilespmem:$0xCE40] =	vst v63  }
0x41: {  	_ =	swait.ge [sflag:s15], $0x3200  }
0x42: {  	[sflag:s15] =	ssyncset.done $0x0  }
0x43: {  	[sflag:s15] =	ssyncadd.s32 $0xFFFFCE00  }
0x44: {  	_ =	swait.ge [sflag:s15], $0x3200  }
0x45: {  	[sflag:s15] =	ssyncset.done $0x0  }
0x46: {  	[sflag:s15] =	ssyncadd.s32 $0xFFFFCE00  }
0x47: {  	_ =	swait.ge [sflag:s15], $0x3200  }
0x48: {  	[sflag:s15] =	ssyncset.done $0x0  }
0x49: {  	[sflag:s15] =	ssyncadd.s32 $0xFFFFCE00  }
0x4a: {  	_ =	swait.ge [sflag:s15], $0x3200  }
0x4b: {  	[sflag:s15] =	ssyncset.done $0x0  }
0x4c: {  	s21 =	sadd.s32 s21, s5;
	[sflag:s15] =	ssyncadd.s32 $0xFFFFCE00  }
0x4d: {  	[hbm4b:s21+s16] =	stream.strided.scatter [tilespmem:s9], [sflag:$0x2], $0x3200, s17, s16, $0x38;
	[tilespmem:$0xCE40] =	vst v63  }
0x4e: {  	_ =	swait.ge [sflag:s7], $0x3200  }
0x4f: {  	[sflag:s7] =	ssyncset.done $0x0  }
0x50: {  	s22 =	sadd.s32 $0x4, s21;
	[sflag:s7] =	ssyncadd.s32 $0xFFFFCE00  }
0x51: {  	[hbm4b:s22+s16] =	stream.strided.scatter [tilespmem:s10], [sflag:$0x2], $0x3200, s17, s16, $0x38;
	[tilespmem:$0xCE40] =	vst v63  }
0x52: {  	_ =	swait.ge [sflag:s7], $0x3200  }
0x53: {  	[sflag:s7] =	ssyncset.done $0x0  }
0x54: {  	s22 =	sadd.s32 $0x8, s21;
	[sflag:s7] =	ssyncadd.s32 $0xFFFFCE00  }
0x55: {  	[hbm4b:s22+s16] =	stream.strided.scatter [tilespmem:s12], [sflag:$0x2], $0x3200, s17, s16, $0x38;
	[tilespmem:$0xCE40] =	vst v63  }
0x56: {  	_ =	swait.ge [sflag:s7], $0x3200  }
.Ltmp0:
0x57: {  	[sflag:s7] =	ssyncset.done $0x0;
	(pc) =	sbr.rel @p0 .LBB2_2-.Ltmp0, $4  }
0x58: {  	s21 =	sadd.s32 $0xC, s21;
	[sflag:s7] =	ssyncadd.s32 $0xFFFFCE00  }
0x59: {  	[hbm4b:s21+s16] =	stream.strided.scatter [tilespmem:s14], [sflag:$0x2], $0x3200, s17, s16, $0x38;
	[tilespmem:$0xCE40] =	vst v63  }
0x5a: {  	_ =	swait.ge [sflag:s7], $0x3200  }
0x5b: {  	[sflag:s7] =	ssyncset.done $0x0  }
0x5c: {  	s18 =	sadd.s32 $0x1, s18  }
0x5d: {  	p0 =	sne.s32 s18, s4  }
.Ltmp1:
0x5e: {  	_ = 	snop;
	(pc) =	sbr.rel @p0 .LBB2_1-.Ltmp1, $2  }
0x5f: {  	_ =	sdelay $0x2  }
0x60: {  	[sflag:s7] =	ssyncadd.s32 $0xFFFFCE00  }
0x61: {  	_ =	sfence.sel $0x180000  }
0x62: {  	[bflag:$0x0] =	sbarrier.arrive $0xFFFF  }
0x63: {  	p0 =	sne.s32 s1, $0x0;
	_ =	strace $0x90000047  }
0x64: {  	s0 =	sadd.s32 @!p0 $0x100000, s0;
	[bflag:$0x2] =	sbarrier.arrive $0xFFFF  }
0x65: {  	[sflag:s0] =	ssyncadd.tile.s32 @!p0 $0x1;
	_ =	shalt  }
.Lfunc_end2:
_tile_overlayer_lowered:
.L_overlay_start_2:
0x66: {  	(tag) =	ssettag $0x2  }
0x67: {  	s0 =	rddreg [dreg:$0x0];
	s2 =	stileid.u32  }
0x68: {  	s1 =	rddreg [dreg:$0x1];
	p0 =	sne.s32 s2, $0x0  }
0x69: {  	s3 =	rddreg [dreg:$0x2];
	[bflag:$0x3] =	sbarrier.arrive $0xFFFF;
	s2 =	simm.s32 @!p0 $0x1C02  }
0x6a: {  	[timem:s3], [sflag:s2] =	dma.local @!p0 [hbm:s0], s1  }
0x6b: {  	s0 =	simm.s32 @!p0 $0x2  }
0x6c: {  	_ =	swait.ge @!p0 [sflag:s0], s1  }
0x6d: {  	s1 =	ssub.s32 @!p0 $0x0, s1;
	[sflag:s0] =	ssyncset.done @!p0 $0x0  }
0x6e: {  	[sflag:s0] =	ssyncadd.s32 @!p0 s1  }
0x6f: {  	[bflag:$0x3] =	sbarrier.arrive $0xFFFF  }
0x70: {  	_ =	shalt  }

// kernel: kernel.13.cloned.1.call-start
scs
__scs_entry_jumppad:
0x0: {  	(pc) =	sbr.rel $0x88, $3  }
0x1: {  	(tag) =	ssettag $0x0;
	lr =	simm.s32 $0x1  }
0x2: {  	[smem:$0x3F9E] =	sst lr;
	_ =	strace $0xD0000000  }
0x3: {  	_ = 	snop  }
0x4: {  	_ = 	snop  }
0x5: {  	_ = 	snop  }
0x6: {  	_ = 	snop  }
0x7: {  	_ = 	snop  }
__scs_overlays_trampoline_lowered:
0x8: {  	[smem:$0x3FAD] =	sst s0  }
0x9: {  	[smem:$0x3FAE] =	sst s1  }
0xa: {  	[smem:$0x3FAF] =	sst s2  }
0xb: {  	[smem:$0x3FB0] =	sst s3  }
0xc: {  	[smem:$0x3FB1] =	sst s4  }
0xd: {  	[smem:$0x3FB2] =	sst s5  }
0xe: {  	[smem:$0x3FB3] =	sst s6  }
0xf: {  	[smem:$0x3FB4] =	sst s7  }
0x10: {  	[smem:$0x3FB5] =	sst s8  }
0x11: {  	[smem:$0x3FB6] =	sst s9;
	s0 =	simm.s32 @!p0 $0x0  }
0x12: {  	s1 =	sld [smem:$0x3F9C];
	s0 =	simm.s32 @p0 $0x1  }
0x13: {  	[smem:$0x3FB7] =	sst s0;
	s0 =	simm.s32 @!p1 $0x0  }
0x14: {  	s2 =	sld [smem:$0x3F9B];
	s0 =	simm.s32 @p1 $0x1  }
0x15: {  	[smem:$0x3FB8] =	sst s0;
	s0 =	simm.s32 @!p2 $0x0  }
0x16: {  	s3 =	sld [smem:$0x3FDB];
	s0 =	simm.s32 @p2 $0x1  }
0x17: {  	s4 =	simm.s32 $0x1BF5;
	[smem:$0x3FBA] =	sst s0  }
0x18: {  	s0 =	sld [smem:$0x3F9D];
	_ =	swait.ge [sflag:s4], $0x0  }
0x19: {  	s7 =	sld [smem:$0x3F9E]  }
0x1a: {  	s8 =	sadd.s32 $0xFFFFE003, lr  }
0x1b: {  	s9 =	sadd.s32 $0xFFFFFEF7, lr;
	s5 =	simm.s32 $0xFFFFFFFF;
	p2 =	slt.u32 s8, $0xFFFFF086  }
0x1c: {  	p1 =	slt.u32 s9, $0xF7A;
	s5 =	simm.s32 @!p2 $0x0  }
0x1d: {  	s5 =	simm.s32 @p1 $0x1;
	p0 =	seq.s32 s7, s2  }
0x1e: {  	s7 =	smul.u32 @!p0 $0xF7A, s2;
	p2 =	seq.s32 @!p0 s5, $0x0  }
0x1f: {  	s9 =	smul.u32 $0xF7A, s1;
	s8 =	simm.s32 @!p0 $0x1BF5;
	p2 =	por !p2, p0  }
0x20: {  	[sflag:s8] =	ssyncset.s32 @!p0 $0xFFFFF086;
	s6 =	sadd.s32 @!p0 s3, s7;
	s7 =	simm.s32 @!p0 $0x108  }
0x21: {  	s3 =	sadd.s32 s3, s9;
	s6 =	sadd.s32 @!p0 $0x88, s6;
	s7 =	simm.s32 @p2 $0x1082  }
0x22: {  	[simem:s7], [sflag:s8] =	dma.local @!p0 [hbm:s6], $0xF7A  }
0x23: {  	s9 =	sor.u32 $0xD0000000, s2;
	s6 =	simm.s32 $0x108;
	_ =	swait.ge @!p0 [sflag:s8], $0x0  }
0x24: {  	s3 =	sadd.s32 $0x88, s3;
	s6 =	simm.s32 @!p1 $0x1082;
	[sflag:s4] =	ssyncset.s32 $0xFFFFF086  }
0x25: {  	[simem:s6], [sflag:s4] =	dma.local [hbm:s3], $0xF7A  }
0x26: {  	[smem:$0x3F9E] =	sst s1;
	(tag) =	ssettag s2;
	_ =	strace s9  }
0x27: {  	s1 =	sld [smem:$0x3FAE]  }
0x28: {  	s2 =	sld [smem:$0x3FAF]  }
0x29: {  	s4 =	sld [smem:$0x3FB1]  }
0x2a: {  	p0 =	seq.s32 s5, $0x0;
	s5 =	sld [smem:$0x3FB2]  }
0x2b: {  	s6 =	sld [smem:$0x3FB3]  }
0x2c: {  	s7 =	sld [smem:$0x3FB4]  }
0x2d: {  	s3 =	simm.s32 $0x108;
	s8 =	sld [smem:$0x3FB5]  }
0x2e: {  	s3 =	simm.s32 @!p0 $0x1082;
	s9 =	sld [smem:$0x3FB6]  }
0x2f: {  	lr =	sadd.s32 s0, s3;
	s0 =	sld [smem:$0x3FAD]  }
0x30: {  	s3 =	sld [smem:$0x3FB0]  }
0x31: {  	[smem:$0x3FB9] =	sst s10  }
0x32: {  	s10 =	sld [smem:$0x3FB7];
	_ =	sdelay $0x3  }
0x33: {  	p0 =	seq.s32 s10, $0x1;
	s10 =	sld [smem:$0x3FB9];
	_ =	sdelay $0x3  }
0x34: {  	[smem:$0x3FB9] =	sst s10  }
0x35: {  	s10 =	sld [smem:$0x3FB8];
	_ =	sdelay $0x3  }
0x36: {  	p1 =	seq.s32 s10, $0x1;
	s10 =	sld [smem:$0x3FB9];
	_ =	sdelay $0x3  }
0x37: {  	[smem:$0x3FB9] =	sst s10  }
0x38: {  	s10 =	sld [smem:$0x3FBA]  }
0x39: {  	_ = 	snop;
	(pc) =	sbr.ind lr, $3  }
0x3a: {  	_ = 	snop  }
0x3b: {  	_ = 	snop  }
0x3c: {  	p2 =	seq.s32 s10, $0x1;
	s10 =	sld [smem:$0x3FB9]  }
0x3d: {  	_ =	shalt  }
0x3e: {  	_ =	shalt  }
0x3f: {  	_ =	shalt  }
0x40: {  	_ =	shalt  }
0x41: {  	_ =	shalt  }
0x42: {  	_ =	shalt  }
0x43: {  	_ =	shalt  }
0x44: {  	_ =	shalt  }
0x45: {  	_ =	shalt  }
0x46: {  	_ =	shalt  }
0x47: {  	_ =	shalt  }
0x48: {  	_ =	shalt  }
0x49: {  	_ =	shalt  }
0x4a: {  	_ =	shalt  }
0x4b: {  	_ =	shalt  }
0x4c: {  	_ =	shalt  }
0x4d: {  	_ =	shalt  }
0x4e: {  	_ =	shalt  }
0x4f: {  	_ =	shalt  }
0x50: {  	_ =	shalt  }
0x51: {  	_ =	shalt  }
0x52: {  	_ =	shalt  }
0x53: {  	_ =	shalt  }
0x54: {  	_ =	shalt  }
0x55: {  	_ =	shalt  }
0x56: {  	_ =	shalt  }
0x57: {  	_ =	shalt  }
0x58: {  	_ =	shalt  }
0x59: {  	_ =	shalt  }
0x5a: {  	_ =	shalt  }
0x5b: {  	_ =	shalt  }
0x5c: {  	_ =	shalt  }
0x5d: {  	_ =	shalt  }
0x5e: {  	_ =	shalt  }
0x5f: {  	_ =	shalt  }
0x60: {  	_ =	shalt  }
0x61: {  	_ =	shalt  }
0x62: {  	_ =	shalt  }
0x63: {  	_ =	shalt  }
0x64: {  	_ =	shalt  }
0x65: {  	_ =	shalt  }
0x66: {  	_ =	shalt  }
0x67: {  	_ =	shalt  }
0x68: {  	_ =	shalt  }
0x69: {  	_ =	shalt  }
0x6a: {  	_ =	shalt  }
0x6b: {  	_ =	shalt  }
0x6c: {  	_ =	shalt  }
0x6d: {  	_ =	shalt  }
0x6e: {  	_ =	shalt  }
0x6f: {  	_ =	shalt  }
0x70: {  	_ =	shalt  }
0x71: {  	_ =	shalt  }
0x72: {  	_ =	shalt  }
0x73: {  	_ =	shalt  }
0x74: {  	_ =	shalt  }
0x75: {  	_ =	shalt  }
0x76: {  	_ =	shalt  }
0x77: {  	_ =	shalt  }
0x78: {  	_ =	shalt  }
0x79: {  	_ =	shalt  }
0x7a: {  	_ =	shalt  }
0x7b: {  	_ =	shalt  }
0x7c: {  	_ =	shalt  }
0x7d: {  	_ =	shalt  }
0x7e: {  	_ =	shalt  }
0x7f: {  	_ =	shalt  }
0x80: {  	_ =	shalt  }
0x81: {  	_ =	shalt  }
0x82: {  	_ =	shalt  }
0x83: {  	_ =	shalt  }
0x84: {  	_ =	shalt  }
0x85: {  	_ =	shalt  }
0x86: {  	_ =	shalt  }
0x87: {  	_ =	shalt  }
.Lfunc_end0:
.L_simem_size_0:
called_computation.1_lowered:
.L_overlay_start_0:
0x88: {  	s2 =	sld [smem:$0x3FD9]  }
0x89: {  	s3 =	sld [smem:$0x3FFE];
	_ =	sdelay $0x1  }
0x8a: {  	s1 =	srdreg.scid  }
0x8b: {  	s0 =	sand.u32 $0x1, s1  }
0x8c: {  	s17 =	sshll.u32 s0, $0xA;
	s2 =	sadd.s32 s3, s2  }
0x8d: {  	s2 =	sadd.s32 s2, s17  }
0x8e: {  	[smem:$0x3FC5] =	sst s2  }
0x8f: {  	_ = 	snop  }
0x90: {  	(tm) =	ssettm $0x1  }
0x91: {  	s18 =	sld [smem:$0x3FFB];
	_ =	sdelay $0x3  }
0x92: {  	_ =	strace s18  }
0x93: {  	s2 =	sld [smem:$0x3FFC];
	_ =	sdelay $0x3  }
0x94: {  	_ =	strace s2  }
0x95: {  	s2 =	sld [smem:$0x3FFD];
	_ =	sdelay $0x3  }
0x96: {  	_ =	strace s2  }
0x97: {  	_ =	strace $0x8FFFFFFF  }
0x98: {  	s19 =	sld [smem:$0x3FDB];
	_ =	sdelay $0x1  }
0x99: {  	s20 =	simm.s32 $_scs_section_size  }
0x9a: {  	s4 =	simm.s32 $_size__tile_overlayer_lowered;
	s5 =	simm.s32 $_tile_overlayer_lowered  }
0x9b: {  	s6 =	simm.s32 $0x1BFF;
	s21 =	sshll.u32 s5, $0x1;
	s3 =	sadd.s32 s20, s19  }
0x9c: {  	s22 =	simm.s32 $0x0;
	s4 =	sshll.u32 s4, $0x1;
	s5 =	sadd.s32 s21, s3  }
0x9d: {  	[timem:s22], [sflag:s6] =	dma.local [hbm:s5], s4  }
0x9e: {  	_ =	swait.ge [sflag:s6], s4  }
0x9f: {  	s4 =	ssub.s32 $0x0, s4;
	[sflag:s6] =	ssyncset.done $0x0  }
0xa0: {  	[sflag:s6] =	ssyncadd.s32 s4;
	_ =	sdelay $0x1  }
0xa1: {  	s23 =	simm.s32 $0x1B8B  }
0xa2: {  	_ =	swait.ge [sflag:s23], $0x1  }
0xa3: {  	[sflag:s23] =	ssyncset.done $0x0  }
0xa4: {  	[sflag:s23] =	ssyncadd.s32 $0xFFFFFFFF  }
0xa5: {  	s4 =	sld [smem:$0x0]  }
0xa6: {  	s5 =	sand.u32 $0xFFFFFFFE, s1  }
0xa7: {  	p0 =	sne.s32 s1, s5  }
0xa8: {  	s5 =	sshll.u32 @p0 s5, $0xE  }
0xa9: {  	s5 =	sadd.s32 @p0 $0x11B8D, s5;
	s6 =	sshll.u32 @p0 s4, $0x11  }
0xaa: {  	s5 =	sor.u32 @p0 s6, s5  }
0xab: {  	[sflag:s5] =	ssyncadd.remote.s32 @p0 $0x1;
	_ =	sdelay $0x1  }
0xac: {  	s5 =	simm.s32 @p0 $0x1B8D  }
0xad: {  	_ =	swait.eq @p0 [sflag:s5], $0x1  }
0xae: {  	[sflag:s5] =	ssyncadd.s32 @p0 $0xFFFFFFFF  }
0xaf: {  	s6 =	sshll.u32 @!p0 s1, $0xE  }
0xb0: {  	s6 =	sor.u32 @!p0 $0x4000, s6;
	s5 =	simm.s32 @!p0 $0x1B8D  }
0xb1: {  	s4 =	sshll.u32 @!p0 s4, $0x11;
	s6 =	sadd.s32 @!p0 $0x11B8D, s6;
	_ =	swait.eq @!p0 [sflag:s5], $0x1  }
0xb2: {  	s4 =	sor.u32 @!p0 s4, s6;
	[sflag:s5] =	ssyncadd.s32 @!p0 $0xFFFFFFFF  }
0xb3: {  	s25 =	simm.s32 $0x1B8E;
	s24 =	sld [smem:$0x3FFE];
	[sflag:s4] =	ssyncadd.remote.s32 @!p0 $0x1  }
0xb4: {  	s26 =	simm.s32 $execute0_lowered;
	[smem:$0x3FD2] =	sst s25  }
0xb5: {  	s5 =	sshll.u32 s26, $0x1;
	_ =	strace $0x80000049;
	[dreg:$0x1] =	wrdreg $0xFFFFFFFF  }
0xb6: {  	s28 =	simm.s32 $_size_execute0_lowered;
	s3 =	sadd.s32 s3, s5;
	[dreg:$0x0] =	wrdreg $0x0  }
0xb7: {  	s5 =	sshll.u32 s28, $0x1;
	[dreg:$0x2] =	wrdreg s3  }
0xb8: {  	[dreg:$0x3] =	wrdreg s5  }
0xb9: {  	[dreg:$0x4] =	wrdreg $0xC0  }
0xba: {  	_ =	task [dreg:s22], $0x5FFFF  }
0xbb: {  	[dreg:$0x1] =	wrdreg $0xFFFFFFFF  }
0xbc: {  	[dreg:$0x0] =	wrdreg $0x60  }
0xbd: {  	[dreg:$0x2] =	wrdreg s24  }
0xbe: {  	[dreg:$0x3] =	wrdreg $0xA  }
0xbf: {  	_ =	task.clear_ibuf [dreg:s22], $0x4FFFF;
	_ =	strace $0x90000049  }
0xc0: {  	s29 =	simm.s32 $0xA;
	_ =	strace $0x8000004B  }
0xc1: {  	_ =	swait.ge [sflag:s29], $0x1  }
0xc2: {  	[sflag:s29] =	ssyncadd.s32 $0xFFFFFFFF  }
0xc3: {  	_ =	strace $0x9000004B  }
0xc4: {  	_ =	sfence  }
0xc5: {  	s30 =	sld [smem:$0x0];
	_ =	sdelay $0x2  }
0xc6: {  	s31 =	sshll.u32 s1, $0xD;
	s1 =	sshrl.u32 s1, $0x2  }
0xc7: {  	s4 =	sand.u32 $0x4000, s31;
	s1 =	sadd.s32 s1, s30  }
0xc8: {  	s0 =	sor.u32 s4, s0;
	s1 =	sshll.u32 s1, $0x11  }
0xc9: {  	s0 =	sor.u32 s1, s0  }
0xca: {  	s0 =	sadd.s32 $0x8F2B, s0  }
0xcb: {  	[sflag:s0] =	ssyncadd.remote.s32 $0x1  }
0xcc: {  	_ =	sfence.sel $0xFFFF  }
0xcd: {  	[dreg:$0x0] =	wrdreg $0xFFFFFFFF;
	(pc) =	sbr.abs _section_cstart, $3  }
0xce: {  	[dreg:$0x1] =	wrdreg $0xFFFFFFFF  }
0xcf: {  	_ =	task.clear_ibuf [dreg:s22], $0x2FFFF;
	_ =	strace $0x9FFFFFFF  }
0xd0: {  	(tm) =	ssettm $0x7FFFFFFF  }
0xd1: {  	_ =	shalt  }
tec
execute0_lowered:
.L_overlay_start_1:
0x0: {  	(tag) =	ssettag $0x1  }
0x1: {  	s4 =	rddreg [dreg:$0x0]  }
0x2: {  	s0 =	rddreg [dreg:$0x1];
	s2 =	simm.s32 $0x0  }
0x3: {  	s3 =	srdreg.scid;
	s1 =	stileid.u32;
	s10 =	simm.s32 $0x3840  }
0x4: {  	s11 =	simm.s32 $0x320;
	s12 =	simm.s32 $0x6A40;
	s13 =	simm.s32 $0x4B0  }
0x5: {  	s14 =	simm.s32 $0x9C40;
	s15 =	simm.s32 $0x1;
	s16 =	simm.s32 $0x20  }
0x6: {  	s17 =	simm.s32 $0x80;
	s18 =	simm.s32 $0x0;
	s6 =	smul.u32 $0x3200, s1  }
0x7: {  	[smem:$0x7FF] =	sst s2;
	s5 =	sand.u32 $0x1, s3;
	s8 =	smul.u32 $0xC800, s1  }
0x8: {  	s3 =	sadd.s32 $0xF43A00, s4;
	s7 =	smul.u32 $0x1900, s5;
	s30 =	ssub.s32 $0x2, s5  }
0x9: {  	_ =	strace $0x8000004A;
	s5 =	smul.u32 $0x6400, s5;
	s9 =	sshrl.u32 s30, $0x1  }
0xa: {  	s8 =	sadd.s32 s8, s4;
	s6 =	sadd.s32 s7, s6;
	s31 =	ssub.s32 s30, s9  }
0xb: {  	s5 =	sadd.s32 s5, s8;
	s7 =	simm.s32 $0x2;
	s6 =	sshrl.u32 s6, $0x3  }
0xc: {  	s8 =	simm.s32 $0x190;
	s9 =	simm.s32 $0x640;
	s6 =	sadd.s32 s6, s4  }
0xd: {  	s5 =	sadd.s32 $0xDC200, s5;
	s4 =	smax.u32 s31, $0x1;
	s6 =	sadd.s32 $0xC9600, s6  }
.LBB2_1:
0xe: {  	[tilespmem:s2], [sflag:$0x2] =	stream.linear.gather [hbm4b:s6+s2], $0x640, $0x38;
	[tilespmem:$0xCE40] =	vst v63  }
0xf: {  	_ =	swait.ge [sflag:s7], $0x640  }
0x10: {  	[sflag:s7] =	ssyncset.done $0x0  }
0x11: {  	[sflag:s7] =	ssyncadd.s32 $0xFFFFF9C0  }
0x12: {  	[tilespmem:s9], [sflag:$0x1] =	stream.indirect.gather [hbm4b:s3+s8], $0x20, s2, s8, $0xb8;
	[tilespmem:$0xCE40] =	vst v63  }
0x13: {  	_ = 	snop  }
0x14: {  	[tilespmem:s10], [sflag:$0x1] =	stream.indirect.gather [hbm4b:s3+s8], $0x20, s8, s8, $0xb8;
	[tilespmem:$0xCE40] =	vst v63  }
0x15: {  	_ = 	snop  }
0x16: {  	[tilespmem:s12], [sflag:$0x1] =	stream.indirect.gather [hbm4b:s3+s8], $0x20, s11, s8, $0xb8;
	[tilespmem:$0xCE40] =	vst v63  }
0x17: {  	_ = 	snop  }
0x18: {  	[tilespmem:s14], [sflag:$0x1] =	stream.indirect.gather [hbm4b:s3+s8], $0x20, s13, s8, $0xb8;
	[tilespmem:$0xCE40] =	vst v63  }
0x19: {  	_ =	swait.ge [sflag:s15], $0x3200  }
0x1a: {  	[sflag:s15] =	ssyncset.done $0x0  }
0x1b: {  	[sflag:s15] =	ssyncadd.s32 $0xFFFFCE00  }
0x1c: {  	_ =	swait.ge [sflag:s15], $0x3200  }
0x1d: {  	[sflag:s15] =	ssyncset.done $0x0  }
0x1e: {  	[sflag:s15] =	ssyncadd.s32 $0xFFFFCE00  }
0x1f: {  	_ =	swait.ge [sflag:s15], $0x3200  }
0x20: {  	[sflag:s15] =	ssyncset.done $0x0  }
0x21: {  	[sflag:s15] =	ssyncadd.s32 $0xFFFFCE00  }
0x22: {  	_ =	swait.ge [sflag:s15], $0x3200  }
0x23: {  	[sflag:s15] =	ssyncset.done $0x0  }
0x24: {  	s19 =	sadd.s32 $0x0, s5;
	[sflag:s15] =	ssyncadd.s32 $0xFFFFCE00  }
0x25: {  	[hbm4b:s19+s16] =	stream.strided.scatter [tilespmem:s9], [sflag:$0x2], $0x3200, s17, s16, $0x38;
	[tilespmem:$0xCE40] =	vst v63  }
0x26: {  	_ =	swait.ge [sflag:s7], $0x3200  }
0x27: {  	[sflag:s7] =	ssyncset.done $0x0  }
0x28: {  	s20 =	sadd.s32 $0x4, s19;
	[sflag:s7] =	ssyncadd.s32 $0xFFFFCE00  }
0x29: {  	[hbm4b:s20+s16] =	stream.strided.scatter [tilespmem:s10], [sflag:$0x2], $0x3200, s17, s16, $0x38;
	[tilespmem:$0xCE40] =	vst v63  }
0x2a: {  	_ =	swait.ge [sflag:s7], $0x3200  }
0x2b: {  	[sflag:s7] =	ssyncset.done $0x0  }
0x2c: {  	s31 =	sadd.s32 $0x8, s19;
	[sflag:s7] =	ssyncadd.s32 $0xFFFFCE00  }
0x2d: {  	[hbm4b:s31+s16] =	stream.strided.scatter [tilespmem:s12], [sflag:$0x2], $0x3200, s17, s16, $0x38;
	[tilespmem:$0xCE40] =	vst v63  }
0x2e: {  	_ =	swait.ge [sflag:s7], $0x3200  }
0x2f: {  	[sflag:s7] =	ssyncset.done $0x0  }
0x30: {  	s19 =	sadd.s32 $0xC, s19;
	[sflag:s7] =	ssyncadd.s32 $0xFFFFCE00  }
0x31: {  	[hbm4b:s19+s16] =	stream.strided.scatter [tilespmem:s14], [sflag:$0x2], $0x3200, s17, s16, $0x38;
	[tilespmem:$0xCE40] =	vst v63  }
0x32: {  	_ =	swait.ge [sflag:s7], $0x3200  }
0x33: {  	s20 =	smov.u32 s6;
	s19 =	simm.s32 $0x1900;
	[sflag:s7] =	ssyncset.done $0x0  }
.LBB2_2:
0x34: {  	p0 =	sne.s32 s19, $0x4B00;
	[sflag:s7] =	ssyncadd.s32 $0xFFFFCE00;
	s20 =	sadd.s32 $0xC8, s20  }
0x35: {  	[tilespmem:s2], [sflag:$0x2] =	stream.linear.gather [hbm4b:s20+s2], $0x640, $0x38;
	[tilespmem:$0xCE40] =	vst v63  }
0x36: {  	s21 =	smov.u32 s19;
	s19 =	sadd.s32 $0x1900, s19;
	_ =	swait.ge [sflag:s7], $0x640  }
0x37: {  	[sflag:s7] =	ssyncset.done $0x0  }
0x38: {  	[sflag:s7] =	ssyncadd.s32 $0xFFFFF9C0  }
0x39: {  	[tilespmem:s9], [sflag:$0x1] =	stream.indirect.gather [hbm4b:s3+s8], $0x20, s2, s8, $0xb8;
	[tilespmem:$0xCE40] =	vst v63  }
0x3a: {  	_ = 	snop  }
0x3b: {  	[tilespmem:s10], [sflag:$0x1] =	stream.indirect.gather [hbm4b:s3+s8], $0x20, s8, s8, $0xb8;
	[tilespmem:$0xCE40] =	vst v63  }
0x3c: {  	_ = 	snop  }
0x3d: {  	[tilespmem:s12], [sflag:$0x1] =	stream.indirect.gather [hbm4b:s3+s8], $0x20, s11, s8, $0xb8;
	[tilespmem:$0xCE40] =	vst v63  }
0x3e: {  	_ = 	snop  }
0x3f: {  	[tilespmem:s14], [sflag:$0x1] =	stream.indirect.gather [hbm4b:s3+s8], $0x20, s13, s8, $0xb8;
	[tilespmem:$0xCE40] =	vst v63  }
0x40: {  	_ =	swait.ge [sflag:s15], $0x3200  }
0x41: {  	[sflag:s15] =	ssyncset.done $0x0  }
0x42: {  	[sflag:s15] =	ssyncadd.s32 $0xFFFFCE00  }
0x43: {  	_ =	swait.ge [sflag:s15], $0x3200  }
0x44: {  	[sflag:s15] =	ssyncset.done $0x0  }
0x45: {  	[sflag:s15] =	ssyncadd.s32 $0xFFFFCE00  }
0x46: {  	_ =	swait.ge [sflag:s15], $0x3200  }
0x47: {  	[sflag:s15] =	ssyncset.done $0x0  }
0x48: {  	[sflag:s15] =	ssyncadd.s32 $0xFFFFCE00  }
0x49: {  	_ =	swait.ge [sflag:s15], $0x3200  }
0x4a: {  	[sflag:s15] =	ssyncset.done $0x0  }
0x4b: {  	s21 =	sadd.s32 s21, s5;
	[sflag:s15] =	ssyncadd.s32 $0xFFFFCE00  }
0x4c: {  	[hbm4b:s21+s16] =	stream.strided.scatter [tilespmem:s9], [sflag:$0x2], $0x3200, s17, s16, $0x38;
	[tilespmem:$0xCE40] =	vst v63  }
0x4d: {  	_ =	swait.ge [sflag:s7], $0x3200  }
0x4e: {  	[sflag:s7] =	ssyncset.done $0x0  }
0x4f: {  	s22 =	sadd.s32 $0x4, s21;
	[sflag:s7] =	ssyncadd.s32 $0xFFFFCE00  }
0x50: {  	[hbm4b:s22+s16] =	stream.strided.scatter [tilespmem:s10], [sflag:$0x2], $0x3200, s17, s16, $0x38;
	[tilespmem:$0xCE40] =	vst v63  }
0x51: {  	_ =	swait.ge [sflag:s7], $0x3200  }
0x52: {  	[sflag:s7] =	ssyncset.done $0x0  }
0x53: {  	s22 =	sadd.s32 $0x8, s21;
	[sflag:s7] =	ssyncadd.s32 $0xFFFFCE00  }
0x54: {  	[hbm4b:s22+s16] =	stream.strided.scatter [tilespmem:s12], [sflag:$0x2], $0x3200, s17, s16, $0x38;
	[tilespmem:$0xCE40] =	vst v63  }
0x55: {  	_ =	swait.ge [sflag:s7], $0x3200  }
.Ltmp0:
0x56: {  	[sflag:s7] =	ssyncset.done $0x0;
	(pc) =	sbr.rel @p0 .LBB2_2-.Ltmp0, $4  }
0x57: {  	s21 =	sadd.s32 $0xC, s21;
	[sflag:s7] =	ssyncadd.s32 $0xFFFFCE00  }
0x58: {  	[hbm4b:s21+s16] =	stream.strided.scatter [tilespmem:s14], [sflag:$0x2], $0x3200, s17, s16, $0x38;
	[tilespmem:$0xCE40] =	vst v63  }
0x59: {  	_ =	swait.ge [sflag:s7], $0x3200  }
0x5a: {  	[sflag:s7] =	ssyncset.done $0x0  }
0x5b: {  	s18 =	sadd.s32 $0x1, s18  }
0x5c: {  	p0 =	sne.s32 s18, s4  }
.Ltmp1:
0x5d: {  	_ = 	snop;
	(pc) =	sbr.rel @p0 .LBB2_1-.Ltmp1, $2  }
0x5e: {  	_ =	sdelay $0x2  }
0x5f: {  	[sflag:s7] =	ssyncadd.s32 $0xFFFFCE00  }
0x60: {  	_ =	sfence.sel $0x180000  }
0x61: {  	[bflag:$0x0] =	sbarrier.arrive $0xFFFF  }
0x62: {  	p0 =	sne.s32 s1, $0x0;
	_ =	strace $0x9000004A  }
0x63: {  	s0 =	sadd.s32 @!p0 $0x100000, s0;
	[bflag:$0x2] =	sbarrier.arrive $0xFFFF  }
0x64: {  	[sflag:s0] =	ssyncadd.tile.s32 @!p0 $0x1;
	_ =	shalt  }
.Lfunc_end2:
_tile_overlayer_lowered:
.L_overlay_start_2:
0x65: {  	(tag) =	ssettag $0x2  }
0x66: {  	s0 =	rddreg [dreg:$0x0];
	s2 =	stileid.u32  }
0x67: {  	s1 =	rddreg [dreg:$0x1];
	p0 =	sne.s32 s2, $0x0  }
0x68: {  	s3 =	rddreg [dreg:$0x2];
	[bflag:$0x3] =	sbarrier.arrive $0xFFFF;
	s2 =	simm.s32 @!p0 $0x1C02  }
0x69: {  	[timem:s3], [sflag:s2] =	dma.local @!p0 [hbm:s0], s1  }
0x6a: {  	s0 =	simm.s32 @!p0 $0x2  }
0x6b: {  	_ =	swait.ge @!p0 [sflag:s0], s1  }
0x6c: {  	s1 =	ssub.s32 @!p0 $0x0, s1;
	[sflag:s0] =	ssyncset.done @!p0 $0x0  }
0x6d: {  	[sflag:s0] =	ssyncadd.s32 @!p0 s1  }
0x6e: {  	[bflag:$0x3] =	sbarrier.arrive $0xFFFF  }
0x6f: {  	_ =	shalt  }

// kernel: kernel.16.cloned.1.call-start
scs
__scs_entry_jumppad:
0x0: {  	(pc) =	sbr.rel $0x88, $3  }
0x1: {  	(tag) =	ssettag $0x0;
	lr =	simm.s32 $0x1  }
0x2: {  	[smem:$0x3F9E] =	sst lr;
	_ =	strace $0xD0000000  }
0x3: {  	_ = 	snop  }
0x4: {  	_ = 	snop  }
0x5: {  	_ = 	snop  }
0x6: {  	_ = 	snop  }
0x7: {  	_ = 	snop  }
__scs_overlays_trampoline_lowered:
0x8: {  	[smem:$0x3FAD] =	sst s0  }
0x9: {  	[smem:$0x3FAE] =	sst s1  }
0xa: {  	[smem:$0x3FAF] =	sst s2  }
0xb: {  	[smem:$0x3FB0] =	sst s3  }
0xc: {  	[smem:$0x3FB1] =	sst s4  }
0xd: {  	[smem:$0x3FB2] =	sst s5  }
0xe: {  	[smem:$0x3FB3] =	sst s6  }
0xf: {  	[smem:$0x3FB4] =	sst s7  }
0x10: {  	[smem:$0x3FB5] =	sst s8  }
0x11: {  	[smem:$0x3FB6] =	sst s9;
	s0 =	simm.s32 @!p0 $0x0  }
0x12: {  	s1 =	sld [smem:$0x3F9C];
	s0 =	simm.s32 @p0 $0x1  }
0x13: {  	[smem:$0x3FB7] =	sst s0;
	s0 =	simm.s32 @!p1 $0x0  }
0x14: {  	s2 =	sld [smem:$0x3F9B];
	s0 =	simm.s32 @p1 $0x1  }
0x15: {  	[smem:$0x3FB8] =	sst s0;
	s0 =	simm.s32 @!p2 $0x0  }
0x16: {  	s3 =	sld [smem:$0x3FDB];
	s0 =	simm.s32 @p2 $0x1  }
0x17: {  	s4 =	simm.s32 $0x1BF5;
	[smem:$0x3FBA] =	sst s0  }
0x18: {  	s0 =	sld [smem:$0x3F9D];
	_ =	swait.ge [sflag:s4], $0x0  }
0x19: {  	s7 =	sld [smem:$0x3F9E]  }
0x1a: {  	s8 =	sadd.s32 $0xFFFFE003, lr  }
0x1b: {  	s9 =	sadd.s32 $0xFFFFFEF7, lr;
	s5 =	simm.s32 $0xFFFFFFFF;
	p2 =	slt.u32 s8, $0xFFFFF086  }
0x1c: {  	p1 =	slt.u32 s9, $0xF7A;
	s5 =	simm.s32 @!p2 $0x0  }
0x1d: {  	s5 =	simm.s32 @p1 $0x1;
	p0 =	seq.s32 s7, s2  }
0x1e: {  	s7 =	smul.u32 @!p0 $0xF7A, s2;
	p2 =	seq.s32 @!p0 s5, $0x0  }
0x1f: {  	s9 =	smul.u32 $0xF7A, s1;
	s8 =	simm.s32 @!p0 $0x1BF5;
	p2 =	por !p2, p0  }
0x20: {  	[sflag:s8] =	ssyncset.s32 @!p0 $0xFFFFF086;
	s6 =	sadd.s32 @!p0 s3, s7;
	s7 =	simm.s32 @!p0 $0x108  }
0x21: {  	s3 =	sadd.s32 s3, s9;
	s6 =	sadd.s32 @!p0 $0x88, s6;
	s7 =	simm.s32 @p2 $0x1082  }
0x22: {  	[simem:s7], [sflag:s8] =	dma.local @!p0 [hbm:s6], $0xF7A  }
0x23: {  	s9 =	sor.u32 $0xD0000000, s2;
	s6 =	simm.s32 $0x108;
	_ =	swait.ge @!p0 [sflag:s8], $0x0  }
0x24: {  	s3 =	sadd.s32 $0x88, s3;
	s6 =	simm.s32 @!p1 $0x1082;
	[sflag:s4] =	ssyncset.s32 $0xFFFFF086  }
0x25: {  	[simem:s6], [sflag:s4] =	dma.local [hbm:s3], $0xF7A  }
0x26: {  	[smem:$0x3F9E] =	sst s1;
	(tag) =	ssettag s2;
	_ =	strace s9  }
0x27: {  	s1 =	sld [smem:$0x3FAE]  }
0x28: {  	s2 =	sld [smem:$0x3FAF]  }
0x29: {  	s4 =	sld [smem:$0x3FB1]  }
0x2a: {  	p0 =	seq.s32 s5, $0x0;
	s5 =	sld [smem:$0x3FB2]  }
0x2b: {  	s6 =	sld [smem:$0x3FB3]  }
0x2c: {  	s7 =	sld [smem:$0x3FB4]  }
0x2d: {  	s3 =	simm.s32 $0x108;
	s8 =	sld [smem:$0x3FB5]  }
0x2e: {  	s3 =	simm.s32 @!p0 $0x1082;
	s9 =	sld [smem:$0x3FB6]  }
0x2f: {  	lr =	sadd.s32 s0, s3;
	s0 =	sld [smem:$0x3FAD]  }
0x30: {  	s3 =	sld [smem:$0x3FB0]  }
0x31: {  	[smem:$0x3FB9] =	sst s10  }
0x32: {  	s10 =	sld [smem:$0x3FB7];
	_ =	sdelay $0x3  }
0x33: {  	p0 =	seq.s32 s10, $0x1;
	s10 =	sld [smem:$0x3FB9];
	_ =	sdelay $0x3  }
0x34: {  	[smem:$0x3FB9] =	sst s10  }
0x35: {  	s10 =	sld [smem:$0x3FB8];
	_ =	sdelay $0x3  }
0x36: {  	p1 =	seq.s32 s10, $0x1;
	s10 =	sld [smem:$0x3FB9];
	_ =	sdelay $0x3  }
0x37: {  	[smem:$0x3FB9] =	sst s10  }
0x38: {  	s10 =	sld [smem:$0x3FBA]  }
0x39: {  	_ = 	snop;
	(pc) =	sbr.ind lr, $3  }
0x3a: {  	_ = 	snop  }
0x3b: {  	_ = 	snop  }
0x3c: {  	p2 =	seq.s32 s10, $0x1;
	s10 =	sld [smem:$0x3FB9]  }
0x3d: {  	_ =	shalt  }
0x3e: {  	_ =	shalt  }
0x3f: {  	_ =	shalt  }
0x40: {  	_ =	shalt  }
0x41: {  	_ =	shalt  }
0x42: {  	_ =	shalt  }
0x43: {  	_ =	shalt  }
0x44: {  	_ =	shalt  }
0x45: {  	_ =	shalt  }
0x46: {  	_ =	shalt  }
0x47: {  	_ =	shalt  }
0x48: {  	_ =	shalt  }
0x49: {  	_ =	shalt  }
0x4a: {  	_ =	shalt  }
0x4b: {  	_ =	shalt  }
0x4c: {  	_ =	shalt  }
0x4d: {  	_ =	shalt  }
0x4e: {  	_ =	shalt  }
0x4f: {  	_ =	shalt  }
0x50: {  	_ =	shalt  }
0x51: {  	_ =	shalt  }
0x52: {  	_ =	shalt  }
0x53: {  	_ =	shalt  }
0x54: {  	_ =	shalt  }
0x55: {  	_ =	shalt  }
0x56: {  	_ =	shalt  }
0x57: {  	_ =	shalt  }
0x58: {  	_ =	shalt  }
0x59: {  	_ =	shalt  }
0x5a: {  	_ =	shalt  }
0x5b: {  	_ =	shalt  }
0x5c: {  	_ =	shalt  }
0x5d: {  	_ =	shalt  }
0x5e: {  	_ =	shalt  }
0x5f: {  	_ =	shalt  }
0x60: {  	_ =	shalt  }
0x61: {  	_ =	shalt  }
0x62: {  	_ =	shalt  }
0x63: {  	_ =	shalt  }
0x64: {  	_ =	shalt  }
0x65: {  	_ =	shalt  }
0x66: {  	_ =	shalt  }
0x67: {  	_ =	shalt  }
0x68: {  	_ =	shalt  }
0x69: {  	_ =	shalt  }
0x6a: {  	_ =	shalt  }
0x6b: {  	_ =	shalt  }
0x6c: {  	_ =	shalt  }
0x6d: {  	_ =	shalt  }
0x6e: {  	_ =	shalt  }
0x6f: {  	_ =	shalt  }
0x70: {  	_ =	shalt  }
0x71: {  	_ =	shalt  }
0x72: {  	_ =	shalt  }
0x73: {  	_ =	shalt  }
0x74: {  	_ =	shalt  }
0x75: {  	_ =	shalt  }
0x76: {  	_ =	shalt  }
0x77: {  	_ =	shalt  }
0x78: {  	_ =	shalt  }
0x79: {  	_ =	shalt  }
0x7a: {  	_ =	shalt  }
0x7b: {  	_ =	shalt  }
0x7c: {  	_ =	shalt  }
0x7d: {  	_ =	shalt  }
0x7e: {  	_ =	shalt  }
0x7f: {  	_ =	shalt  }
0x80: {  	_ =	shalt  }
0x81: {  	_ =	shalt  }
0x82: {  	_ =	shalt  }
0x83: {  	_ =	shalt  }
0x84: {  	_ =	shalt  }
0x85: {  	_ =	shalt  }
0x86: {  	_ =	shalt  }
0x87: {  	_ =	shalt  }
.Lfunc_end0:
.L_simem_size_0:
called_computation.2_lowered:
.L_overlay_start_0:
0x88: {  	s2 =	sld [smem:$0x3FD9]  }
0x89: {  	s3 =	sld [smem:$0x3FFE];
	_ =	sdelay $0x1  }
0x8a: {  	s1 =	srdreg.scid  }
0x8b: {  	s0 =	sand.u32 $0x1, s1  }
0x8c: {  	s17 =	sshll.u32 s0, $0xA;
	s2 =	sadd.s32 s3, s2  }
0x8d: {  	s2 =	sadd.s32 s2, s17  }
0x8e: {  	[smem:$0x3FC5] =	sst s2  }
0x8f: {  	_ = 	snop  }
0x90: {  	(tm) =	ssettm $0x1  }
0x91: {  	s18 =	sld [smem:$0x3FFB];
	_ =	sdelay $0x3  }
0x92: {  	_ =	strace s18  }
0x93: {  	s2 =	sld [smem:$0x3FFC];
	_ =	sdelay $0x3  }
0x94: {  	_ =	strace s2  }
0x95: {  	s2 =	sld [smem:$0x3FFD];
	_ =	sdelay $0x3  }
0x96: {  	_ =	strace s2  }
0x97: {  	_ =	strace $0x8FFFFFFF  }
0x98: {  	s19 =	sld [smem:$0x3FDB];
	_ =	sdelay $0x1  }
0x99: {  	s20 =	simm.s32 $_scs_section_size  }
0x9a: {  	s4 =	simm.s32 $_size__tile_overlayer_lowered;
	s5 =	simm.s32 $_tile_overlayer_lowered  }
0x9b: {  	s6 =	simm.s32 $0x1BFF;
	s21 =	sshll.u32 s5, $0x1;
	s3 =	sadd.s32 s20, s19  }
0x9c: {  	s22 =	simm.s32 $0x0;
	s4 =	sshll.u32 s4, $0x1;
	s5 =	sadd.s32 s21, s3  }
0x9d: {  	[timem:s22], [sflag:s6] =	dma.local [hbm:s5], s4  }
0x9e: {  	_ =	swait.ge [sflag:s6], s4  }
0x9f: {  	s4 =	ssub.s32 $0x0, s4;
	[sflag:s6] =	ssyncset.done $0x0  }
0xa0: {  	[sflag:s6] =	ssyncadd.s32 s4;
	_ =	sdelay $0x1  }
0xa1: {  	s23 =	simm.s32 $0x1B8B  }
0xa2: {  	_ =	swait.ge [sflag:s23], $0x1  }
0xa3: {  	[sflag:s23] =	ssyncset.done $0x0  }
0xa4: {  	[sflag:s23] =	ssyncadd.s32 $0xFFFFFFFF  }
0xa5: {  	s4 =	sld [smem:$0x0]  }
0xa6: {  	s5 =	sand.u32 $0xFFFFFFFE, s1  }
0xa7: {  	p0 =	sne.s32 s1, s5  }
0xa8: {  	s5 =	sshll.u32 @p0 s5, $0xE  }
0xa9: {  	s5 =	sadd.s32 @p0 $0x11B8D, s5;
	s6 =	sshll.u32 @p0 s4, $0x11  }
0xaa: {  	s5 =	sor.u32 @p0 s6, s5  }
0xab: {  	[sflag:s5] =	ssyncadd.remote.s32 @p0 $0x1;
	_ =	sdelay $0x1  }
0xac: {  	s5 =	simm.s32 @p0 $0x1B8D  }
0xad: {  	_ =	swait.eq @p0 [sflag:s5], $0x1  }
0xae: {  	[sflag:s5] =	ssyncadd.s32 @p0 $0xFFFFFFFF  }
0xaf: {  	s6 =	sshll.u32 @!p0 s1, $0xE  }
0xb0: {  	s6 =	sor.u32 @!p0 $0x4000, s6;
	s5 =	simm.s32 @!p0 $0x1B8D  }
0xb1: {  	s4 =	sshll.u32 @!p0 s4, $0x11;
	s6 =	sadd.s32 @!p0 $0x11B8D, s6;
	_ =	swait.eq @!p0 [sflag:s5], $0x1  }
0xb2: {  	s4 =	sor.u32 @!p0 s4, s6;
	[sflag:s5] =	ssyncadd.s32 @!p0 $0xFFFFFFFF  }
0xb3: {  	s25 =	simm.s32 $0x1B8E;
	s24 =	sld [smem:$0x3FFE];
	[sflag:s4] =	ssyncadd.remote.s32 @!p0 $0x1  }
0xb4: {  	s26 =	simm.s32 $execute0_lowered;
	[smem:$0x3FD2] =	sst s25  }
0xb5: {  	s5 =	sshll.u32 s26, $0x1;
	_ =	strace $0x8000004C;
	[dreg:$0x1] =	wrdreg $0xFFFFFFFF  }
0xb6: {  	s28 =	simm.s32 $_size_execute0_lowered;
	s3 =	sadd.s32 s3, s5;
	[dreg:$0x0] =	wrdreg $0x0  }
0xb7: {  	s5 =	sshll.u32 s28, $0x1;
	[dreg:$0x2] =	wrdreg s3  }
0xb8: {  	[dreg:$0x3] =	wrdreg s5  }
0xb9: {  	[dreg:$0x4] =	wrdreg $0xC0  }
0xba: {  	_ =	task [dreg:s22], $0x5FFFF  }
0xbb: {  	[dreg:$0x1] =	wrdreg $0xFFFFFFFF  }
0xbc: {  	[dreg:$0x0] =	wrdreg $0x60  }
0xbd: {  	[dreg:$0x2] =	wrdreg s24  }
0xbe: {  	[dreg:$0x3] =	wrdreg $0xB  }
0xbf: {  	_ =	task.clear_ibuf [dreg:s22], $0x4FFFF;
	_ =	strace $0x9000004C  }
0xc0: {  	s29 =	simm.s32 $0xB;
	_ =	strace $0x8000004E  }
0xc1: {  	_ =	swait.ge [sflag:s29], $0x1  }
0xc2: {  	[sflag:s29] =	ssyncadd.s32 $0xFFFFFFFF  }
0xc3: {  	_ =	strace $0x9000004E  }
0xc4: {  	_ =	sfence  }
0xc5: {  	s30 =	sld [smem:$0x0];
	_ =	sdelay $0x2  }
0xc6: {  	s31 =	sshll.u32 s1, $0xD;
	s1 =	sshrl.u32 s1, $0x2  }
0xc7: {  	s4 =	sand.u32 $0x4000, s31;
	s1 =	sadd.s32 s1, s30  }
0xc8: {  	s0 =	sor.u32 s4, s0;
	s1 =	sshll.u32 s1, $0x11  }
0xc9: {  	s0 =	sor.u32 s1, s0  }
0xca: {  	s0 =	sadd.s32 $0x8F2B, s0  }
0xcb: {  	[sflag:s0] =	ssyncadd.remote.s32 $0x1  }
0xcc: {  	_ =	sfence.sel $0xFFFF  }
0xcd: {  	[dreg:$0x0] =	wrdreg $0xFFFFFFFF;
	(pc) =	sbr.abs _section_cstart, $3  }
0xce: {  	[dreg:$0x1] =	wrdreg $0xFFFFFFFF  }
0xcf: {  	_ =	task.clear_ibuf [dreg:s22], $0x2FFFF;
	_ =	strace $0x9FFFFFFF  }
0xd0: {  	(tm) =	ssettm $0x7FFFFFFF  }
0xd1: {  	_ =	shalt  }
tec
execute0_lowered:
.L_overlay_start_1:
0x0: {  	(tag) =	ssettag $0x1  }
0x1: {  	s4 =	rddreg [dreg:$0x0]  }
0x2: {  	s0 =	rddreg [dreg:$0x1];
	s2 =	simm.s32 $0x0  }
0x3: {  	s3 =	srdreg.scid;
	s1 =	stileid.u32;
	s10 =	simm.s32 $0x3840  }
0x4: {  	s11 =	simm.s32 $0x320;
	s12 =	simm.s32 $0x6A40;
	s13 =	simm.s32 $0x4B0  }
0x5: {  	s14 =	simm.s32 $0x9C40;
	s15 =	simm.s32 $0x1;
	s16 =	simm.s32 $0x20  }
0x6: {  	s17 =	simm.s32 $0x80;
	s18 =	simm.s32 $0x0;
	s6 =	smul.u32 $0x3200, s1  }
0x7: {  	[smem:$0x7FF] =	sst s2;
	s5 =	sand.u32 $0x1, s3;
	s8 =	smul.u32 $0xC800, s1  }
0x8: {  	s3 =	sadd.s32 $0xF43A00, s4;
	s7 =	smul.u32 $0x1900, s5;
	s30 =	ssub.s32 $0x2, s5  }
0x9: {  	_ =	strace $0x8000004D;
	s5 =	smul.u32 $0x6400, s5;
	s9 =	sshrl.u32 s30, $0x1  }
0xa: {  	s8 =	sadd.s32 s8, s4;
	s6 =	sadd.s32 s7, s6;
	s31 =	ssub.s32 s30, s9  }
0xb: {  	s5 =	sadd.s32 s5, s8;
	s7 =	simm.s32 $0x2;
	s6 =	sshrl.u32 s6, $0x3  }
0xc: {  	s8 =	simm.s32 $0x190;
	s9 =	simm.s32 $0x640;
	s6 =	sadd.s32 s6, s4  }
0xd: {  	s5 =	sadd.s32 $0x1A4200, s5;
	s4 =	smax.u32 s31, $0x1;
	s6 =	sadd.s32 $0xCFA00, s6  }
.LBB2_1:
0xe: {  	[tilespmem:s2], [sflag:$0x2] =	stream.linear.gather [hbm4b:s6+s2], $0x640, $0x38;
	[tilespmem:$0xCE40] =	vst v63  }
0xf: {  	_ =	swait.ge [sflag:s7], $0x640  }
0x10: {  	[sflag:s7] =	ssyncset.done $0x0  }
0x11: {  	[sflag:s7] =	ssyncadd.s32 $0xFFFFF9C0  }
0x12: {  	[tilespmem:s9], [sflag:$0x1] =	stream.indirect.gather [hbm4b:s3+s8], $0x20, s2, s8, $0xb8;
	[tilespmem:$0xCE40] =	vst v63  }
0x13: {  	_ = 	snop  }
0x14: {  	[tilespmem:s10], [sflag:$0x1] =	stream.indirect.gather [hbm4b:s3+s8], $0x20, s8, s8, $0xb8;
	[tilespmem:$0xCE40] =	vst v63  }
0x15: {  	_ = 	snop  }
0x16: {  	[tilespmem:s12], [sflag:$0x1] =	stream.indirect.gather [hbm4b:s3+s8], $0x20, s11, s8, $0xb8;
	[tilespmem:$0xCE40] =	vst v63  }
0x17: {  	_ = 	snop  }
0x18: {  	[tilespmem:s14], [sflag:$0x1] =	stream.indirect.gather [hbm4b:s3+s8], $0x20, s13, s8, $0xb8;
	[tilespmem:$0xCE40] =	vst v63  }
0x19: {  	_ =	swait.ge [sflag:s15], $0x3200  }
0x1a: {  	[sflag:s15] =	ssyncset.done $0x0  }
0x1b: {  	[sflag:s15] =	ssyncadd.s32 $0xFFFFCE00  }
0x1c: {  	_ =	swait.ge [sflag:s15], $0x3200  }
0x1d: {  	[sflag:s15] =	ssyncset.done $0x0  }
0x1e: {  	[sflag:s15] =	ssyncadd.s32 $0xFFFFCE00  }
0x1f: {  	_ =	swait.ge [sflag:s15], $0x3200  }
0x20: {  	[sflag:s15] =	ssyncset.done $0x0  }
0x21: {  	[sflag:s15] =	ssyncadd.s32 $0xFFFFCE00  }
0x22: {  	_ =	swait.ge [sflag:s15], $0x3200  }
0x23: {  	[sflag:s15] =	ssyncset.done $0x0  }
0x24: {  	s19 =	sadd.s32 $0x0, s5;
	[sflag:s15] =	ssyncadd.s32 $0xFFFFCE00  }
0x25: {  	[hbm4b:s19+s16] =	stream.strided.scatter [tilespmem:s9], [sflag:$0x2], $0x3200, s17, s16, $0x38;
	[tilespmem:$0xCE40] =	vst v63  }
0x26: {  	_ =	swait.ge [sflag:s7], $0x3200  }
0x27: {  	[sflag:s7] =	ssyncset.done $0x0  }
0x28: {  	s20 =	sadd.s32 $0x4, s19;
	[sflag:s7] =	ssyncadd.s32 $0xFFFFCE00  }
0x29: {  	[hbm4b:s20+s16] =	stream.strided.scatter [tilespmem:s10], [sflag:$0x2], $0x3200, s17, s16, $0x38;
	[tilespmem:$0xCE40] =	vst v63  }
0x2a: {  	_ =	swait.ge [sflag:s7], $0x3200  }
0x2b: {  	[sflag:s7] =	ssyncset.done $0x0  }
0x2c: {  	s31 =	sadd.s32 $0x8, s19;
	[sflag:s7] =	ssyncadd.s32 $0xFFFFCE00  }
0x2d: {  	[hbm4b:s31+s16] =	stream.strided.scatter [tilespmem:s12], [sflag:$0x2], $0x3200, s17, s16, $0x38;
	[tilespmem:$0xCE40] =	vst v63  }
0x2e: {  	_ =	swait.ge [sflag:s7], $0x3200  }
0x2f: {  	[sflag:s7] =	ssyncset.done $0x0  }
0x30: {  	s19 =	sadd.s32 $0xC, s19;
	[sflag:s7] =	ssyncadd.s32 $0xFFFFCE00  }
0x31: {  	[hbm4b:s19+s16] =	stream.strided.scatter [tilespmem:s14], [sflag:$0x2], $0x3200, s17, s16, $0x38;
	[tilespmem:$0xCE40] =	vst v63  }
0x32: {  	_ =	swait.ge [sflag:s7], $0x3200  }
0x33: {  	s20 =	smov.u32 s6;
	s19 =	simm.s32 $0x1900;
	[sflag:s7] =	ssyncset.done $0x0  }
.LBB2_2:
0x34: {  	p0 =	sne.s32 s19, $0x4B00;
	[sflag:s7] =	ssyncadd.s32 $0xFFFFCE00;
	s20 =	sadd.s32 $0xC8, s20  }
0x35: {  	[tilespmem:s2], [sflag:$0x2] =	stream.linear.gather [hbm4b:s20+s2], $0x640, $0x38;
	[tilespmem:$0xCE40] =	vst v63  }
0x36: {  	s21 =	smov.u32 s19;
	s19 =	sadd.s32 $0x1900, s19;
	_ =	swait.ge [sflag:s7], $0x640  }
0x37: {  	[sflag:s7] =	ssyncset.done $0x0  }
0x38: {  	[sflag:s7] =	ssyncadd.s32 $0xFFFFF9C0  }
0x39: {  	[tilespmem:s9], [sflag:$0x1] =	stream.indirect.gather [hbm4b:s3+s8], $0x20, s2, s8, $0xb8;
	[tilespmem:$0xCE40] =	vst v63  }
0x3a: {  	_ = 	snop  }
0x3b: {  	[tilespmem:s10], [sflag:$0x1] =	stream.indirect.gather [hbm4b:s3+s8], $0x20, s8, s8, $0xb8;
	[tilespmem:$0xCE40] =	vst v63  }
0x3c: {  	_ = 	snop  }
0x3d: {  	[tilespmem:s12], [sflag:$0x1] =	stream.indirect.gather [hbm4b:s3+s8], $0x20, s11, s8, $0xb8;
	[tilespmem:$0xCE40] =	vst v63  }
0x3e: {  	_ = 	snop  }
0x3f: {  	[tilespmem:s14], [sflag:$0x1] =	stream.indirect.gather [hbm4b:s3+s8], $0x20, s13, s8, $0xb8;
	[tilespmem:$0xCE40] =	vst v63  }
0x40: {  	_ =	swait.ge [sflag:s15], $0x3200  }
0x41: {  	[sflag:s15] =	ssyncset.done $0x0  }
0x42: {  	[sflag:s15] =	ssyncadd.s32 $0xFFFFCE00  }
0x43: {  	_ =	swait.ge [sflag:s15], $0x3200  }
0x44: {  	[sflag:s15] =	ssyncset.done $0x0  }
0x45: {  	[sflag:s15] =	ssyncadd.s32 $0xFFFFCE00  }
0x46: {  	_ =	swait.ge [sflag:s15], $0x3200  }
0x47: {  	[sflag:s15] =	ssyncset.done $0x0  }
0x48: {  	[sflag:s15] =	ssyncadd.s32 $0xFFFFCE00  }
0x49: {  	_ =	swait.ge [sflag:s15], $0x3200  }
0x4a: {  	[sflag:s15] =	ssyncset.done $0x0  }
0x4b: {  	s21 =	sadd.s32 s21, s5;
	[sflag:s15] =	ssyncadd.s32 $0xFFFFCE00  }
0x4c: {  	[hbm4b:s21+s16] =	stream.strided.scatter [tilespmem:s9], [sflag:$0x2], $0x3200, s17, s16, $0x38;
	[tilespmem:$0xCE40] =	vst v63  }
0x4d: {  	_ =	swait.ge [sflag:s7], $0x3200  }
0x4e: {  	[sflag:s7] =	ssyncset.done $0x0  }
0x4f: {  	s22 =	sadd.s32 $0x4, s21;
	[sflag:s7] =	ssyncadd.s32 $0xFFFFCE00  }
0x50: {  	[hbm4b:s22+s16] =	stream.strided.scatter [tilespmem:s10], [sflag:$0x2], $0x3200, s17, s16, $0x38;
	[tilespmem:$0xCE40] =	vst v63  }
0x51: {  	_ =	swait.ge [sflag:s7], $0x3200  }
0x52: {  	[sflag:s7] =	ssyncset.done $0x0  }
0x53: {  	s22 =	sadd.s32 $0x8, s21;
	[sflag:s7] =	ssyncadd.s32 $0xFFFFCE00  }
0x54: {  	[hbm4b:s22+s16] =	stream.strided.scatter [tilespmem:s12], [sflag:$0x2], $0x3200, s17, s16, $0x38;
	[tilespmem:$0xCE40] =	vst v63  }
0x55: {  	_ =	swait.ge [sflag:s7], $0x3200  }
.Ltmp0:
0x56: {  	[sflag:s7] =	ssyncset.done $0x0;
	(pc) =	sbr.rel @p0 .LBB2_2-.Ltmp0, $4  }
0x57: {  	s21 =	sadd.s32 $0xC, s21;
	[sflag:s7] =	ssyncadd.s32 $0xFFFFCE00  }
0x58: {  	[hbm4b:s21+s16] =	stream.strided.scatter [tilespmem:s14], [sflag:$0x2], $0x3200, s17, s16, $0x38;
	[tilespmem:$0xCE40] =	vst v63  }
0x59: {  	_ =	swait.ge [sflag:s7], $0x3200  }
0x5a: {  	[sflag:s7] =	ssyncset.done $0x0  }
0x5b: {  	s18 =	sadd.s32 $0x1, s18  }
0x5c: {  	p0 =	sne.s32 s18, s4  }
.Ltmp1:
0x5d: {  	_ = 	snop;
	(pc) =	sbr.rel @p0 .LBB2_1-.Ltmp1, $2  }
0x5e: {  	_ =	sdelay $0x2  }
0x5f: {  	[sflag:s7] =	ssyncadd.s32 $0xFFFFCE00  }
0x60: {  	_ =	sfence.sel $0x180000  }
0x61: {  	[bflag:$0x0] =	sbarrier.arrive $0xFFFF  }
0x62: {  	p0 =	sne.s32 s1, $0x0;
	_ =	strace $0x9000004D  }
0x63: {  	s0 =	sadd.s32 @!p0 $0x100000, s0;
	[bflag:$0x2] =	sbarrier.arrive $0xFFFF  }
0x64: {  	[sflag:s0] =	ssyncadd.tile.s32 @!p0 $0x1;
	_ =	shalt  }
.Lfunc_end2:
_tile_overlayer_lowered:
.L_overlay_start_2:
0x65: {  	(tag) =	ssettag $0x2  }
0x66: {  	s0 =	rddreg [dreg:$0x0];
	s2 =	stileid.u32  }
0x67: {  	s1 =	rddreg [dreg:$0x1];
	p0 =	sne.s32 s2, $0x0  }
0x68: {  	s3 =	rddreg [dreg:$0x2];
	[bflag:$0x3] =	sbarrier.arrive $0xFFFF;
	s2 =	simm.s32 @!p0 $0x1C02  }
0x69: {  	[timem:s3], [sflag:s2] =	dma.local @!p0 [hbm:s0], s1  }
0x6a: {  	s0 =	simm.s32 @!p0 $0x2  }
0x6b: {  	_ =	swait.ge @!p0 [sflag:s0], s1  }
0x6c: {  	s1 =	ssub.s32 @!p0 $0x0, s1;
	[sflag:s0] =	ssyncset.done @!p0 $0x0  }
0x6d: {  	[sflag:s0] =	ssyncadd.s32 @!p0 s1  }
0x6e: {  	[bflag:$0x3] =	sbarrier.arrive $0xFFFF  }
0x6f: {  	_ =	shalt  }

// kernel: kernel.19.cloned.1.call-start
scs
__scs_entry_jumppad:
0x0: {  	(pc) =	sbr.rel $0x88, $3  }
0x1: {  	(tag) =	ssettag $0x0;
	lr =	simm.s32 $0x1  }
0x2: {  	[smem:$0x3F9E] =	sst lr;
	_ =	strace $0xD0000000  }
0x3: {  	_ = 	snop  }
0x4: {  	_ = 	snop  }
0x5: {  	_ = 	snop  }
0x6: {  	_ = 	snop  }
0x7: {  	_ = 	snop  }
__scs_overlays_trampoline_lowered:
0x8: {  	[smem:$0x3FAD] =	sst s0  }
0x9: {  	[smem:$0x3FAE] =	sst s1  }
0xa: {  	[smem:$0x3FAF] =	sst s2  }
0xb: {  	[smem:$0x3FB0] =	sst s3  }
0xc: {  	[smem:$0x3FB1] =	sst s4  }
0xd: {  	[smem:$0x3FB2] =	sst s5  }
0xe: {  	[smem:$0x3FB3] =	sst s6  }
0xf: {  	[smem:$0x3FB4] =	sst s7  }
0x10: {  	[smem:$0x3FB5] =	sst s8  }
0x11: {  	[smem:$0x3FB6] =	sst s9;
	s0 =	simm.s32 @!p0 $0x0  }
0x12: {  	s1 =	sld [smem:$0x3F9C];
	s0 =	simm.s32 @p0 $0x1  }
0x13: {  	[smem:$0x3FB7] =	sst s0;
	s0 =	simm.s32 @!p1 $0x0  }
0x14: {  	s2 =	sld [smem:$0x3F9B];
	s0 =	simm.s32 @p1 $0x1  }
0x15: {  	[smem:$0x3FB8] =	sst s0;
	s0 =	simm.s32 @!p2 $0x0  }
0x16: {  	s3 =	sld [smem:$0x3FDB];
	s0 =	simm.s32 @p2 $0x1  }
0x17: {  	s4 =	simm.s32 $0x1BF5;
	[smem:$0x3FBA] =	sst s0  }
0x18: {  	s0 =	sld [smem:$0x3F9D];
	_ =	swait.ge [sflag:s4], $0x0  }
0x19: {  	s7 =	sld [smem:$0x3F9E]  }
0x1a: {  	s8 =	sadd.s32 $0xFFFFE003, lr  }
0x1b: {  	s9 =	sadd.s32 $0xFFFFFEF7, lr;
	s5 =	simm.s32 $0xFFFFFFFF;
	p2 =	slt.u32 s8, $0xFFFFF086  }
0x1c: {  	p1 =	slt.u32 s9, $0xF7A;
	s5 =	simm.s32 @!p2 $0x0  }
0x1d: {  	s5 =	simm.s32 @p1 $0x1;
	p0 =	seq.s32 s7, s2  }
0x1e: {  	s7 =	smul.u32 @!p0 $0xF7A, s2;
	p2 =	seq.s32 @!p0 s5, $0x0  }
0x1f: {  	s9 =	smul.u32 $0xF7A, s1;
	s8 =	simm.s32 @!p0 $0x1BF5;
	p2 =	por !p2, p0  }
0x20: {  	[sflag:s8] =	ssyncset.s32 @!p0 $0xFFFFF086;
	s6 =	sadd.s32 @!p0 s3, s7;
	s7 =	simm.s32 @!p0 $0x108  }
0x21: {  	s3 =	sadd.s32 s3, s9;
	s6 =	sadd.s32 @!p0 $0x88, s6;
	s7 =	simm.s32 @p2 $0x1082  }
0x22: {  	[simem:s7], [sflag:s8] =	dma.local @!p0 [hbm:s6], $0xF7A  }
0x23: {  	s9 =	sor.u32 $0xD0000000, s2;
	s6 =	simm.s32 $0x108;
	_ =	swait.ge @!p0 [sflag:s8], $0x0  }
0x24: {  	s3 =	sadd.s32 $0x88, s3;
	s6 =	simm.s32 @!p1 $0x1082;
	[sflag:s4] =	ssyncset.s32 $0xFFFFF086  }
0x25: {  	[simem:s6], [sflag:s4] =	dma.local [hbm:s3], $0xF7A  }
0x26: {  	[smem:$0x3F9E] =	sst s1;
	(tag) =	ssettag s2;
	_ =	strace s9  }
0x27: {  	s1 =	sld [smem:$0x3FAE]  }
0x28: {  	s2 =	sld [smem:$0x3FAF]  }
0x29: {  	s4 =	sld [smem:$0x3FB1]  }
0x2a: {  	p0 =	seq.s32 s5, $0x0;
	s5 =	sld [smem:$0x3FB2]  }
0x2b: {  	s6 =	sld [smem:$0x3FB3]  }
0x2c: {  	s7 =	sld [smem:$0x3FB4]  }
0x2d: {  	s3 =	simm.s32 $0x108;
	s8 =	sld [smem:$0x3FB5]  }
0x2e: {  	s3 =	simm.s32 @!p0 $0x1082;
	s9 =	sld [smem:$0x3FB6]  }
0x2f: {  	lr =	sadd.s32 s0, s3;
	s0 =	sld [smem:$0x3FAD]  }
0x30: {  	s3 =	sld [smem:$0x3FB0]  }
0x31: {  	[smem:$0x3FB9] =	sst s10  }
0x32: {  	s10 =	sld [smem:$0x3FB7];
	_ =	sdelay $0x3  }
0x33: {  	p0 =	seq.s32 s10, $0x1;
	s10 =	sld [smem:$0x3FB9];
	_ =	sdelay $0x3  }
0x34: {  	[smem:$0x3FB9] =	sst s10  }
0x35: {  	s10 =	sld [smem:$0x3FB8];
	_ =	sdelay $0x3  }
0x36: {  	p1 =	seq.s32 s10, $0x1;
	s10 =	sld [smem:$0x3FB9];
	_ =	sdelay $0x3  }
0x37: {  	[smem:$0x3FB9] =	sst s10  }
0x38: {  	s10 =	sld [smem:$0x3FBA]  }
0x39: {  	_ = 	snop;
	(pc) =	sbr.ind lr, $3  }
0x3a: {  	_ = 	snop  }
0x3b: {  	_ = 	snop  }
0x3c: {  	p2 =	seq.s32 s10, $0x1;
	s10 =	sld [smem:$0x3FB9]  }
0x3d: {  	_ =	shalt  }
0x3e: {  	_ =	shalt  }
0x3f: {  	_ =	shalt  }
0x40: {  	_ =	shalt  }
0x41: {  	_ =	shalt  }
0x42: {  	_ =	shalt  }
0x43: {  	_ =	shalt  }
0x44: {  	_ =	shalt  }
0x45: {  	_ =	shalt  }
0x46: {  	_ =	shalt  }
0x47: {  	_ =	shalt  }
0x48: {  	_ =	shalt  }
0x49: {  	_ =	shalt  }
0x4a: {  	_ =	shalt  }
0x4b: {  	_ =	shalt  }
0x4c: {  	_ =	shalt  }
0x4d: {  	_ =	shalt  }
0x4e: {  	_ =	shalt  }
0x4f: {  	_ =	shalt  }
0x50: {  	_ =	shalt  }
0x51: {  	_ =	shalt  }
0x52: {  	_ =	shalt  }
0x53: {  	_ =	shalt  }
0x54: {  	_ =	shalt  }
0x55: {  	_ =	shalt  }
0x56: {  	_ =	shalt  }
0x57: {  	_ =	shalt  }
0x58: {  	_ =	shalt  }
0x59: {  	_ =	shalt  }
0x5a: {  	_ =	shalt  }
0x5b: {  	_ =	shalt  }
0x5c: {  	_ =	shalt  }
0x5d: {  	_ =	shalt  }
0x5e: {  	_ =	shalt  }
0x5f: {  	_ =	shalt  }
0x60: {  	_ =	shalt  }
0x61: {  	_ =	shalt  }
0x62: {  	_ =	shalt  }
0x63: {  	_ =	shalt  }
0x64: {  	_ =	shalt  }
0x65: {  	_ =	shalt  }
0x66: {  	_ =	shalt  }
0x67: {  	_ =	shalt  }
0x68: {  	_ =	shalt  }
0x69: {  	_ =	shalt  }
0x6a: {  	_ =	shalt  }
0x6b: {  	_ =	shalt  }
0x6c: {  	_ =	shalt  }
0x6d: {  	_ =	shalt  }
0x6e: {  	_ =	shalt  }
0x6f: {  	_ =	shalt  }
0x70: {  	_ =	shalt  }
0x71: {  	_ =	shalt  }
0x72: {  	_ =	shalt  }
0x73: {  	_ =	shalt  }
0x74: {  	_ =	shalt  }
0x75: {  	_ =	shalt  }
0x76: {  	_ =	shalt  }
0x77: {  	_ =	shalt  }
0x78: {  	_ =	shalt  }
0x79: {  	_ =	shalt  }
0x7a: {  	_ =	shalt  }
0x7b: {  	_ =	shalt  }
0x7c: {  	_ =	shalt  }
0x7d: {  	_ =	shalt  }
0x7e: {  	_ =	shalt  }
0x7f: {  	_ =	shalt  }
0x80: {  	_ =	shalt  }
0x81: {  	_ =	shalt  }
0x82: {  	_ =	shalt  }
0x83: {  	_ =	shalt  }
0x84: {  	_ =	shalt  }
0x85: {  	_ =	shalt  }
0x86: {  	_ =	shalt  }
0x87: {  	_ =	shalt  }
.Lfunc_end0:
.L_simem_size_0:
called_computation.3_lowered:
.L_overlay_start_0:
0x88: {  	s2 =	sld [smem:$0x3FD9]  }
0x89: {  	s3 =	sld [smem:$0x3FFE];
	_ =	sdelay $0x1  }
0x8a: {  	s1 =	srdreg.scid  }
0x8b: {  	s0 =	sand.u32 $0x1, s1  }
0x8c: {  	s17 =	sshll.u32 s0, $0xA;
	s2 =	sadd.s32 s3, s2  }
0x8d: {  	s2 =	sadd.s32 s2, s17  }
0x8e: {  	[smem:$0x3FC5] =	sst s2  }
0x8f: {  	_ = 	snop  }
0x90: {  	(tm) =	ssettm $0x1  }
0x91: {  	s18 =	sld [smem:$0x3FFB];
	_ =	sdelay $0x3  }
0x92: {  	_ =	strace s18  }
0x93: {  	s2 =	sld [smem:$0x3FFC];
	_ =	sdelay $0x3  }
0x94: {  	_ =	strace s2  }
0x95: {  	s2 =	sld [smem:$0x3FFD];
	_ =	sdelay $0x3  }
0x96: {  	_ =	strace s2  }
0x97: {  	_ =	strace $0x8FFFFFFF  }
0x98: {  	s19 =	sld [smem:$0x3FDB];
	_ =	sdelay $0x1  }
0x99: {  	s20 =	simm.s32 $_scs_section_size  }
0x9a: {  	s4 =	simm.s32 $_size__tile_overlayer_lowered;
	s5 =	simm.s32 $_tile_overlayer_lowered  }
0x9b: {  	s6 =	simm.s32 $0x1BFF;
	s21 =	sshll.u32 s5, $0x1;
	s3 =	sadd.s32 s20, s19  }
0x9c: {  	s22 =	simm.s32 $0x0;
	s4 =	sshll.u32 s4, $0x1;
	s5 =	sadd.s32 s21, s3  }
0x9d: {  	[timem:s22], [sflag:s6] =	dma.local [hbm:s5], s4  }
0x9e: {  	_ =	swait.ge [sflag:s6], s4  }
0x9f: {  	s4 =	ssub.s32 $0x0, s4;
	[sflag:s6] =	ssyncset.done $0x0  }
0xa0: {  	[sflag:s6] =	ssyncadd.s32 s4;
	_ =	sdelay $0x1  }
0xa1: {  	s23 =	simm.s32 $0x1B8B  }
0xa2: {  	_ =	swait.ge [sflag:s23], $0x1  }
0xa3: {  	[sflag:s23] =	ssyncset.done $0x0  }
0xa4: {  	[sflag:s23] =	ssyncadd.s32 $0xFFFFFFFF  }
0xa5: {  	s4 =	sld [smem:$0x0]  }
0xa6: {  	s5 =	sand.u32 $0xFFFFFFFE, s1  }
0xa7: {  	p0 =	sne.s32 s1, s5  }
0xa8: {  	s5 =	sshll.u32 @p0 s5, $0xE  }
0xa9: {  	s5 =	sadd.s32 @p0 $0x11B8D, s5;
	s6 =	sshll.u32 @p0 s4, $0x11  }
0xaa: {  	s5 =	sor.u32 @p0 s6, s5  }
0xab: {  	[sflag:s5] =	ssyncadd.remote.s32 @p0 $0x1;
	_ =	sdelay $0x1  }
0xac: {  	s5 =	simm.s32 @p0 $0x1B8D  }
0xad: {  	_ =	swait.eq @p0 [sflag:s5], $0x1  }
0xae: {  	[sflag:s5] =	ssyncadd.s32 @p0 $0xFFFFFFFF  }
0xaf: {  	s6 =	sshll.u32 @!p0 s1, $0xE  }
0xb0: {  	s6 =	sor.u32 @!p0 $0x4000, s6;
	s5 =	simm.s32 @!p0 $0x1B8D  }
0xb1: {  	s4 =	sshll.u32 @!p0 s4, $0x11;
	s6 =	sadd.s32 @!p0 $0x11B8D, s6;
	_ =	swait.eq @!p0 [sflag:s5], $0x1  }
0xb2: {  	s4 =	sor.u32 @!p0 s4, s6;
	[sflag:s5] =	ssyncadd.s32 @!p0 $0xFFFFFFFF  }
0xb3: {  	s25 =	simm.s32 $0x1B8E;
	s24 =	sld [smem:$0x3FFE];
	[sflag:s4] =	ssyncadd.remote.s32 @!p0 $0x1  }
0xb4: {  	s26 =	simm.s32 $execute0_lowered;
	[smem:$0x3FD2] =	sst s25  }
0xb5: {  	s5 =	sshll.u32 s26, $0x1;
	_ =	strace $0x8000004F;
	[dreg:$0x1] =	wrdreg $0xFFFFFFFF  }
0xb6: {  	s28 =	simm.s32 $_size_execute0_lowered;
	s3 =	sadd.s32 s3, s5;
	[dreg:$0x0] =	wrdreg $0x0  }
0xb7: {  	s5 =	sshll.u32 s28, $0x1;
	[dreg:$0x2] =	wrdreg s3  }
0xb8: {  	[dreg:$0x3] =	wrdreg s5  }
0xb9: {  	[dreg:$0x4] =	wrdreg $0xC0  }
0xba: {  	_ =	task [dreg:s22], $0x5FFFF  }
0xbb: {  	[dreg:$0x1] =	wrdreg $0xFFFFFFFF  }
0xbc: {  	[dreg:$0x0] =	wrdreg $0x60  }
0xbd: {  	[dreg:$0x2] =	wrdreg s24  }
0xbe: {  	[dreg:$0x3] =	wrdreg $0xC  }
0xbf: {  	_ =	task.clear_ibuf [dreg:s22], $0x4FFFF;
	_ =	strace $0x9000004F  }
0xc0: {  	s29 =	simm.s32 $0xC;
	_ =	strace $0x80000051  }
0xc1: {  	_ =	swait.ge [sflag:s29], $0x1  }
0xc2: {  	[sflag:s29] =	ssyncadd.s32 $0xFFFFFFFF  }
0xc3: {  	_ =	strace $0x90000051  }
0xc4: {  	_ =	sfence  }
0xc5: {  	s30 =	sld [smem:$0x0];
	_ =	sdelay $0x2  }
0xc6: {  	s31 =	sshll.u32 s1, $0xD;
	s1 =	sshrl.u32 s1, $0x2  }
0xc7: {  	s4 =	sand.u32 $0x4000, s31;
	s1 =	sadd.s32 s1, s30  }
0xc8: {  	s0 =	sor.u32 s4, s0;
	s1 =	sshll.u32 s1, $0x11  }
0xc9: {  	s0 =	sor.u32 s1, s0  }
0xca: {  	s0 =	sadd.s32 $0x8F2B, s0  }
0xcb: {  	[sflag:s0] =	ssyncadd.remote.s32 $0x1  }
0xcc: {  	_ =	sfence.sel $0xFFFF  }
0xcd: {  	[dreg:$0x0] =	wrdreg $0xFFFFFFFF;
	(pc) =	sbr.abs _section_cstart, $3  }
0xce: {  	[dreg:$0x1] =	wrdreg $0xFFFFFFFF  }
0xcf: {  	_ =	task.clear_ibuf [dreg:s22], $0x2FFFF;
	_ =	strace $0x9FFFFFFF  }
0xd0: {  	(tm) =	ssettm $0x7FFFFFFF  }
0xd1: {  	_ =	shalt  }
tec
execute0_lowered:
.L_overlay_start_1:
0x0: {  	(tag) =	ssettag $0x1  }
0x1: {  	s4 =	rddreg [dreg:$0x0]  }
0x2: {  	s0 =	rddreg [dreg:$0x1];
	s2 =	simm.s32 $0x0  }
0x3: {  	s3 =	srdreg.scid;
	s1 =	stileid.u32;
	s10 =	simm.s32 $0x3840  }
0x4: {  	s11 =	simm.s32 $0x320;
	s12 =	simm.s32 $0x6A40;
	s13 =	simm.s32 $0x4B0  }
0x5: {  	s14 =	simm.s32 $0x9C40;
	s15 =	simm.s32 $0x1;
	s16 =	simm.s32 $0x20  }
0x6: {  	s17 =	simm.s32 $0x80;
	s18 =	simm.s32 $0x0;
	s6 =	smul.u32 $0x3200, s1  }
0x7: {  	[smem:$0x7FF] =	sst s2;
	s5 =	sand.u32 $0x1, s3;
	s8 =	smul.u32 $0xC800, s1  }
0x8: {  	s3 =	sadd.s32 $0xF43A00, s4;
	s7 =	smul.u32 $0x1900, s5;
	s30 =	ssub.s32 $0x2, s5  }
0x9: {  	_ =	strace $0x80000050;
	s5 =	smul.u32 $0x6400, s5;
	s9 =	sshrl.u32 s30, $0x1  }
0xa: {  	s8 =	sadd.s32 s8, s4;
	s6 =	sadd.s32 s7, s6;
	s31 =	ssub.s32 s30, s9  }
0xb: {  	s5 =	sadd.s32 s5, s8;
	s7 =	simm.s32 $0x2;
	s6 =	sshrl.u32 s6, $0x3  }
0xc: {  	s8 =	simm.s32 $0x190;
	s9 =	simm.s32 $0x640;
	s6 =	sadd.s32 s6, s4  }
0xd: {  	s5 =	sadd.s32 $0x26C200, s5;
	s4 =	smax.u32 s31, $0x1;
	s6 =	sadd.s32 $0xD5E00, s6  }
.LBB2_1:
0xe: {  	[tilespmem:s2], [sflag:$0x2] =	stream.linear.gather [hbm4b:s6+s2], $0x640, $0x38;
	[tilespmem:$0xCE40] =	vst v63  }
0xf: {  	_ =	swait.ge [sflag:s7], $0x640  }
0x10: {  	[sflag:s7] =	ssyncset.done $0x0  }
0x11: {  	[sflag:s7] =	ssyncadd.s32 $0xFFFFF9C0  }
0x12: {  	[tilespmem:s9], [sflag:$0x1] =	stream.indirect.gather [hbm4b:s3+s8], $0x20, s2, s8, $0xb8;
	[tilespmem:$0xCE40] =	vst v63  }
0x13: {  	_ = 	snop  }
0x14: {  	[tilespmem:s10], [sflag:$0x1] =	stream.indirect.gather [hbm4b:s3+s8], $0x20, s8, s8, $0xb8;
	[tilespmem:$0xCE40] =	vst v63  }
0x15: {  	_ = 	snop  }
0x16: {  	[tilespmem:s12], [sflag:$0x1] =	stream.indirect.gather [hbm4b:s3+s8], $0x20, s11, s8, $0xb8;
	[tilespmem:$0xCE40] =	vst v63  }
0x17: {  	_ = 	snop  }
0x18: {  	[tilespmem:s14], [sflag:$0x1] =	stream.indirect.gather [hbm4b:s3+s8], $0x20, s13, s8, $0xb8;
	[tilespmem:$0xCE40] =	vst v63  }
0x19: {  	_ =	swait.ge [sflag:s15], $0x3200  }
0x1a: {  	[sflag:s15] =	ssyncset.done $0x0  }
0x1b: {  	[sflag:s15] =	ssyncadd.s32 $0xFFFFCE00  }
0x1c: {  	_ =	swait.ge [sflag:s15], $0x3200  }
0x1d: {  	[sflag:s15] =	ssyncset.done $0x0  }
0x1e: {  	[sflag:s15] =	ssyncadd.s32 $0xFFFFCE00  }
0x1f: {  	_ =	swait.ge [sflag:s15], $0x3200  }
0x20: {  	[sflag:s15] =	ssyncset.done $0x0  }
0x21: {  	[sflag:s15] =	ssyncadd.s32 $0xFFFFCE00  }
0x22: {  	_ =	swait.ge [sflag:s15], $0x3200  }
0x23: {  	[sflag:s15] =	ssyncset.done $0x0  }
0x24: {  	s19 =	sadd.s32 $0x0, s5;
	[sflag:s15] =	ssyncadd.s32 $0xFFFFCE00  }
0x25: {  	[hbm4b:s19+s16] =	stream.strided.scatter [tilespmem:s9], [sflag:$0x2], $0x3200, s17, s16, $0x38;
	[tilespmem:$0xCE40] =	vst v63  }
0x26: {  	_ =	swait.ge [sflag:s7], $0x3200  }
0x27: {  	[sflag:s7] =	ssyncset.done $0x0  }
0x28: {  	s20 =	sadd.s32 $0x4, s19;
	[sflag:s7] =	ssyncadd.s32 $0xFFFFCE00  }
0x29: {  	[hbm4b:s20+s16] =	stream.strided.scatter [tilespmem:s10], [sflag:$0x2], $0x3200, s17, s16, $0x38;
	[tilespmem:$0xCE40] =	vst v63  }
0x2a: {  	_ =	swait.ge [sflag:s7], $0x3200  }
0x2b: {  	[sflag:s7] =	ssyncset.done $0x0  }
0x2c: {  	s31 =	sadd.s32 $0x8, s19;
	[sflag:s7] =	ssyncadd.s32 $0xFFFFCE00  }
0x2d: {  	[hbm4b:s31+s16] =	stream.strided.scatter [tilespmem:s12], [sflag:$0x2], $0x3200, s17, s16, $0x38;
	[tilespmem:$0xCE40] =	vst v63  }
0x2e: {  	_ =	swait.ge [sflag:s7], $0x3200  }
0x2f: {  	[sflag:s7] =	ssyncset.done $0x0  }
0x30: {  	s19 =	sadd.s32 $0xC, s19;
	[sflag:s7] =	ssyncadd.s32 $0xFFFFCE00  }
0x31: {  	[hbm4b:s19+s16] =	stream.strided.scatter [tilespmem:s14], [sflag:$0x2], $0x3200, s17, s16, $0x38;
	[tilespmem:$0xCE40] =	vst v63  }
0x32: {  	_ =	swait.ge [sflag:s7], $0x3200  }
0x33: {  	s20 =	smov.u32 s6;
	s19 =	simm.s32 $0x1900;
	[sflag:s7] =	ssyncset.done $0x0  }
.LBB2_2:
0x34: {  	p0 =	sne.s32 s19, $0x4B00;
	[sflag:s7] =	ssyncadd.s32 $0xFFFFCE00;
	s20 =	sadd.s32 $0xC8, s20  }
0x35: {  	[tilespmem:s2], [sflag:$0x2] =	stream.linear.gather [hbm4b:s20+s2], $0x640, $0x38;
	[tilespmem:$0xCE40] =	vst v63  }
0x36: {  	s21 =	smov.u32 s19;
	s19 =	sadd.s32 $0x1900, s19;
	_ =	swait.ge [sflag:s7], $0x640  }
0x37: {  	[sflag:s7] =	ssyncset.done $0x0  }
0x38: {  	[sflag:s7] =	ssyncadd.s32 $0xFFFFF9C0  }
0x39: {  	[tilespmem:s9], [sflag:$0x1] =	stream.indirect.gather [hbm4b:s3+s8], $0x20, s2, s8, $0xb8;
	[tilespmem:$0xCE40] =	vst v63  }
0x3a: {  	_ = 	snop  }
0x3b: {  	[tilespmem:s10], [sflag:$0x1] =	stream.indirect.gather [hbm4b:s3+s8], $0x20, s8, s8, $0xb8;
	[tilespmem:$0xCE40] =	vst v63  }
0x3c: {  	_ = 	snop  }
0x3d: {  	[tilespmem:s12], [sflag:$0x1] =	stream.indirect.gather [hbm4b:s3+s8], $0x20, s11, s8, $0xb8;
	[tilespmem:$0xCE40] =	vst v63  }
0x3e: {  	_ = 	snop  }
0x3f: {  	[tilespmem:s14], [sflag:$0x1] =	stream.indirect.gather [hbm4b:s3+s8], $0x20, s13, s8, $0xb8;
	[tilespmem:$0xCE40] =	vst v63  }
0x40: {  	_ =	swait.ge [sflag:s15], $0x3200  }
0x41: {  	[sflag:s15] =	ssyncset.done $0x0  }
0x42: {  	[sflag:s15] =	ssyncadd.s32 $0xFFFFCE00  }
0x43: {  	_ =	swait.ge [sflag:s15], $0x3200  }
0x44: {  	[sflag:s15] =	ssyncset.done $0x0  }
0x45: {  	[sflag:s15] =	ssyncadd.s32 $0xFFFFCE00  }
0x46: {  	_ =	swait.ge [sflag:s15], $0x3200  }
0x47: {  	[sflag:s15] =	ssyncset.done $0x0  }
0x48: {  	[sflag:s15] =	ssyncadd.s32 $0xFFFFCE00  }
0x49: {  	_ =	swait.ge [sflag:s15], $0x3200  }
0x4a: {  	[sflag:s15] =	ssyncset.done $0x0  }
0x4b: {  	s21 =	sadd.s32 s21, s5;
	[sflag:s15] =	ssyncadd.s32 $0xFFFFCE00  }
0x4c: {  	[hbm4b:s21+s16] =	stream.strided.scatter [tilespmem:s9], [sflag:$0x2], $0x3200, s17, s16, $0x38;
	[tilespmem:$0xCE40] =	vst v63  }
0x4d: {  	_ =	swait.ge [sflag:s7], $0x3200  }
0x4e: {  	[sflag:s7] =	ssyncset.done $0x0  }
0x4f: {  	s22 =	sadd.s32 $0x4, s21;
	[sflag:s7] =	ssyncadd.s32 $0xFFFFCE00  }
0x50: {  	[hbm4b:s22+s16] =	stream.strided.scatter [tilespmem:s10], [sflag:$0x2], $0x3200, s17, s16, $0x38;
	[tilespmem:$0xCE40] =	vst v63  }
0x51: {  	_ =	swait.ge [sflag:s7], $0x3200  }
0x52: {  	[sflag:s7] =	ssyncset.done $0x0  }
0x53: {  	s22 =	sadd.s32 $0x8, s21;
	[sflag:s7] =	ssyncadd.s32 $0xFFFFCE00  }
0x54: {  	[hbm4b:s22+s16] =	stream.strided.scatter [tilespmem:s12], [sflag:$0x2], $0x3200, s17, s16, $0x38;
	[tilespmem:$0xCE40] =	vst v63  }
0x55: {  	_ =	swait.ge [sflag:s7], $0x3200  }
.Ltmp0:
0x56: {  	[sflag:s7] =	ssyncset.done $0x0;
	(pc) =	sbr.rel @p0 .LBB2_2-.Ltmp0, $4  }
0x57: {  	s21 =	sadd.s32 $0xC, s21;
	[sflag:s7] =	ssyncadd.s32 $0xFFFFCE00  }
0x58: {  	[hbm4b:s21+s16] =	stream.strided.scatter [tilespmem:s14], [sflag:$0x2], $0x3200, s17, s16, $0x38;
	[tilespmem:$0xCE40] =	vst v63  }
0x59: {  	_ =	swait.ge [sflag:s7], $0x3200  }
0x5a: {  	[sflag:s7] =	ssyncset.done $0x0  }
0x5b: {  	s18 =	sadd.s32 $0x1, s18  }
0x5c: {  	p0 =	sne.s32 s18, s4  }
.Ltmp1:
0x5d: {  	_ = 	snop;
	(pc) =	sbr.rel @p0 .LBB2_1-.Ltmp1, $2  }
0x5e: {  	_ =	sdelay $0x2  }
0x5f: {  	[sflag:s7] =	ssyncadd.s32 $0xFFFFCE00  }
0x60: {  	_ =	sfence.sel $0x180000  }
0x61: {  	[bflag:$0x0] =	sbarrier.arrive $0xFFFF  }
0x62: {  	p0 =	sne.s32 s1, $0x0;
	_ =	strace $0x90000050  }
0x63: {  	s0 =	sadd.s32 @!p0 $0x100000, s0;
	[bflag:$0x2] =	sbarrier.arrive $0xFFFF  }
0x64: {  	[sflag:s0] =	ssyncadd.tile.s32 @!p0 $0x1;
	_ =	shalt  }
.Lfunc_end2:
_tile_overlayer_lowered:
.L_overlay_start_2:
0x65: {  	(tag) =	ssettag $0x2  }
0x66: {  	s0 =	rddreg [dreg:$0x0];
	s2 =	stileid.u32  }
0x67: {  	s1 =	rddreg [dreg:$0x1];
	p0 =	sne.s32 s2, $0x0  }
0x68: {  	s3 =	rddreg [dreg:$0x2];
	[bflag:$0x3] =	sbarrier.arrive $0xFFFF;
	s2 =	simm.s32 @!p0 $0x1C02  }
0x69: {  	[timem:s3], [sflag:s2] =	dma.local @!p0 [hbm:s0], s1  }
0x6a: {  	s0 =	simm.s32 @!p0 $0x2  }
0x6b: {  	_ =	swait.ge @!p0 [sflag:s0], s1  }
0x6c: {  	s1 =	ssub.s32 @!p0 $0x0, s1;
	[sflag:s0] =	ssyncset.done @!p0 $0x0  }
0x6d: {  	[sflag:s0] =	ssyncadd.s32 @!p0 s1  }
0x6e: {  	[bflag:$0x3] =	sbarrier.arrive $0xFFFF  }
0x6f: {  	_ =	shalt  }

</sc_bundles>
